<compile_context>
chip_gen: v7x
topology: tpu7x:2x2x1
jax: 0.10.2.dev20260603
libtpu: 0.0.44.dev20260713+nightly
codegen_flags: <defaults>
</compile_context>

<pallas_src>
import jax
import jax.numpy as jnp
from jax import lax
from jax.experimental import pallas as pl
from jax.experimental.pallas import tpu as pltpu
from jax.experimental.pallas import tpu_sc as plsc

_H = 640
_B = 16
_NPIX = _H * _H
_WROW = _H // 8
_TROW = _WROW
_PWORDS = _H * _TROW
_HROWS = _H // 2
_NSLABS = _HROWS // 8
_NW = 32


def _tile_body(dist_h, gdist_h, gi_h, tm_h, gk_h, out_h,
               tbl,
               a_d0, a_d1, a_g0, a_g1, a_gi, a_tm,
               c_d0, c_d1, c_g0, c_g1, c_gi, c_tm,
               res, pk_hbm, semA, semB):
    wid = lax.axis_index("c") * 16 + lax.axis_index("s")
    b = wid // 2
    half = wid % 2
    r0 = half * _HROWS
    lanes = lax.iota(jnp.int32, 16)
    tb0 = half * (_PWORDS // 2)
    bufsA = (a_d0, a_d1, a_g0, a_g1, a_gi, a_tm)
    bufsB = (c_d0, c_d1, c_g0, c_g1, c_gi, c_tm)

    def gk_issue(sl, buf, sem):
        pltpu.async_copy(gk_h.at[b, pl.ds(r0 + sl * 8, 8), :], buf, sem)

    def gk_drain(sl, buf, sem):
        pltpu.make_async_copy(gk_h.at[b, pl.ds(r0 + sl * 8, 8), :], buf,
                              sem).wait()

    def pack_slab(sl, buf):
        @plsc.parallel_loop(0, 8)
        def pack_row(rr):
            for t in range(_WROW // 16):
                c0 = t * 16
                w = buf[rr, pl.ds(c0, 16)]
                for j in range(1, 8):
                    w = w | (buf[rr, pl.ds(j * _WROW + c0, 16)] << (4 * j))
                tbl[pl.ds(tb0 + (sl * 8 + rr) * _TROW + c0, 16)] = w

    gk_issue(0, a_gi, semA)

    def pack_pair(k, _):
        sl0 = 2 * k
        gk_issue(sl0 + 1, c_gi, semB)
        gk_drain(sl0, a_gi, semA)
        pack_slab(sl0, a_gi)
        gk_issue(lax.rem(sl0 + 2, _NSLABS), a_gi, semA)
        gk_drain(sl0 + 1, c_gi, semB)
        pack_slab(sl0 + 1, c_gi)
        return 0

    lax.fori_loop(0, _NSLABS // 2, pack_pair, 0)
    gk_drain(0, a_gi, semA)

    def slab_srcs(sl):
        rbase = r0 + sl * 8
        return (dist_h.at[b, 0, pl.ds(rbase, 8), :],
                dist_h.at[b, 1, pl.ds(rbase, 8), :],
                gdist_h.at[b, 0, pl.ds(rbase, 8), :],
                gdist_h.at[b, 1, pl.ds(rbase, 8), :],
                gi_h.at[b, pl.ds(rbase, 8), :],
                tm_h.at[b, pl.ds(rbase, 8), :])

    def issue(sl, bufs, sem):
        for src, dst in zip(slab_srcs(sl), bufs):
            pltpu.async_copy(src, dst, sem)

    def drain(sl, bufs, sem):
        for src, dst in zip(slab_srcs(sl), bufs):
            pltpu.make_async_copy(src, dst, sem).wait()

    def compute(sl, bufs, accs):
        d0b, d1b, g0b, g1b, gib, tmb = bufs
        rbase = r0 + sl * 8

        def row_body(rr, accs2):
            y_f = jnp.full((16,), rbase + rr, jnp.int32).astype(jnp.float32)

            @plsc.parallel_loop(0, _H // 16, unroll=8, carry=accs2)
            def vec_body(t, accs3):
                al, am, at_ = accs3
                c0 = t * 16
                c_f = (c0 + lanes).astype(jnp.float32)
                d0v = d0b[rr, pl.ds(c0, 16)]
                d1v = d1b[rr, pl.ds(c0, 16)]
                offx = jnp.clip((c_f + 10.0 * d0v).astype(jnp.int32),
                                0, _H - 1)
                offy = jnp.clip((y_f + 10.0 * d1v).astype(jnp.int32),
                                0, _H - 1)
                nib = offx // _WROW
                wx = offx - nib * _WROW
                word = plsc.load_gather(tbl, [offy * _TROW + wx])
                val = lax.shift_right_logical(word, nib * 4) & 0xF
                giv = gib[rr, pl.ds(c0, 16)]
                tmv = tmb[rr, pl.ds(c0, 16)]
                tmf = tmv.astype(jnp.float32)
                m = jnp.where(giv != val, tmf, 0.0)
                g0v = g0b[rr, pl.ds(c0, 16)]
                g1v = g1b[rr, pl.ds(c0, 16)]
                diff0 = jnp.abs(d0v - g0v) * m
                diff1 = jnp.abs(d1v - g1v) * m
                m10 = jnp.minimum(diff0, 1.0)
                m11 = jnp.minimum(diff1, 1.0)
                l0 = m10 * (diff0 - 0.5 * m10)
                l1 = m11 * (diff1 - 0.5 * m11)
                return (al + (l0 + l1), am + m, at_ + tmf)

            return vec_body

        return lax.fori_loop(0, 8, row_body, accs)

    issue(0, bufsA, semA)
    pltpu.sync_copy(tbl.at[pl.ds(tb0, _PWORDS // 2)],
                    pk_hbm.at[pl.ds(b * _PWORDS + tb0, _PWORDS // 2)])
    plsc.subcore_barrier()
    ob0 = (1 - half) * (_PWORDS // 2)
    pltpu.sync_copy(pk_hbm.at[pl.ds(b * _PWORDS + ob0, _PWORDS // 2)],
                    tbl.at[pl.ds(ob0, _PWORDS // 2)])

    def pair_body(k, accs):
        sl0 = 2 * k
        issue(sl0 + 1, bufsB, semB)
        drain(sl0, bufsA, semA)
        accs = compute(sl0, bufsA, accs)
        issue(lax.rem(sl0 + 2, _NSLABS), bufsA, semA)
        drain(sl0 + 1, bufsB, semB)
        return compute(sl0 + 1, bufsB, accs)

    zero = jnp.zeros((16,), jnp.float32)
    a_loss, a_msk, a_tm = lax.fori_loop(0, _NSLABS // 2, pair_body,
                                        (zero, zero, zero))
    drain(0, bufsA, semA)
    res[pl.ds(0, 16)] = a_loss
    res[pl.ds(16, 16)] = a_msk
    res[pl.ds(32, 16)] = a_tm
    pltpu.sync_copy(res, out_h.at[pl.ds(wid * 48, 48)])


@jax.jit
def kernel(distances, gt_instances, gt_kernel_instances, training_masks, gt_distances):
    eps = 1e-6
    mesh = plsc.VectorSubcoreMesh(core_axis_name="c", subcore_axis_name="s")
    dense = [pltpu.VMEM((8, _H), jnp.float32)] * 4 + [pltpu.VMEM((8, _H), jnp.int32)] * 2
    run = pl.kernel(
        _tile_body,
        out_type=jax.ShapeDtypeStruct((_NW * 48,), jnp.float32),
        mesh=mesh,
        compiler_params=pltpu.CompilerParams(
            needs_layout_passes=False, use_tc_tiling_on_sc=True),
        scratch_types=(
            [pltpu.VMEM((_PWORDS,), jnp.int32)]
            + dense + dense
            + [pltpu.VMEM((48,), jnp.float32),
               pltpu.HBM((_B * _PWORDS,), jnp.int32),
               pltpu.SemaphoreType.DMA,
               pltpu.SemaphoreType.DMA]
        ),
    )
    out = run(distances, gt_distances, gt_instances, training_masks,
              gt_kernel_instances)
    sums = out.reshape(_B, 2, 3, 16).sum(axis=(1, 3))
    loss_sum, mask_sum, tm_sum = sums[:, 0], sums[:, 1], sums[:, 2]
    loss = jnp.mean(loss_sum / (mask_sum + eps))
    iou_text = (tm_sum - mask_sum) / (tm_sum + eps)
    return loss, iou_text

# --- scband reference (transcript-rebuilt; emitter-appended) ---
"""Pipeline reference for scband-smooth-l1-loss-61314953118267 (READ-ONLY COPY).

The authoritative reference and input builder live on the scoring server;
editing this copy changes nothing except your own understanding.
"""

import jax, jax.numpy as jnp
import numpy as np

_H = 640

def _make_coord():
    jj, ii = np.meshgrid(np.arange(_H), np.arange(_H))
    np_coord = np.stack([jj, ii], axis=-1).reshape(-1, 2).astype(np.int32)
    return jnp.asarray(np_coord)


def setup_inputs(seed: int = 0) -> dict:
    key = jax.random.key(seed)
    k1, k2, k3, k4, k5 = jax.random.split(key, 5)
    B = 16
    return {
        "distances": jax.random.normal(k1, (B, 2, _H, _H), dtype=jnp.float32),
        "gt_instances": jax.random.randint(k2, (B, _H, _H), 0, 10, dtype=jnp.int32),
        "gt_kernel_instances": jax.random.randint(k3, (B, _H, _H), 0, 10, dtype=jnp.int32),
        "training_masks": jax.random.randint(k4, (B, _H, _H), 0, 2, dtype=jnp.int32),
        "gt_distances": jax.random.normal(k5, (B, 2, _H, _H), dtype=jnp.float32),
    }


def reference(distances, gt_instances, gt_kernel_instances, training_masks, gt_distances):
    beta = 1.0
    loss_weight = 1.0
    eps = 1e-06
    coord = _make_coord()

    def select_single(distance, gt_instance, gt_kernel_instance, training_mask):
        # gather distance values at every pixel (2, N)
        sel_d = distance[:, coord[:, 1], coord[:, 0]]
        off_points = coord.astype(jnp.float32) + 10.0 * sel_d.T
        # torch .long() truncates toward zero; jnp float->int cast matches
        off_points = off_points.astype(jnp.int32)
        off_points = jnp.clip(off_points, 0, distance.shape[-1] - 1)
        selected_mask = gt_instance[coord[:, 1], coord[:, 0]] != gt_kernel_instance[off_points[:, 1], off_points[:, 0]]
        selected_mask = selected_mask.reshape(-1, distance.shape[-1]).astype(jnp.int32)
        return selected_mask * training_mask

    selected_training_masks = jax.vmap(select_single)(
        distances, gt_instances, gt_kernel_instances, training_masks
    ).astype(jnp.float32)

    # forward_single (smooth L1)
    diff = jnp.abs(distances - gt_distances) * selected_training_masks[:, None]
    loss = jnp.where(diff < beta, 0.5 * diff * diff / beta, diff - 0.5 * beta)
    batch_size = distances.shape[0]
    loss = loss.reshape(batch_size, -1).astype(jnp.float32).sum(axis=-1)
    mask_f = selected_training_masks.reshape(batch_size, -1)
    loss = loss / (mask_f.sum(axis=-1) + eps)
    loss = loss_weight * loss

    false_num = selected_training_masks.reshape(batch_size, -1).sum(axis=-1)
    total_num = training_masks.reshape(batch_size, -1).astype(jnp.float32).sum(axis=-1)
    iou_text = (total_num - false_num) / (total_num + eps)

    loss = jnp.mean(loss)
    return loss, iou_text

if __name__ == "__main__":
    import jax
    _d = setup_inputs()
    print(jax.jit(kernel)(*tuple(_d.values())))

</pallas_src>

<mosaic_0001>
#map = affine_map<(d0, d1) -> (0, 0, 0, 0)>
#map1 = affine_map<(d0, d1) -> (0, 0, 0)>
#map2 = affine_map<(d0, d1) -> (0)>
module attributes {stable_mosaic.version = 14 : i64} {
  func.func @_tile_body(%arg0: i32, %arg1: i32, %arg2: memref<16x2x640x640xf32, #tpu.memory_space<hbm>>, %arg3: memref<16x2x640x640xf32, #tpu.memory_space<hbm>>, %arg4: memref<16x640x640xi32, #tpu.memory_space<hbm>>, %arg5: memref<16x640x640xi32, #tpu.memory_space<hbm>>, %arg6: memref<16x640x640xi32, #tpu.memory_space<hbm>>, %arg7: memref<1536xf32, #tpu.memory_space<hbm>>, %arg8: memref<51200xi32, #tpu.memory_space<vmem>>, %arg9: memref<8x640xf32, #tpu.memory_space<vmem>>, %arg10: memref<8x640xf32, #tpu.memory_space<vmem>>, %arg11: memref<8x640xf32, #tpu.memory_space<vmem>>, %arg12: memref<8x640xf32, #tpu.memory_space<vmem>>, %arg13: memref<8x640xi32, #tpu.memory_space<vmem>>, %arg14: memref<8x640xi32, #tpu.memory_space<vmem>>, %arg15: memref<8x640xf32, #tpu.memory_space<vmem>>, %arg16: memref<8x640xf32, #tpu.memory_space<vmem>>, %arg17: memref<8x640xf32, #tpu.memory_space<vmem>>, %arg18: memref<8x640xf32, #tpu.memory_space<vmem>>, %arg19: memref<8x640xi32, #tpu.memory_space<vmem>>, %arg20: memref<8x640xi32, #tpu.memory_space<vmem>>, %arg21: memref<48xf32, #tpu.memory_space<vmem>>, %arg22: memref<819200xi32, #tpu.memory_space<hbm>>, %arg23: memref<!tpu.dma_semaphore, #tpu.memory_space<semaphore_mem>>, %arg24: memref<!tpu.dma_semaphore, #tpu.memory_space<semaphore_mem>>) attributes {dimension_semantics = [#tpu.dimension_semantics<core_parallel>, #tpu.dimension_semantics<subcore_parallel>], iteration_bounds = array<i64: 2, 16>, scalar_prefetch = 0 : i64, scratch_operands = 17 : i64, tpu.core_type = #tpu.core_type<sc_vector_subcore>, window_params = [{transform_indices = #map}, {transform_indices = #map}, {transform_indices = #map1}, {transform_indices = #map1}, {transform_indices = #map1}, {transform_indices = #map2}]} {
    %mul3A = arith.constant 16 : i32
    %mul3A_0 = arith.muli %arg0, %mul3A : i32
    %add3A = arith.addi %mul3A_0, %arg1 : i32
    %jit3A = arith.constant 2 : i32
    %div3A = arith.divsi %add3A, %jit3A : i32
    %sign3A = arith.constant 0 : i32
    %sign3A_1 = arith.cmpi sgt, %add3A, %sign3A : i32
    %sign3A_2 = arith.extui %sign3A_1 : i1 to i32
    %sign3A_3 = arith.constant 0 : i32
    %sign3A_4 = arith.cmpi slt, %add3A, %sign3A_3 : i32
    %sign3A_5 = arith.extui %sign3A_4 : i1 to i32
    %sign3A_6 = arith.subi %sign3A_2, %sign3A_5 : i32
    %sign3A_7 = arith.constant 0 : i32
    %sign3A_8 = arith.cmpi sgt, %jit3A, %sign3A_7 : i32
    %sign3A_9 = arith.extui %sign3A_8 : i1 to i32
    %sign3A_10 = arith.constant 0 : i32
    %sign3A_11 = arith.cmpi slt, %jit3A, %sign3A_10 : i32
    %sign3A_12 = arith.extui %sign3A_11 : i1 to i32
    %sign3A_13 = arith.subi %sign3A_9, %sign3A_12 : i32
    %ne3A = arith.cmpi ne, %sign3A_6, %sign3A_13 : i32
    %rem3A = arith.remsi %add3A, %jit3A : i32
    %ne3A_14 = arith.constant 0 : i32
    %ne3A_15 = arith.cmpi ne, %rem3A, %ne3A_14 : i32
    %and3A = arith.andi %ne3A, %ne3A_15 : i1
    %sub3A = arith.constant 1 : i32
    %sub3A_16 = arith.subi %div3A, %sub3A : i32
    %select_n3A = arith.select %and3A, %sub3A_16, %div3A : i32
    %jit3A_17 = arith.constant 2 : i32
    %eq3A = arith.constant 0 : i32
    %eq3A_18 = arith.cmpi eq, %jit3A_17, %eq3A : i32
    %jit3A_19 = arith.constant 1 : i32
    %select_n3A_20 = arith.select %eq3A_18, %jit3A_19, %jit3A_17 : i32
    %rem3A_21 = arith.remsi %add3A, %select_n3A_20 : i32
    %ne3A_22 = arith.constant 0 : i32
    %ne3A_23 = arith.cmpi ne, %rem3A_21, %ne3A_22 : i32
    %lt3A = arith.constant 0 : i32
    %lt3A_24 = arith.cmpi slt, %rem3A_21, %lt3A : i32
    %lt3A_25 = arith.constant 0 : i32
    %lt3A_26 = arith.cmpi slt, %select_n3A_20, %lt3A_25 : i32
    %ne3A_27 = arith.xori %lt3A_24, %lt3A_26 : i1
    %and3A_28 = arith.andi %ne3A_27, %ne3A_23 : i1
    %add3A_29 = arith.addi %rem3A_21, %select_n3A_20 : i32
    %select_n3A_30 = arith.select %and3A_28, %add3A_29, %rem3A_21 : i32
    %mul3A_31 = arith.constant 320 : i32
    %mul3A_32 = arith.muli %select_n3A_30, %mul3A_31 : i32
    %iota3A = tpu.iota {dimensions = array<i32: 0>} : vector<16xi32>
    %mul3A_33 = arith.constant 25600 : i32
    %mul3A_34 = arith.muli %select_n3A_30, %mul3A_33 : i32
    %add3A_35 = arith.constant 0 : i32
    %add3A_36 = arith.addi %mul3A_32, %add3A_35 : i32
    %dma_start3A = arith.constant 0 : i32
    %dma_start3A_37 = tpu.memref_slice %arg6[%select_n3A, %add3A_36, %dma_start3A] : memref<16x640x640xi32, #tpu.memory_space<hbm>> -> memref<1x8x640xi32, #tpu.memory_space<hbm>>
    %dma_start3A_38 = tpu.memref_squeeze %dma_start3A_37 : memref<1x8x640xi32, #tpu.memory_space<hbm>> -> memref<8x640xi32, #tpu.memory_space<hbm>>
    %dma_start3A_39 = arith.constant 0 : i32
    %dma_start3A_40 = tpu.memref_slice %arg6[%select_n3A, %add3A_36, %dma_start3A_39] : memref<16x640x640xi32, #tpu.memory_space<hbm>> -> memref<1x8x640xi32, #tpu.memory_space<hbm>>
    %dma_start3A_41 = tpu.memref_squeeze %dma_start3A_40 : memref<1x8x640xi32, #tpu.memory_space<hbm>> -> memref<8x640xi32, #tpu.memory_space<hbm>>
    tpu.enqueue_dma source(%dma_start3A_41 : memref<8x640xi32, #tpu.memory_space<hbm>>) target(%arg13 : memref<8x640xi32, #tpu.memory_space<vmem>>) target_semaphore(%arg23 : memref<!tpu.dma_semaphore, #tpu.memory_space<semaphore_mem>>)
    %scan3A = arith.constant 0 : i32
    %scan3A_42 = arith.constant 0 : i32
    %scan3A_43 = arith.constant 20 : i32
    %scan3A_44 = arith.addi %scan3A_42, %scan3A_43 : i32
    %scan3A_45 = arith.constant 1 : i32
    %scan3A_46 = scf.for %scan3A_163 = %scan3A_42 to %scan3A_44 step %scan3A_45 iter_args(%scan3A_164 = %scan3A) -> (i32)  : i32 {
      %mul3A_165 = arith.constant 2 : i32
      %mul3A_166 = arith.muli %mul3A_165, %scan3A_163 : i32
      %add3A_167 = arith.constant 1 : i32
      %add3A_168 = arith.addi %mul3A_166, %add3A_167 : i32
      %mul3A_169 = arith.constant 8 : i32
      %mul3A_170 = arith.muli %add3A_168, %mul3A_169 : i32
      %add3A_171 = arith.addi %mul3A_32, %mul3A_170 : i32
      %dma_start3A_172 = arith.constant 0 : i32
      %dma_start3A_173 = tpu.memref_slice %arg6[%select_n3A, %add3A_171, %dma_start3A_172] : memref<16x640x640xi32, #tpu.memory_space<hbm>> -> memref<1x8x640xi32, #tpu.memory_space<hbm>>
      %dma_start3A_174 = tpu.memref_squeeze %dma_start3A_173 : memref<1x8x640xi32, #tpu.memory_space<hbm>> -> memref<8x640xi32, #tpu.memory_space<hbm>>
      %dma_start3A_175 = arith.constant 0 : i32
      %dma_start3A_176 = tpu.memref_slice %arg6[%select_n3A, %add3A_171, %dma_start3A_175] : memref<16x640x640xi32, #tpu.memory_space<hbm>> -> memref<1x8x640xi32, #tpu.memory_space<hbm>>
      %dma_start3A_177 = tpu.memref_squeeze %dma_start3A_176 : memref<1x8x640xi32, #tpu.memory_space<hbm>> -> memref<8x640xi32, #tpu.memory_space<hbm>>
      tpu.enqueue_dma source(%dma_start3A_177 : memref<8x640xi32, #tpu.memory_space<hbm>>) target(%arg19 : memref<8x640xi32, #tpu.memory_space<vmem>>) target_semaphore(%arg24 : memref<!tpu.dma_semaphore, #tpu.memory_space<semaphore_mem>>)
      %mul3A_178 = arith.constant 8 : i32
      %mul3A_179 = arith.muli %mul3A_166, %mul3A_178 : i32
      %add3A_180 = arith.addi %mul3A_32, %mul3A_179 : i32
      %dma_wait3A_181 = arith.constant 0 : i32
      %dma_wait3A_182 = tpu.memref_slice %arg6[%select_n3A, %add3A_180, %dma_wait3A_181] : memref<16x640x640xi32, #tpu.memory_space<hbm>> -> memref<1x8x640xi32, #tpu.memory_space<hbm>>
      %dma_wait3A_183 = tpu.memref_squeeze %dma_wait3A_182 : memref<1x8x640xi32, #tpu.memory_space<hbm>> -> memref<8x640xi32, #tpu.memory_space<hbm>>
      %dma_wait3A_184 = arith.constant 0 : i32
      %dma_wait3A_185 = tpu.memref_slice %arg6[%select_n3A, %add3A_180, %dma_wait3A_184] : memref<16x640x640xi32, #tpu.memory_space<hbm>> -> memref<1x8x640xi32, #tpu.memory_space<hbm>>
      %dma_wait3A_186 = tpu.memref_squeeze %dma_wait3A_185 : memref<1x8x640xi32, #tpu.memory_space<hbm>> -> memref<8x640xi32, #tpu.memory_space<hbm>>
      tpu.wait_dma2 semaphore(%arg23 : memref<!tpu.dma_semaphore, #tpu.memory_space<semaphore_mem>>) src(%dma_wait3A_186 : memref<8x640xi32, #tpu.memory_space<hbm>>) dst(%arg13 : memref<8x640xi32, #tpu.memory_space<vmem>>)
      %parallel_loop3A = arith.constant 0 : i32
      %parallel_loop3A_187 = arith.constant 8 : i32
      %parallel_loop3A_188 = arith.constant 1 : i32
      scf.for %parallel_loop3A_219 = %parallel_loop3A to %parallel_loop3A_187 step %parallel_loop3A_188  : i32 {
        %parallel_loop3A_220 = arith.index_cast %parallel_loop3A_219 : i32 to index
        %parallel_loop3A_221 = arith.constant 0 : index
        %parallel_loop3A_222 = tpu.vector_load %arg13[%parallel_loop3A_220, %parallel_loop3A_221] {strides = array<i32>} : memref<8x640xi32, #tpu.memory_space<vmem>>, vector<16xi32>,
        %parallel_loop3A_223 = arith.index_cast %parallel_loop3A_219 : i32 to index
        %parallel_loop3A_224 = arith.constant 80 : index
        %parallel_loop3A_225 = tpu.vector_load %arg13[%parallel_loop3A_223, %parallel_loop3A_224] {strides = array<i32>} : memref<8x640xi32, #tpu.memory_space<vmem>>, vector<16xi32>,
        %parallel_loop3A_226 = arith.constant 4 : i32
        %parallel_loop3A_227 = vector.broadcast %parallel_loop3A_226 : i32 to vector<16xi32>
        %parallel_loop3A_228 = arith.shli %parallel_loop3A_225, %parallel_loop3A_227 : vector<16xi32>
        %parallel_loop3A_229 = arith.ori %parallel_loop3A_222, %parallel_loop3A_228 : vector<16xi32>
        %parallel_loop3A_230 = arith.index_cast %parallel_loop3A_219 : i32 to index
        %parallel_loop3A_231 = arith.constant 160 : index
        %parallel_loop3A_232 = tpu.vector_load %arg13[%parallel_loop3A_230, %parallel_loop3A_231] {strides = array<i32>} : memref<8x640xi32, #tpu.memory_space<vmem>>, vector<16xi32>,
        %parallel_loop3A_233 = arith.constant 8 : i32
        %parallel_loop3A_234 = vector.broadcast %parallel_loop3A_233 : i32 to vector<16xi32>
        %parallel_loop3A_235 = arith.shli %parallel_loop3A_232, %parallel_loop3A_234 : vector<16xi32>
        %parallel_loop3A_236 = arith.ori %parallel_loop3A_229, %parallel_loop3A_235 : vector<16xi32>
        %parallel_loop3A_237 = arith.index_cast %parallel_loop3A_219 : i32 to index
        %parallel_loop3A_238 = arith.constant 240 : index
        %parallel_loop3A_239 = tpu.vector_load %arg13[%parallel_loop3A_237, %parallel_loop3A_238] {strides = array<i32>} : memref<8x640xi32, #tpu.memory_space<vmem>>, vector<16xi32>,
        %parallel_loop3A_240 = arith.constant 12 : i32
        %parallel_loop3A_241 = vector.broadcast %parallel_loop3A_240 : i32 to vector<16xi32>
        %parallel_loop3A_242 = arith.shli %parallel_loop3A_239, %parallel_loop3A_241 : vector<16xi32>
        %parallel_loop3A_243 = arith.ori %parallel_loop3A_236, %parallel_loop3A_242 : vector<16xi32>
        %parallel_loop3A_244 = arith.index_cast %parallel_loop3A_219 : i32 to index
        %parallel_loop3A_245 = arith.constant 320 : index
        %parallel_loop3A_246 = tpu.vector_load %arg13[%parallel_loop3A_244, %parallel_loop3A_245] {strides = array<i32>} : memref<8x640xi32, #tpu.memory_space<vmem>>, vector<16xi32>,
        %parallel_loop3A_247 = arith.constant 16 : i32
        %parallel_loop3A_248 = vector.broadcast %parallel_loop3A_247 : i32 to vector<16xi32>
        %parallel_loop3A_249 = arith.shli %parallel_loop3A_246, %parallel_loop3A_248 : vector<16xi32>
        %parallel_loop3A_250 = arith.ori %parallel_loop3A_243, %parallel_loop3A_249 : vector<16xi32>
        %parallel_loop3A_251 = arith.index_cast %parallel_loop3A_219 : i32 to index
        %parallel_loop3A_252 = arith.constant 400 : index
        %parallel_loop3A_253 = tpu.vector_load %arg13[%parallel_loop3A_251, %parallel_loop3A_252] {strides = array<i32>} : memref<8x640xi32, #tpu.memory_space<vmem>>, vector<16xi32>,
        %parallel_loop3A_254 = arith.constant 20 : i32
        %parallel_loop3A_255 = vector.broadcast %parallel_loop3A_254 : i32 to vector<16xi32>
        %parallel_loop3A_256 = arith.shli %parallel_loop3A_253, %parallel_loop3A_255 : vector<16xi32>
        %parallel_loop3A_257 = arith.ori %parallel_loop3A_250, %parallel_loop3A_256 : vector<16xi32>
        %parallel_loop3A_258 = arith.index_cast %parallel_loop3A_219 : i32 to index
        %parallel_loop3A_259 = arith.constant 480 : index
        %parallel_loop3A_260 = tpu.vector_load %arg13[%parallel_loop3A_258, %parallel_loop3A_259] {strides = array<i32>} : memref<8x640xi32, #tpu.memory_space<vmem>>, vector<16xi32>,
        %parallel_loop3A_261 = arith.constant 24 : i32
        %parallel_loop3A_262 = vector.broadcast %parallel_loop3A_261 : i32 to vector<16xi32>
        %parallel_loop3A_263 = arith.shli %parallel_loop3A_260, %parallel_loop3A_262 : vector<16xi32>
        %parallel_loop3A_264 = arith.ori %parallel_loop3A_257, %parallel_loop3A_263 : vector<16xi32>
        %parallel_loop3A_265 = arith.index_cast %parallel_loop3A_219 : i32 to index
        %parallel_loop3A_266 = arith.constant 560 : index
        %parallel_loop3A_267 = tpu.vector_load %arg13[%parallel_loop3A_265, %parallel_loop3A_266] {strides = array<i32>} : memref<8x640xi32, #tpu.memory_space<vmem>>, vector<16xi32>,
        %parallel_loop3A_268 = arith.constant 28 : i32
        %parallel_loop3A_269 = vector.broadcast %parallel_loop3A_268 : i32 to vector<16xi32>
        %parallel_loop3A_270 = arith.shli %parallel_loop3A_267, %parallel_loop3A_269 : vector<16xi32>
        %parallel_loop3A_271 = arith.ori %parallel_loop3A_264, %parallel_loop3A_270 : vector<16xi32>
        %parallel_loop3A_272 = arith.constant 8 : i32
        %parallel_loop3A_273 = arith.muli %mul3A_166, %parallel_loop3A_272 : i32
        %parallel_loop3A_274 = arith.addi %parallel_loop3A_273, %parallel_loop3A_219 : i32
        %parallel_loop3A_275 = arith.constant 80 : i32
        %parallel_loop3A_276 = arith.muli %parallel_loop3A_274, %parallel_loop3A_275 : i32
        %parallel_loop3A_277 = arith.addi %mul3A_34, %parallel_loop3A_276 : i32
        %parallel_loop3A_278 = arith.constant 0 : i32
        %parallel_loop3A_279 = arith.addi %parallel_loop3A_277, %parallel_loop3A_278 : i32
        %parallel_loop3A_280 = arith.index_cast %parallel_loop3A_279 : i32 to index
        %parallel_loop3A_281 = tpu.vector_load %arg8[%parallel_loop3A_280] {strides = array<i32>} : memref<51200xi32, #tpu.memory_space<vmem>>, vector<16xi32>,
        tpu.vector_store %arg8[%parallel_loop3A_280], %parallel_loop3A_271 {strides = array<i32>} : memref<51200xi32, #tpu.memory_space<vmem>>, vector<16xi32>,
        %parallel_loop3A_282 = arith.index_cast %parallel_loop3A_219 : i32 to index
        %parallel_loop3A_283 = arith.constant 16 : index
        %parallel_loop3A_284 = tpu.vector_load %arg13[%parallel_loop3A_282, %parallel_loop3A_283] {strides = array<i32>} : memref<8x640xi32, #tpu.memory_space<vmem>>, vector<16xi32>,
        %parallel_loop3A_285 = arith.index_cast %parallel_loop3A_219 : i32 to index
        %parallel_loop3A_286 = arith.constant 96 : index
        %parallel_loop3A_287 = tpu.vector_load %arg13[%parallel_loop3A_285, %parallel_loop3A_286] {strides = array<i32>} : memref<8x640xi32, #tpu.memory_space<vmem>>, vector<16xi32>,
        %parallel_loop3A_288 = arith.constant 4 : i32
        %parallel_loop3A_289 = vector.broadcast %parallel_loop3A_288 : i32 to vector<16xi32>
        %parallel_loop3A_290 = arith.shli %parallel_loop3A_287, %parallel_loop3A_289 : vector<16xi32>
        %parallel_loop3A_291 = arith.ori %parallel_loop3A_284, %parallel_loop3A_290 : vector<16xi32>
        %parallel_loop3A_292 = arith.index_cast %parallel_loop3A_219 : i32 to index
        %parallel_loop3A_293 = arith.constant 176 : index
        %parallel_loop3A_294 = tpu.vector_load %arg13[%parallel_loop3A_292, %parallel_loop3A_293] {strides = array<i32>} : memref<8x640xi32, #tpu.memory_space<vmem>>, vector<16xi32>,
        %parallel_loop3A_295 = arith.constant 8 : i32
        %parallel_loop3A_296 = vector.broadcast %parallel_loop3A_295 : i32 to vector<16xi32>
        %parallel_loop3A_297 = arith.shli %parallel_loop3A_294, %parallel_loop3A_296 : vector<16xi32>
        %parallel_loop3A_298 = arith.ori %parallel_loop3A_291, %parallel_loop3A_297 : vector<16xi32>
        %parallel_loop3A_299 = arith.index_cast %parallel_loop3A_219 : i32 to index
        %parallel_loop3A_300 = arith.constant 256 : index
        %parallel_loop3A_301 = tpu.vector_load %arg13[%parallel_loop3A_299, %parallel_loop3A_300] {strides = array<i32>} : memref<8x640xi32, #tpu.memory_space<vmem>>, vector<16xi32>,
        %parallel_loop3A_302 = arith.constant 12 : i32
        %parallel_loop3A_303 = vector.broadcast %parallel_loop3A_302 : i32 to vector<16xi32>
        %parallel_loop3A_304 = arith.shli %parallel_loop3A_301, %parallel_loop3A_303 : vector<16xi32>
        %parallel_loop3A_305 = arith.ori %parallel_loop3A_298, %parallel_loop3A_304 : vector<16xi32>
        %parallel_loop3A_306 = arith.index_cast %parallel_loop3A_219 : i32 to index
        %parallel_loop3A_307 = arith.constant 336 : index
        %parallel_loop3A_308 = tpu.vector_load %arg13[%parallel_loop3A_306, %parallel_loop3A_307] {strides = array<i32>} : memref<8x640xi32, #tpu.memory_space<vmem>>, vector<16xi32>,
        %parallel_loop3A_309 = arith.constant 16 : i32
        %parallel_loop3A_310 = vector.broadcast %parallel_loop3A_309 : i32 to vector<16xi32>
        %parallel_loop3A_311 = arith.shli %parallel_loop3A_308, %parallel_loop3A_310 : vector<16xi32>
        %parallel_loop3A_312 = arith.ori %parallel_loop3A_305, %parallel_loop3A_311 : vector<16xi32>
        %parallel_loop3A_313 = arith.index_cast %parallel_loop3A_219 : i32 to index
        %parallel_loop3A_314 = arith.constant 416 : index
        %parallel_loop3A_315 = tpu.vector_load %arg13[%parallel_loop3A_313, %parallel_loop3A_314] {strides = array<i32>} : memref<8x640xi32, #tpu.memory_space<vmem>>, vector<16xi32>,
        %parallel_loop3A_316 = arith.constant 20 : i32
        %parallel_loop3A_317 = vector.broadcast %parallel_loop3A_316 : i32 to vector<16xi32>
        %parallel_loop3A_318 = arith.shli %parallel_loop3A_315, %parallel_loop3A_317 : vector<16xi32>
        %parallel_loop3A_319 = arith.ori %parallel_loop3A_312, %parallel_loop3A_318 : vector<16xi32>
        %parallel_loop3A_320 = arith.index_cast %parallel_loop3A_219 : i32 to index
        %parallel_loop3A_321 = arith.constant 496 : index
        %parallel_loop3A_322 = tpu.vector_load %arg13[%parallel_loop3A_320, %parallel_loop3A_321] {strides = array<i32>} : memref<8x640xi32, #tpu.memory_space<vmem>>, vector<16xi32>,
        %parallel_loop3A_323 = arith.constant 24 : i32
        %parallel_loop3A_324 = vector.broadcast %parallel_loop3A_323 : i32 to vector<16xi32>
        %parallel_loop3A_325 = arith.shli %parallel_loop3A_322, %parallel_loop3A_324 : vector<16xi32>
        %parallel_loop3A_326 = arith.ori %parallel_loop3A_319, %parallel_loop3A_325 : vector<16xi32>
        %parallel_loop3A_327 = arith.index_cast %parallel_loop3A_219 : i32 to index
        %parallel_loop3A_328 = arith.constant 576 : index
        %parallel_loop3A_329 = tpu.vector_load %arg13[%parallel_loop3A_327, %parallel_loop3A_328] {strides = array<i32>} : memref<8x640xi32, #tpu.memory_space<vmem>>, vector<16xi32>,
        %parallel_loop3A_330 = arith.constant 28 : i32
        %parallel_loop3A_331 = vector.broadcast %parallel_loop3A_330 : i32 to vector<16xi32>
        %parallel_loop3A_332 = arith.shli %parallel_loop3A_329, %parallel_loop3A_331 : vector<16xi32>
        %parallel_loop3A_333 = arith.ori %parallel_loop3A_326, %parallel_loop3A_332 : vector<16xi32>
        %parallel_loop3A_334 = arith.constant 8 : i32
        %parallel_loop3A_335 = arith.muli %mul3A_166, %parallel_loop3A_334 : i32
        %parallel_loop3A_336 = arith.addi %parallel_loop3A_335, %parallel_loop3A_219 : i32
        %parallel_loop3A_337 = arith.constant 80 : i32
        %parallel_loop3A_338 = arith.muli %parallel_loop3A_336, %parallel_loop3A_337 : i32
        %parallel_loop3A_339 = arith.addi %mul3A_34, %parallel_loop3A_338 : i32
        %parallel_loop3A_340 = arith.constant 16 : i32
        %parallel_loop3A_341 = arith.addi %parallel_loop3A_339, %parallel_loop3A_340 : i32
        %parallel_loop3A_342 = arith.index_cast %parallel_loop3A_341 : i32 to index
        %parallel_loop3A_343 = tpu.vector_load %arg8[%parallel_loop3A_342] {strides = array<i32>} : memref<51200xi32, #tpu.memory_space<vmem>>, vector<16xi32>,
        tpu.vector_store %arg8[%parallel_loop3A_342], %parallel_loop3A_333 {strides = array<i32>} : memref<51200xi32, #tpu.memory_space<vmem>>, vector<16xi32>,
        %parallel_loop3A_344 = arith.index_cast %parallel_loop3A_219 : i32 to index
        %parallel_loop3A_345 = arith.constant 32 : index
        %parallel_loop3A_346 = tpu.vector_load %arg13[%parallel_loop3A_344, %parallel_loop3A_345] {strides = array<i32>} : memref<8x640xi32, #tpu.memory_space<vmem>>, vector<16xi32>,
        %parallel_loop3A_347 = arith.index_cast %parallel_loop3A_219 : i32 to index
        %parallel_loop3A_348 = arith.constant 112 : index
        %parallel_loop3A_349 = tpu.vector_load %arg13[%parallel_loop3A_347, %parallel_loop3A_348] {strides = array<i32>} : memref<8x640xi32, #tpu.memory_space<vmem>>, vector<16xi32>,
        %parallel_loop3A_350 = arith.constant 4 : i32
        %parallel_loop3A_351 = vector.broadcast %parallel_loop3A_350 : i32 to vector<16xi32>
        %parallel_loop3A_352 = arith.shli %parallel_loop3A_349, %parallel_loop3A_351 : vector<16xi32>
        %parallel_loop3A_353 = arith.ori %parallel_loop3A_346, %parallel_loop3A_352 : vector<16xi32>
        %parallel_loop3A_354 = arith.index_cast %parallel_loop3A_219 : i32 to index
        %parallel_loop3A_355 = arith.constant 192 : index
        %parallel_loop3A_356 = tpu.vector_load %arg13[%parallel_loop3A_354, %parallel_loop3A_355] {strides = array<i32>} : memref<8x640xi32, #tpu.memory_space<vmem>>, vector<16xi32>,
        %parallel_loop3A_357 = arith.constant 8 : i32
        %parallel_loop3A_358 = vector.broadcast %parallel_loop3A_357 : i32 to vector<16xi32>
        %parallel_loop3A_359 = arith.shli %parallel_loop3A_356, %parallel_loop3A_358 : vector<16xi32>
        %parallel_loop3A_360 = arith.ori %parallel_loop3A_353, %parallel_loop3A_359 : vector<16xi32>
        %parallel_loop3A_361 = arith.index_cast %parallel_loop3A_219 : i32 to index
        %parallel_loop3A_362 = arith.constant 272 : index
        %parallel_loop3A_363 = tpu.vector_load %arg13[%parallel_loop3A_361, %parallel_loop3A_362] {strides = array<i32>} : memref<8x640xi32, #tpu.memory_space<vmem>>, vector<16xi32>,
        %parallel_loop3A_364 = arith.constant 12 : i32
        %parallel_loop3A_365 = vector.broadcast %parallel_loop3A_364 : i32 to vector<16xi32>
        %parallel_loop3A_366 = arith.shli %parallel_loop3A_363, %parallel_loop3A_365 : vector<16xi32>
        %parallel_loop3A_367 = arith.ori %parallel_loop3A_360, %parallel_loop3A_366 : vector<16xi32>
        %parallel_loop3A_368 = arith.index_cast %parallel_loop3A_219 : i32 to index
        %parallel_loop3A_369 = arith.constant 352 : index
        %parallel_loop3A_370 = tpu.vector_load %arg13[%parallel_loop3A_368, %parallel_loop3A_369] {strides = array<i32>} : memref<8x640xi32, #tpu.memory_space<vmem>>, vector<16xi32>,
        %parallel_loop3A_371 = arith.constant 16 : i32
        %parallel_loop3A_372 = vector.broadcast %parallel_loop3A_371 : i32 to vector<16xi32>
        %parallel_loop3A_373 = arith.shli %parallel_loop3A_370, %parallel_loop3A_372 : vector<16xi32>
        %parallel_loop3A_374 = arith.ori %parallel_loop3A_367, %parallel_loop3A_373 : vector<16xi32>
        %parallel_loop3A_375 = arith.index_cast %parallel_loop3A_219 : i32 to index
        %parallel_loop3A_376 = arith.constant 432 : index
        %parallel_loop3A_377 = tpu.vector_load %arg13[%parallel_loop3A_375, %parallel_loop3A_376] {strides = array<i32>} : memref<8x640xi32, #tpu.memory_space<vmem>>, vector<16xi32>,
        %parallel_loop3A_378 = arith.constant 20 : i32
        %parallel_loop3A_379 = vector.broadcast %parallel_loop3A_378 : i32 to vector<16xi32>
        %parallel_loop3A_380 = arith.shli %parallel_loop3A_377, %parallel_loop3A_379 : vector<16xi32>
        %parallel_loop3A_381 = arith.ori %parallel_loop3A_374, %parallel_loop3A_380 : vector<16xi32>
        %parallel_loop3A_382 = arith.index_cast %parallel_loop3A_219 : i32 to index
        %parallel_loop3A_383 = arith.constant 512 : index
        %parallel_loop3A_384 = tpu.vector_load %arg13[%parallel_loop3A_382, %parallel_loop3A_383] {strides = array<i32>} : memref<8x640xi32, #tpu.memory_space<vmem>>, vector<16xi32>,
        %parallel_loop3A_385 = arith.constant 24 : i32
        %parallel_loop3A_386 = vector.broadcast %parallel_loop3A_385 : i32 to vector<16xi32>
        %parallel_loop3A_387 = arith.shli %parallel_loop3A_384, %parallel_loop3A_386 : vector<16xi32>
        %parallel_loop3A_388 = arith.ori %parallel_loop3A_381, %parallel_loop3A_387 : vector<16xi32>
        %parallel_loop3A_389 = arith.index_cast %parallel_loop3A_219 : i32 to index
        %parallel_loop3A_390 = arith.constant 592 : index
        %parallel_loop3A_391 = tpu.vector_load %arg13[%parallel_loop3A_389, %parallel_loop3A_390] {strides = array<i32>} : memref<8x640xi32, #tpu.memory_space<vmem>>, vector<16xi32>,
        %parallel_loop3A_392 = arith.constant 28 : i32
        %parallel_loop3A_393 = vector.broadcast %parallel_loop3A_392 : i32 to vector<16xi32>
        %parallel_loop3A_394 = arith.shli %parallel_loop3A_391, %parallel_loop3A_393 : vector<16xi32>
        %parallel_loop3A_395 = arith.ori %parallel_loop3A_388, %parallel_loop3A_394 : vector<16xi32>
        %parallel_loop3A_396 = arith.constant 8 : i32
        %parallel_loop3A_397 = arith.muli %mul3A_166, %parallel_loop3A_396 : i32
        %parallel_loop3A_398 = arith.addi %parallel_loop3A_397, %parallel_loop3A_219 : i32
        %parallel_loop3A_399 = arith.constant 80 : i32
        %parallel_loop3A_400 = arith.muli %parallel_loop3A_398, %parallel_loop3A_399 : i32
        %parallel_loop3A_401 = arith.addi %mul3A_34, %parallel_loop3A_400 : i32
        %parallel_loop3A_402 = arith.constant 32 : i32
        %parallel_loop3A_403 = arith.addi %parallel_loop3A_401, %parallel_loop3A_402 : i32
        %parallel_loop3A_404 = arith.index_cast %parallel_loop3A_403 : i32 to index
        %parallel_loop3A_405 = tpu.vector_load %arg8[%parallel_loop3A_404] {strides = array<i32>} : memref<51200xi32, #tpu.memory_space<vmem>>, vector<16xi32>,
        tpu.vector_store %arg8[%parallel_loop3A_404], %parallel_loop3A_395 {strides = array<i32>} : memref<51200xi32, #tpu.memory_space<vmem>>, vector<16xi32>,
        %parallel_loop3A_406 = arith.index_cast %parallel_loop3A_219 : i32 to index
        %parallel_loop3A_407 = arith.constant 48 : index
        %parallel_loop3A_408 = tpu.vector_load %arg13[%parallel_loop3A_406, %parallel_loop3A_407] {strides = array<i32>} : memref<8x640xi32, #tpu.memory_space<vmem>>, vector<16xi32>,
        %parallel_loop3A_409 = arith.index_cast %parallel_loop3A_219 : i32 to index
        %parallel_loop3A_410 = arith.constant 128 : index
        %parallel_loop3A_411 = tpu.vector_load %arg13[%parallel_loop3A_409, %parallel_loop3A_410] {strides = array<i32>} : memref<8x640xi32, #tpu.memory_space<vmem>>, vector<16xi32>,
        %parallel_loop3A_412 = arith.constant 4 : i32
        %parallel_loop3A_413 = vector.broadcast %parallel_loop3A_412 : i32 to vector<16xi32>
        %parallel_loop3A_414 = arith.shli %parallel_loop3A_411, %parallel_loop3A_413 : vector<16xi32>
        %parallel_loop3A_415 = arith.ori %parallel_loop3A_408, %parallel_loop3A_414 : vector<16xi32>
        %parallel_loop3A_416 = arith.index_cast %parallel_loop3A_219 : i32 to index
        %parallel_loop3A_417 = arith.constant 208 : index
        %parallel_loop3A_418 = tpu.vector_load %arg13[%parallel_loop3A_416, %parallel_loop3A_417] {strides = array<i32>} : memref<8x640xi32, #tpu.memory_space<vmem>>, vector<16xi32>,
        %parallel_loop3A_419 = arith.constant 8 : i32
        %parallel_loop3A_420 = vector.broadcast %parallel_loop3A_419 : i32 to vector<16xi32>
        %parallel_loop3A_421 = arith.shli %parallel_loop3A_418, %parallel_loop3A_420 : vector<16xi32>
        %parallel_loop3A_422 = arith.ori %parallel_loop3A_415, %parallel_loop3A_421 : vector<16xi32>
        %parallel_loop3A_423 = arith.index_cast %parallel_loop3A_219 : i32 to index
        %parallel_loop3A_424 = arith.constant 288 : index
        %parallel_loop3A_425 = tpu.vector_load %arg13[%parallel_loop3A_423, %parallel_loop3A_424] {strides = array<i32>} : memref<8x640xi32, #tpu.memory_space<vmem>>, vector<16xi32>,
        %parallel_loop3A_426 = arith.constant 12 : i32
        %parallel_loop3A_427 = vector.broadcast %parallel_loop3A_426 : i32 to vector<16xi32>
        %parallel_loop3A_428 = arith.shli %parallel_loop3A_425, %parallel_loop3A_427 : vector<16xi32>
        %parallel_loop3A_429 = arith.ori %parallel_loop3A_422, %parallel_loop3A_428 : vector<16xi32>
        %parallel_loop3A_430 = arith.index_cast %parallel_loop3A_219 : i32 to index
        %parallel_loop3A_431 = arith.constant 368 : index
        %parallel_loop3A_432 = tpu.vector_load %arg13[%parallel_loop3A_430, %parallel_loop3A_431] {strides = array<i32>} : memref<8x640xi32, #tpu.memory_space<vmem>>, vector<16xi32>,
        %parallel_loop3A_433 = arith.constant 16 : i32
        %parallel_loop3A_434 = vector.broadcast %parallel_loop3A_433 : i32 to vector<16xi32>
        %parallel_loop3A_435 = arith.shli %parallel_loop3A_432, %parallel_loop3A_434 : vector<16xi32>
        %parallel_loop3A_436 = arith.ori %parallel_loop3A_429, %parallel_loop3A_435 : vector<16xi32>
        %parallel_loop3A_437 = arith.index_cast %parallel_loop3A_219 : i32 to index
        %parallel_loop3A_438 = arith.constant 448 : index
        %parallel_loop3A_439 = tpu.vector_load %arg13[%parallel_loop3A_437, %parallel_loop3A_438] {strides = array<i32>} : memref<8x640xi32, #tpu.memory_space<vmem>>, vector<16xi32>,
        %parallel_loop3A_440 = arith.constant 20 : i32
        %parallel_loop3A_441 = vector.broadcast %parallel_loop3A_440 : i32 to vector<16xi32>
        %parallel_loop3A_442 = arith.shli %parallel_loop3A_439, %parallel_loop3A_441 : vector<16xi32>
        %parallel_loop3A_443 = arith.ori %parallel_loop3A_436, %parallel_loop3A_442 : vector<16xi32>
        %parallel_loop3A_444 = arith.index_cast %parallel_loop3A_219 : i32 to index
        %parallel_loop3A_445 = arith.constant 528 : index
        %parallel_loop3A_446 = tpu.vector_load %arg13[%parallel_loop3A_444, %parallel_loop3A_445] {strides = array<i32>} : memref<8x640xi32, #tpu.memory_space<vmem>>, vector<16xi32>,
        %parallel_loop3A_447 = arith.constant 24 : i32
        %parallel_loop3A_448 = vector.broadcast %parallel_loop3A_447 : i32 to vector<16xi32>
        %parallel_loop3A_449 = arith.shli %parallel_loop3A_446, %parallel_loop3A_448 : vector<16xi32>
        %parallel_loop3A_450 = arith.ori %parallel_loop3A_443, %parallel_loop3A_449 : vector<16xi32>
        %parallel_loop3A_451 = arith.index_cast %parallel_loop3A_219 : i32 to index
        %parallel_loop3A_452 = arith.constant 608 : index
        %parallel_loop3A_453 = tpu.vector_load %arg13[%parallel_loop3A_451, %parallel_loop3A_452] {strides = array<i32>} : memref<8x640xi32, #tpu.memory_space<vmem>>, vector<16xi32>,
        %parallel_loop3A_454 = arith.constant 28 : i32
        %parallel_loop3A_455 = vector.broadcast %parallel_loop3A_454 : i32 to vector<16xi32>
        %parallel_loop3A_456 = arith.shli %parallel_loop3A_453, %parallel_loop3A_455 : vector<16xi32>
        %parallel_loop3A_457 = arith.ori %parallel_loop3A_450, %parallel_loop3A_456 : vector<16xi32>
        %parallel_loop3A_458 = arith.constant 8 : i32
        %parallel_loop3A_459 = arith.muli %mul3A_166, %parallel_loop3A_458 : i32
        %parallel_loop3A_460 = arith.addi %parallel_loop3A_459, %parallel_loop3A_219 : i32
        %parallel_loop3A_461 = arith.constant 80 : i32
        %parallel_loop3A_462 = arith.muli %parallel_loop3A_460, %parallel_loop3A_461 : i32
        %parallel_loop3A_463 = arith.addi %mul3A_34, %parallel_loop3A_462 : i32
        %parallel_loop3A_464 = arith.constant 48 : i32
        %parallel_loop3A_465 = arith.addi %parallel_loop3A_463, %parallel_loop3A_464 : i32
        %parallel_loop3A_466 = arith.index_cast %parallel_loop3A_465 : i32 to index
        %parallel_loop3A_467 = tpu.vector_load %arg8[%parallel_loop3A_466] {strides = array<i32>} : memref<51200xi32, #tpu.memory_space<vmem>>, vector<16xi32>,
        tpu.vector_store %arg8[%parallel_loop3A_466], %parallel_loop3A_457 {strides = array<i32>} : memref<51200xi32, #tpu.memory_space<vmem>>, vector<16xi32>,
        %parallel_loop3A_468 = arith.index_cast %parallel_loop3A_219 : i32 to index
        %parallel_loop3A_469 = arith.constant 64 : index
        %parallel_loop3A_470 = tpu.vector_load %arg13[%parallel_loop3A_468, %parallel_loop3A_469] {strides = array<i32>} : memref<8x640xi32, #tpu.memory_space<vmem>>, vector<16xi32>,
        %parallel_loop3A_471 = arith.index_cast %parallel_loop3A_219 : i32 to index
        %parallel_loop3A_472 = arith.constant 144 : index
        %parallel_loop3A_473 = tpu.vector_load %arg13[%parallel_loop3A_471, %parallel_loop3A_472] {strides = array<i32>} : memref<8x640xi32, #tpu.memory_space<vmem>>, vector<16xi32>,
        %parallel_loop3A_474 = arith.constant 4 : i32
        %parallel_loop3A_475 = vector.broadcast %parallel_loop3A_474 : i32 to vector<16xi32>
        %parallel_loop3A_476 = arith.shli %parallel_loop3A_473, %parallel_loop3A_475 : vector<16xi32>
        %parallel_loop3A_477 = arith.ori %parallel_loop3A_470, %parallel_loop3A_476 : vector<16xi32>
        %parallel_loop3A_478 = arith.index_cast %parallel_loop3A_219 : i32 to index
        %parallel_loop3A_479 = arith.constant 224 : index
        %parallel_loop3A_480 = tpu.vector_load %arg13[%parallel_loop3A_478, %parallel_loop3A_479] {strides = array<i32>} : memref<8x640xi32, #tpu.memory_space<vmem>>, vector<16xi32>,
        %parallel_loop3A_481 = arith.constant 8 : i32
        %parallel_loop3A_482 = vector.broadcast %parallel_loop3A_481 : i32 to vector<16xi32>
        %parallel_loop3A_483 = arith.shli %parallel_loop3A_480, %parallel_loop3A_482 : vector<16xi32>
        %parallel_loop3A_484 = arith.ori %parallel_loop3A_477, %parallel_loop3A_483 : vector<16xi32>
        %parallel_loop3A_485 = arith.index_cast %parallel_loop3A_219 : i32 to index
        %parallel_loop3A_486 = arith.constant 304 : index
        %parallel_loop3A_487 = tpu.vector_load %arg13[%parallel_loop3A_485, %parallel_loop3A_486] {strides = array<i32>} : memref<8x640xi32, #tpu.memory_space<vmem>>, vector<16xi32>,
        %parallel_loop3A_488 = arith.constant 12 : i32
        %parallel_loop3A_489 = vector.broadcast %parallel_loop3A_488 : i32 to vector<16xi32>
        %parallel_loop3A_490 = arith.shli %parallel_loop3A_487, %parallel_loop3A_489 : vector<16xi32>
        %parallel_loop3A_491 = arith.ori %parallel_loop3A_484, %parallel_loop3A_490 : vector<16xi32>
        %parallel_loop3A_492 = arith.index_cast %parallel_loop3A_219 : i32 to index
        %parallel_loop3A_493 = arith.constant 384 : index
        %parallel_loop3A_494 = tpu.vector_load %arg13[%parallel_loop3A_492, %parallel_loop3A_493] {strides = array<i32>} : memref<8x640xi32, #tpu.memory_space<vmem>>, vector<16xi32>,
        %parallel_loop3A_495 = arith.constant 16 : i32
        %parallel_loop3A_496 = vector.broadcast %parallel_loop3A_495 : i32 to vector<16xi32>
        %parallel_loop3A_497 = arith.shli %parallel_loop3A_494, %parallel_loop3A_496 : vector<16xi32>
        %parallel_loop3A_498 = arith.ori %parallel_loop3A_491, %parallel_loop3A_497 : vector<16xi32>
        %parallel_loop3A_499 = arith.index_cast %parallel_loop3A_219 : i32 to index
        %parallel_loop3A_500 = arith.constant 464 : index
        %parallel_loop3A_501 = tpu.vector_load %arg13[%parallel_loop3A_499, %parallel_loop3A_500] {strides = array<i32>} : memref<8x640xi32, #tpu.memory_space<vmem>>, vector<16xi32>,
        %parallel_loop3A_502 = arith.constant 20 : i32
        %parallel_loop3A_503 = vector.broadcast %parallel_loop3A_502 : i32 to vector<16xi32>
        %parallel_loop3A_504 = arith.shli %parallel_loop3A_501, %parallel_loop3A_503 : vector<16xi32>
        %parallel_loop3A_505 = arith.ori %parallel_loop3A_498, %parallel_loop3A_504 : vector<16xi32>
        %parallel_loop3A_506 = arith.index_cast %parallel_loop3A_219 : i32 to index
        %parallel_loop3A_507 = arith.constant 544 : index
        %parallel_loop3A_508 = tpu.vector_load %arg13[%parallel_loop3A_506, %parallel_loop3A_507] {strides = array<i32>} : memref<8x640xi32, #tpu.memory_space<vmem>>, vector<16xi32>,
        %parallel_loop3A_509 = arith.constant 24 : i32
        %parallel_loop3A_510 = vector.broadcast %parallel_loop3A_509 : i32 to vector<16xi32>
        %parallel_loop3A_511 = arith.shli %parallel_loop3A_508, %parallel_loop3A_510 : vector<16xi32>
        %parallel_loop3A_512 = arith.ori %parallel_loop3A_505, %parallel_loop3A_511 : vector<16xi32>
        %parallel_loop3A_513 = arith.index_cast %parallel_loop3A_219 : i32 to index
        %parallel_loop3A_514 = arith.constant 624 : index
        %parallel_loop3A_515 = tpu.vector_load %arg13[%parallel_loop3A_513, %parallel_loop3A_514] {strides = array<i32>} : memref<8x640xi32, #tpu.memory_space<vmem>>, vector<16xi32>,
        %parallel_loop3A_516 = arith.constant 28 : i32
        %parallel_loop3A_517 = vector.broadcast %parallel_loop3A_516 : i32 to vector<16xi32>
        %parallel_loop3A_518 = arith.shli %parallel_loop3A_515, %parallel_loop3A_517 : vector<16xi32>
        %parallel_loop3A_519 = arith.ori %parallel_loop3A_512, %parallel_loop3A_518 : vector<16xi32>
        %parallel_loop3A_520 = arith.constant 8 : i32
        %parallel_loop3A_521 = arith.muli %mul3A_166, %parallel_loop3A_520 : i32
        %parallel_loop3A_522 = arith.addi %parallel_loop3A_521, %parallel_loop3A_219 : i32
        %parallel_loop3A_523 = arith.constant 80 : i32
        %parallel_loop3A_524 = arith.muli %parallel_loop3A_522, %parallel_loop3A_523 : i32
        %parallel_loop3A_525 = arith.addi %mul3A_34, %parallel_loop3A_524 : i32
        %parallel_loop3A_526 = arith.constant 64 : i32
        %parallel_loop3A_527 = arith.addi %parallel_loop3A_525, %parallel_loop3A_526 : i32
        %parallel_loop3A_528 = arith.index_cast %parallel_loop3A_527 : i32 to index
        %parallel_loop3A_529 = tpu.vector_load %arg8[%parallel_loop3A_528] {strides = array<i32>} : memref<51200xi32, #tpu.memory_space<vmem>>, vector<16xi32>,
        tpu.vector_store %arg8[%parallel_loop3A_528], %parallel_loop3A_519 {strides = array<i32>} : memref<51200xi32, #tpu.memory_space<vmem>>, vector<16xi32>,
      } {sc.loop_unroll_factor = 1 : i64, sc.parallel_access}
      %add3A_189 = arith.constant 2 : i32
      %add3A_190 = arith.addi %mul3A_166, %add3A_189 : i32
      %rem3A_191 = arith.constant 40 : i32
      %rem3A_192 = arith.remsi %add3A_190, %rem3A_191 : i32
      %mul3A_193 = arith.constant 8 : i32
      %mul3A_194 = arith.muli %rem3A_192, %mul3A_193 : i32
      %add3A_195 = arith.addi %mul3A_32, %mul3A_194 : i32
      %dma_start3A_196 = arith.constant 0 : i32
      %dma_start3A_197 = tpu.memref_slice %arg6[%select_n3A, %add3A_195, %dma_start3A_196] : memref<16x640x640xi32, #tpu.memory_space<hbm>> -> memref<1x8x640xi32, #tpu.memory_space<hbm>>
      %dma_start3A_198 = tpu.memref_squeeze %dma_start3A_197 : memref<1x8x640xi32, #tpu.memory_space<hbm>> -> memref<8x640xi32, #tpu.memory_space<hbm>>
      %dma_start3A_199 = arith.constant 0 : i32
      %dma_start3A_200 = tpu.memref_slice %arg6[%select_n3A, %add3A_195, %dma_start3A_199] : memref<16x640x640xi32, #tpu.memory_space<hbm>> -> memref<1x8x640xi32, #tpu.memory_space<hbm>>
      %dma_start3A_201 = tpu.memref_squeeze %dma_start3A_200 : memref<1x8x640xi32, #tpu.memory_space<hbm>> -> memref<8x640xi32, #tpu.memory_space<hbm>>
      tpu.enqueue_dma source(%dma_start3A_201 : memref<8x640xi32, #tpu.memory_space<hbm>>) target(%arg13 : memref<8x640xi32, #tpu.memory_space<vmem>>) target_semaphore(%arg23 : memref<!tpu.dma_semaphore, #tpu.memory_space<semaphore_mem>>)
      %add3A_202 = arith.constant 1 : i32
      %add3A_203 = arith.addi %mul3A_166, %add3A_202 : i32
      %mul3A_204 = arith.constant 8 : i32
      %mul3A_205 = arith.muli %add3A_203, %mul3A_204 : i32
      %add3A_206 = arith.addi %mul3A_32, %mul3A_205 : i32
      %dma_wait3A_207 = arith.constant 0 : i32
      %dma_wait3A_208 = tpu.memref_slice %arg6[%select_n3A, %add3A_206, %dma_wait3A_207] : memref<16x640x640xi32, #tpu.memory_space<hbm>> -> memref<1x8x640xi32, #tpu.memory_space<hbm>>
      %dma_wait3A_209 = tpu.memref_squeeze %dma_wait3A_208 : memref<1x8x640xi32, #tpu.memory_space<hbm>> -> memref<8x640xi32, #tpu.memory_space<hbm>>
      %dma_wait3A_210 = arith.constant 0 : i32
      %dma_wait3A_211 = tpu.memref_slice %arg6[%select_n3A, %add3A_206, %dma_wait3A_210] : memref<16x640x640xi32, #tpu.memory_space<hbm>> -> memref<1x8x640xi32, #tpu.memory_space<hbm>>
      %dma_wait3A_212 = tpu.memref_squeeze %dma_wait3A_211 : memref<1x8x640xi32, #tpu.memory_space<hbm>> -> memref<8x640xi32, #tpu.memory_space<hbm>>
      tpu.wait_dma2 semaphore(%arg24 : memref<!tpu.dma_semaphore, #tpu.memory_space<semaphore_mem>>) src(%dma_wait3A_212 : memref<8x640xi32, #tpu.memory_space<hbm>>) dst(%arg19 : memref<8x640xi32, #tpu.memory_space<vmem>>)
      %add3A_213 = arith.constant 1 : i32
      %add3A_214 = arith.addi %mul3A_166, %add3A_213 : i32
      %parallel_loop3A_215 = arith.constant 0 : i32
      %parallel_loop3A_216 = arith.constant 8 : i32
      %parallel_loop3A_217 = arith.constant 1 : i32
      scf.for %parallel_loop3A_219 = %parallel_loop3A_215 to %parallel_loop3A_216 step %parallel_loop3A_217  : i32 {
        %parallel_loop3A_220 = arith.index_cast %parallel_loop3A_219 : i32 to index
        %parallel_loop3A_221 = arith.constant 0 : index
        %parallel_loop3A_222 = tpu.vector_load %arg19[%parallel_loop3A_220, %parallel_loop3A_221] {strides = array<i32>} : memref<8x640xi32, #tpu.memory_space<vmem>>, vector<16xi32>,
        %parallel_loop3A_223 = arith.index_cast %parallel_loop3A_219 : i32 to index
        %parallel_loop3A_224 = arith.constant 80 : index
        %parallel_loop3A_225 = tpu.vector_load %arg19[%parallel_loop3A_223, %parallel_loop3A_224] {strides = array<i32>} : memref<8x640xi32, #tpu.memory_space<vmem>>, vector<16xi32>,
        %parallel_loop3A_226 = arith.constant 4 : i32
        %parallel_loop3A_227 = vector.broadcast %parallel_loop3A_226 : i32 to vector<16xi32>
        %parallel_loop3A_228 = arith.shli %parallel_loop3A_225, %parallel_loop3A_227 : vector<16xi32>
        %parallel_loop3A_229 = arith.ori %parallel_loop3A_222, %parallel_loop3A_228 : vector<16xi32>
        %parallel_loop3A_230 = arith.index_cast %parallel_loop3A_219 : i32 to index
        %parallel_loop3A_231 = arith.constant 160 : index
        %parallel_loop3A_232 = tpu.vector_load %arg19[%parallel_loop3A_230, %parallel_loop3A_231] {strides = array<i32>} : memref<8x640xi32, #tpu.memory_space<vmem>>, vector<16xi32>,
        %parallel_loop3A_233 = arith.constant 8 : i32
        %parallel_loop3A_234 = vector.broadcast %parallel_loop3A_233 : i32 to vector<16xi32>
        %parallel_loop3A_235 = arith.shli %parallel_loop3A_232, %parallel_loop3A_234 : vector<16xi32>
        %parallel_loop3A_236 = arith.ori %parallel_loop3A_229, %parallel_loop3A_235 : vector<16xi32>
        %parallel_loop3A_237 = arith.index_cast %parallel_loop3A_219 : i32 to index
        %parallel_loop3A_238 = arith.constant 240 : index
        %parallel_loop3A_239 = tpu.vector_load %arg19[%parallel_loop3A_237, %parallel_loop3A_238] {strides = array<i32>} : memref<8x640xi32, #tpu.memory_space<vmem>>, vector<16xi32>,
        %parallel_loop3A_240 = arith.constant 12 : i32
        %parallel_loop3A_241 = vector.broadcast %parallel_loop3A_240 : i32 to vector<16xi32>
        %parallel_loop3A_242 = arith.shli %parallel_loop3A_239, %parallel_loop3A_241 : vector<16xi32>
        %parallel_loop3A_243 = arith.ori %parallel_loop3A_236, %parallel_loop3A_242 : vector<16xi32>
        %parallel_loop3A_244 = arith.index_cast %parallel_loop3A_219 : i32 to index
        %parallel_loop3A_245 = arith.constant 320 : index
        %parallel_loop3A_246 = tpu.vector_load %arg19[%parallel_loop3A_244, %parallel_loop3A_245] {strides = array<i32>} : memref<8x640xi32, #tpu.memory_space<vmem>>, vector<16xi32>,
        %parallel_loop3A_247 = arith.constant 16 : i32
        %parallel_loop3A_248 = vector.broadcast %parallel_loop3A_247 : i32 to vector<16xi32>
        %parallel_loop3A_249 = arith.shli %parallel_loop3A_246, %parallel_loop3A_248 : vector<16xi32>
        %parallel_loop3A_250 = arith.ori %parallel_loop3A_243, %parallel_loop3A_249 : vector<16xi32>
        %parallel_loop3A_251 = arith.index_cast %parallel_loop3A_219 : i32 to index
        %parallel_loop3A_252 = arith.constant 400 : index
        %parallel_loop3A_253 = tpu.vector_load %arg19[%parallel_loop3A_251, %parallel_loop3A_252] {strides = array<i32>} : memref<8x640xi32, #tpu.memory_space<vmem>>, vector<16xi32>,
        %parallel_loop3A_254 = arith.constant 20 : i32
        %parallel_loop3A_255 = vector.broadcast %parallel_loop3A_254 : i32 to vector<16xi32>
        %parallel_loop3A_256 = arith.shli %parallel_loop3A_253, %parallel_loop3A_255 : vector<16xi32>
        %parallel_loop3A_257 = arith.ori %parallel_loop3A_250, %parallel_loop3A_256 : vector<16xi32>
        %parallel_loop3A_258 = arith.index_cast %parallel_loop3A_219 : i32 to index
        %parallel_loop3A_259 = arith.constant 480 : index
        %parallel_loop3A_260 = tpu.vector_load %arg19[%parallel_loop3A_258, %parallel_loop3A_259] {strides = array<i32>} : memref<8x640xi32, #tpu.memory_space<vmem>>, vector<16xi32>,
        %parallel_loop3A_261 = arith.constant 24 : i32
        %parallel_loop3A_262 = vector.broadcast %parallel_loop3A_261 : i32 to vector<16xi32>
        %parallel_loop3A_263 = arith.shli %parallel_loop3A_260, %parallel_loop3A_262 : vector<16xi32>
        %parallel_loop3A_264 = arith.ori %parallel_loop3A_257, %parallel_loop3A_263 : vector<16xi32>
        %parallel_loop3A_265 = arith.index_cast %parallel_loop3A_219 : i32 to index
        %parallel_loop3A_266 = arith.constant 560 : index
        %parallel_loop3A_267 = tpu.vector_load %arg19[%parallel_loop3A_265, %parallel_loop3A_266] {strides = array<i32>} : memref<8x640xi32, #tpu.memory_space<vmem>>, vector<16xi32>,
        %parallel_loop3A_268 = arith.constant 28 : i32
        %parallel_loop3A_269 = vector.broadcast %parallel_loop3A_268 : i32 to vector<16xi32>
        %parallel_loop3A_270 = arith.shli %parallel_loop3A_267, %parallel_loop3A_269 : vector<16xi32>
        %parallel_loop3A_271 = arith.ori %parallel_loop3A_264, %parallel_loop3A_270 : vector<16xi32>
        %parallel_loop3A_272 = arith.constant 8 : i32
        %parallel_loop3A_273 = arith.muli %add3A_214, %parallel_loop3A_272 : i32
        %parallel_loop3A_274 = arith.addi %parallel_loop3A_273, %parallel_loop3A_219 : i32
        %parallel_loop3A_275 = arith.constant 80 : i32
        %parallel_loop3A_276 = arith.muli %parallel_loop3A_274, %parallel_loop3A_275 : i32
        %parallel_loop3A_277 = arith.addi %mul3A_34, %parallel_loop3A_276 : i32
        %parallel_loop3A_278 = arith.constant 0 : i32
        %parallel_loop3A_279 = arith.addi %parallel_loop3A_277, %parallel_loop3A_278 : i32
        %parallel_loop3A_280 = arith.index_cast %parallel_loop3A_279 : i32 to index
        %parallel_loop3A_281 = tpu.vector_load %arg8[%parallel_loop3A_280] {strides = array<i32>} : memref<51200xi32, #tpu.memory_space<vmem>>, vector<16xi32>,
        tpu.vector_store %arg8[%parallel_loop3A_280], %parallel_loop3A_271 {strides = array<i32>} : memref<51200xi32, #tpu.memory_space<vmem>>, vector<16xi32>,
        %parallel_loop3A_282 = arith.index_cast %parallel_loop3A_219 : i32 to index
        %parallel_loop3A_283 = arith.constant 16 : index
        %parallel_loop3A_284 = tpu.vector_load %arg19[%parallel_loop3A_282, %parallel_loop3A_283] {strides = array<i32>} : memref<8x640xi32, #tpu.memory_space<vmem>>, vector<16xi32>,
        %parallel_loop3A_285 = arith.index_cast %parallel_loop3A_219 : i32 to index
        %parallel_loop3A_286 = arith.constant 96 : index
        %parallel_loop3A_287 = tpu.vector_load %arg19[%parallel_loop3A_285, %parallel_loop3A_286] {strides = array<i32>} : memref<8x640xi32, #tpu.memory_space<vmem>>, vector<16xi32>,
        %parallel_loop3A_288 = arith.constant 4 : i32
        %parallel_loop3A_289 = vector.broadcast %parallel_loop3A_288 : i32 to vector<16xi32>
        %parallel_loop3A_290 = arith.shli %parallel_loop3A_287, %parallel_loop3A_289 : vector<16xi32>
        %parallel_loop3A_291 = arith.ori %parallel_loop3A_284, %parallel_loop3A_290 : vector<16xi32>
        %parallel_loop3A_292 = arith.index_cast %parallel_loop3A_219 : i32 to index
        %parallel_loop3A_293 = arith.constant 176 : index
        %parallel_loop3A_294 = tpu.vector_load %arg19[%parallel_loop3A_292, %parallel_loop3A_293] {strides = array<i32>} : memref<8x640xi32, #tpu.memory_space<vmem>>, vector<16xi32>,
        %parallel_loop3A_295 = arith.constant 8 : i32
        %parallel_loop3A_296 = vector.broadcast %parallel_loop3A_295 : i32 to vector<16xi32>
        %parallel_loop3A_297 = arith.shli %parallel_loop3A_294, %parallel_loop3A_296 : vector<16xi32>
        %parallel_loop3A_298 = arith.ori %parallel_loop3A_291, %parallel_loop3A_297 : vector<16xi32>
        %parallel_loop3A_299 = arith.index_cast %parallel_loop3A_219 : i32 to index
        %parallel_loop3A_300 = arith.constant 256 : index
        %parallel_loop3A_301 = tpu.vector_load %arg19[%parallel_loop3A_299, %parallel_loop3A_300] {strides = array<i32>} : memref<8x640xi32, #tpu.memory_space<vmem>>, vector<16xi32>,
        %parallel_loop3A_302 = arith.constant 12 : i32
        %parallel_loop3A_303 = vector.broadcast %parallel_loop3A_302 : i32 to vector<16xi32>
        %parallel_loop3A_304 = arith.shli %parallel_loop3A_301, %parallel_loop3A_303 : vector<16xi32>
        %parallel_loop3A_305 = arith.ori %parallel_loop3A_298, %parallel_loop3A_304 : vector<16xi32>
        %parallel_loop3A_306 = arith.index_cast %parallel_loop3A_219 : i32 to index
        %parallel_loop3A_307 = arith.constant 336 : index
        %parallel_loop3A_308 = tpu.vector_load %arg19[%parallel_loop3A_306, %parallel_loop3A_307] {strides = array<i32>} : memref<8x640xi32, #tpu.memory_space<vmem>>, vector<16xi32>,
        %parallel_loop3A_309 = arith.constant 16 : i32
        %parallel_loop3A_310 = vector.broadcast %parallel_loop3A_309 : i32 to vector<16xi32>
        %parallel_loop3A_311 = arith.shli %parallel_loop3A_308, %parallel_loop3A_310 : vector<16xi32>
        %parallel_loop3A_312 = arith.ori %parallel_loop3A_305, %parallel_loop3A_311 : vector<16xi32>
        %parallel_loop3A_313 = arith.index_cast %parallel_loop3A_219 : i32 to index
        %parallel_loop3A_314 = arith.constant 416 : index
        %parallel_loop3A_315 = tpu.vector_load %arg19[%parallel_loop3A_313, %parallel_loop3A_314] {strides = array<i32>} : memref<8x640xi32, #tpu.memory_space<vmem>>, vector<16xi32>,
        %parallel_loop3A_316 = arith.constant 20 : i32
        %parallel_loop3A_317 = vector.broadcast %parallel_loop3A_316 : i32 to vector<16xi32>
        %parallel_loop3A_318 = arith.shli %parallel_loop3A_315, %parallel_loop3A_317 : vector<16xi32>
        %parallel_loop3A_319 = arith.ori %parallel_loop3A_312, %parallel_loop3A_318 : vector<16xi32>
        %parallel_loop3A_320 = arith.index_cast %parallel_loop3A_219 : i32 to index
        %parallel_loop3A_321 = arith.constant 496 : index
        %parallel_loop3A_322 = tpu.vector_load %arg19[%parallel_loop3A_320, %parallel_loop3A_321] {strides = array<i32>} : memref<8x640xi32, #tpu.memory_space<vmem>>, vector<16xi32>,
        %parallel_loop3A_323 = arith.constant 24 : i32
        %parallel_loop3A_324 = vector.broadcast %parallel_loop3A_323 : i32 to vector<16xi32>
        %parallel_loop3A_325 = arith.shli %parallel_loop3A_322, %parallel_loop3A_324 : vector<16xi32>
        %parallel_loop3A_326 = arith.ori %parallel_loop3A_319, %parallel_loop3A_325 : vector<16xi32>
        %parallel_loop3A_327 = arith.index_cast %parallel_loop3A_219 : i32 to index
        %parallel_loop3A_328 = arith.constant 576 : index
        %parallel_loop3A_329 = tpu.vector_load %arg19[%parallel_loop3A_327, %parallel_loop3A_328] {strides = array<i32>} : memref<8x640xi32, #tpu.memory_space<vmem>>, vector<16xi32>,
        %parallel_loop3A_330 = arith.constant 28 : i32
        %parallel_loop3A_331 = vector.broadcast %parallel_loop3A_330 : i32 to vector<16xi32>
        %parallel_loop3A_332 = arith.shli %parallel_loop3A_329, %parallel_loop3A_331 : vector<16xi32>
        %parallel_loop3A_333 = arith.ori %parallel_loop3A_326, %parallel_loop3A_332 : vector<16xi32>
        %parallel_loop3A_334 = arith.constant 8 : i32
        %parallel_loop3A_335 = arith.muli %add3A_214, %parallel_loop3A_334 : i32
        %parallel_loop3A_336 = arith.addi %parallel_loop3A_335, %parallel_loop3A_219 : i32
        %parallel_loop3A_337 = arith.constant 80 : i32
        %parallel_loop3A_338 = arith.muli %parallel_loop3A_336, %parallel_loop3A_337 : i32
        %parallel_loop3A_339 = arith.addi %mul3A_34, %parallel_loop3A_338 : i32
        %parallel_loop3A_340 = arith.constant 16 : i32
        %parallel_loop3A_341 = arith.addi %parallel_loop3A_339, %parallel_loop3A_340 : i32
        %parallel_loop3A_342 = arith.index_cast %parallel_loop3A_341 : i32 to index
        %parallel_loop3A_343 = tpu.vector_load %arg8[%parallel_loop3A_342] {strides = array<i32>} : memref<51200xi32, #tpu.memory_space<vmem>>, vector<16xi32>,
        tpu.vector_store %arg8[%parallel_loop3A_342], %parallel_loop3A_333 {strides = array<i32>} : memref<51200xi32, #tpu.memory_space<vmem>>, vector<16xi32>,
        %parallel_loop3A_344 = arith.index_cast %parallel_loop3A_219 : i32 to index
        %parallel_loop3A_345 = arith.constant 32 : index
        %parallel_loop3A_346 = tpu.vector_load %arg19[%parallel_loop3A_344, %parallel_loop3A_345] {strides = array<i32>} : memref<8x640xi32, #tpu.memory_space<vmem>>, vector<16xi32>,
        %parallel_loop3A_347 = arith.index_cast %parallel_loop3A_219 : i32 to index
        %parallel_loop3A_348 = arith.constant 112 : index
        %parallel_loop3A_349 = tpu.vector_load %arg19[%parallel_loop3A_347, %parallel_loop3A_348] {strides = array<i32>} : memref<8x640xi32, #tpu.memory_space<vmem>>, vector<16xi32>,
        %parallel_loop3A_350 = arith.constant 4 : i32
        %parallel_loop3A_351 = vector.broadcast %parallel_loop3A_350 : i32 to vector<16xi32>
        %parallel_loop3A_352 = arith.shli %parallel_loop3A_349, %parallel_loop3A_351 : vector<16xi32>
        %parallel_loop3A_353 = arith.ori %parallel_loop3A_346, %parallel_loop3A_352 : vector<16xi32>
        %parallel_loop3A_354 = arith.index_cast %parallel_loop3A_219 : i32 to index
        %parallel_loop3A_355 = arith.constant 192 : index
        %parallel_loop3A_356 = tpu.vector_load %arg19[%parallel_loop3A_354, %parallel_loop3A_355] {strides = array<i32>} : memref<8x640xi32, #tpu.memory_space<vmem>>, vector<16xi32>,
        %parallel_loop3A_357 = arith.constant 8 : i32
        %parallel_loop3A_358 = vector.broadcast %parallel_loop3A_357 : i32 to vector<16xi32>
        %parallel_loop3A_359 = arith.shli %parallel_loop3A_356, %parallel_loop3A_358 : vector<16xi32>
        %parallel_loop3A_360 = arith.ori %parallel_loop3A_353, %parallel_loop3A_359 : vector<16xi32>
        %parallel_loop3A_361 = arith.index_cast %parallel_loop3A_219 : i32 to index
        %parallel_loop3A_362 = arith.constant 272 : index
        %parallel_loop3A_363 = tpu.vector_load %arg19[%parallel_loop3A_361, %parallel_loop3A_362] {strides = array<i32>} : memref<8x640xi32, #tpu.memory_space<vmem>>, vector<16xi32>,
        %parallel_loop3A_364 = arith.constant 12 : i32
        %parallel_loop3A_365 = vector.broadcast %parallel_loop3A_364 : i32 to vector<16xi32>
        %parallel_loop3A_366 = arith.shli %parallel_loop3A_363, %parallel_loop3A_365 : vector<16xi32>
        %parallel_loop3A_367 = arith.ori %parallel_loop3A_360, %parallel_loop3A_366 : vector<16xi32>
        %parallel_loop3A_368 = arith.index_cast %parallel_loop3A_219 : i32 to index
        %parallel_loop3A_369 = arith.constant 352 : index
        %parallel_loop3A_370 = tpu.vector_load %arg19[%parallel_loop3A_368, %parallel_loop3A_369] {strides = array<i32>} : memref<8x640xi32, #tpu.memory_space<vmem>>, vector<16xi32>,
        %parallel_loop3A_371 = arith.constant 16 : i32
        %parallel_loop3A_372 = vector.broadcast %parallel_loop3A_371 : i32 to vector<16xi32>
        %parallel_loop3A_373 = arith.shli %parallel_loop3A_370, %parallel_loop3A_372 : vector<16xi32>
        %parallel_loop3A_374 = arith.ori %parallel_loop3A_367, %parallel_loop3A_373 : vector<16xi32>
        %parallel_loop3A_375 = arith.index_cast %parallel_loop3A_219 : i32 to index
        %parallel_loop3A_376 = arith.constant 432 : index
        %parallel_loop3A_377 = tpu.vector_load %arg19[%parallel_loop3A_375, %parallel_loop3A_376] {strides = array<i32>} : memref<8x640xi32, #tpu.memory_space<vmem>>, vector<16xi32>,
        %parallel_loop3A_378 = arith.constant 20 : i32
        %parallel_loop3A_379 = vector.broadcast %parallel_loop3A_378 : i32 to vector<16xi32>
        %parallel_loop3A_380 = arith.shli %parallel_loop3A_377, %parallel_loop3A_379 : vector<16xi32>
        %parallel_loop3A_381 = arith.ori %parallel_loop3A_374, %parallel_loop3A_380 : vector<16xi32>
        %parallel_loop3A_382 = arith.index_cast %parallel_loop3A_219 : i32 to index
        %parallel_loop3A_383 = arith.constant 512 : index
        %parallel_loop3A_384 = tpu.vector_load %arg19[%parallel_loop3A_382, %parallel_loop3A_383] {strides = array<i32>} : memref<8x640xi32, #tpu.memory_space<vmem>>, vector<16xi32>,
        %parallel_loop3A_385 = arith.constant 24 : i32
        %parallel_loop3A_386 = vector.broadcast %parallel_loop3A_385 : i32 to vector<16xi32>
        %parallel_loop3A_387 = arith.shli %parallel_loop3A_384, %parallel_loop3A_386 : vector<16xi32>
        %parallel_loop3A_388 = arith.ori %parallel_loop3A_381, %parallel_loop3A_387 : vector<16xi32>
        %parallel_loop3A_389 = arith.index_cast %parallel_loop3A_219 : i32 to index
        %parallel_loop3A_390 = arith.constant 592 : index
        %parallel_loop3A_391 = tpu.vector_load %arg19[%parallel_loop3A_389, %parallel_loop3A_390] {strides = array<i32>} : memref<8x640xi32, #tpu.memory_space<vmem>>, vector<16xi32>,
        %parallel_loop3A_392 = arith.constant 28 : i32
        %parallel_loop3A_393 = vector.broadcast %parallel_loop3A_392 : i32 to vector<16xi32>
        %parallel_loop3A_394 = arith.shli %parallel_loop3A_391, %parallel_loop3A_393 : vector<16xi32>
        %parallel_loop3A_395 = arith.ori %parallel_loop3A_388, %parallel_loop3A_394 : vector<16xi32>
        %parallel_loop3A_396 = arith.constant 8 : i32
        %parallel_loop3A_397 = arith.muli %add3A_214, %parallel_loop3A_396 : i32
        %parallel_loop3A_398 = arith.addi %parallel_loop3A_397, %parallel_loop3A_219 : i32
        %parallel_loop3A_399 = arith.constant 80 : i32
        %parallel_loop3A_400 = arith.muli %parallel_loop3A_398, %parallel_loop3A_399 : i32
        %parallel_loop3A_401 = arith.addi %mul3A_34, %parallel_loop3A_400 : i32
        %parallel_loop3A_402 = arith.constant 32 : i32
        %parallel_loop3A_403 = arith.addi %parallel_loop3A_401, %parallel_loop3A_402 : i32
        %parallel_loop3A_404 = arith.index_cast %parallel_loop3A_403 : i32 to index
        %parallel_loop3A_405 = tpu.vector_load %arg8[%parallel_loop3A_404] {strides = array<i32>} : memref<51200xi32, #tpu.memory_space<vmem>>, vector<16xi32>,
        tpu.vector_store %arg8[%parallel_loop3A_404], %parallel_loop3A_395 {strides = array<i32>} : memref<51200xi32, #tpu.memory_space<vmem>>, vector<16xi32>,
        %parallel_loop3A_406 = arith.index_cast %parallel_loop3A_219 : i32 to index
        %parallel_loop3A_407 = arith.constant 48 : index
        %parallel_loop3A_408 = tpu.vector_load %arg19[%parallel_loop3A_406, %parallel_loop3A_407] {strides = array<i32>} : memref<8x640xi32, #tpu.memory_space<vmem>>, vector<16xi32>,
        %parallel_loop3A_409 = arith.index_cast %parallel_loop3A_219 : i32 to index
        %parallel_loop3A_410 = arith.constant 128 : index
        %parallel_loop3A_411 = tpu.vector_load %arg19[%parallel_loop3A_409, %parallel_loop3A_410] {strides = array<i32>} : memref<8x640xi32, #tpu.memory_space<vmem>>, vector<16xi32>,
        %parallel_loop3A_412 = arith.constant 4 : i32
        %parallel_loop3A_413 = vector.broadcast %parallel_loop3A_412 : i32 to vector<16xi32>
        %parallel_loop3A_414 = arith.shli %parallel_loop3A_411, %parallel_loop3A_413 : vector<16xi32>
        %parallel_loop3A_415 = arith.ori %parallel_loop3A_408, %parallel_loop3A_414 : vector<16xi32>
        %parallel_loop3A_416 = arith.index_cast %parallel_loop3A_219 : i32 to index
        %parallel_loop3A_417 = arith.constant 208 : index
        %parallel_loop3A_418 = tpu.vector_load %arg19[%parallel_loop3A_416, %parallel_loop3A_417] {strides = array<i32>} : memref<8x640xi32, #tpu.memory_space<vmem>>, vector<16xi32>,
        %parallel_loop3A_419 = arith.constant 8 : i32
        %parallel_loop3A_420 = vector.broadcast %parallel_loop3A_419 : i32 to vector<16xi32>
        %parallel_loop3A_421 = arith.shli %parallel_loop3A_418, %parallel_loop3A_420 : vector<16xi32>
        %parallel_loop3A_422 = arith.ori %parallel_loop3A_415, %parallel_loop3A_421 : vector<16xi32>
        %parallel_loop3A_423 = arith.index_cast %parallel_loop3A_219 : i32 to index
        %parallel_loop3A_424 = arith.constant 288 : index
        %parallel_loop3A_425 = tpu.vector_load %arg19[%parallel_loop3A_423, %parallel_loop3A_424] {strides = array<i32>} : memref<8x640xi32, #tpu.memory_space<vmem>>, vector<16xi32>,
        %parallel_loop3A_426 = arith.constant 12 : i32
        %parallel_loop3A_427 = vector.broadcast %parallel_loop3A_426 : i32 to vector<16xi32>
        %parallel_loop3A_428 = arith.shli %parallel_loop3A_425, %parallel_loop3A_427 : vector<16xi32>
        %parallel_loop3A_429 = arith.ori %parallel_loop3A_422, %parallel_loop3A_428 : vector<16xi32>
        %parallel_loop3A_430 = arith.index_cast %parallel_loop3A_219 : i32 to index
        %parallel_loop3A_431 = arith.constant 368 : index
        %parallel_loop3A_432 = tpu.vector_load %arg19[%parallel_loop3A_430, %parallel_loop3A_431] {strides = array<i32>} : memref<8x640xi32, #tpu.memory_space<vmem>>, vector<16xi32>,
        %parallel_loop3A_433 = arith.constant 16 : i32
        %parallel_loop3A_434 = vector.broadcast %parallel_loop3A_433 : i32 to vector<16xi32>
        %parallel_loop3A_435 = arith.shli %parallel_loop3A_432, %parallel_loop3A_434 : vector<16xi32>
        %parallel_loop3A_436 = arith.ori %parallel_loop3A_429, %parallel_loop3A_435 : vector<16xi32>
        %parallel_loop3A_437 = arith.index_cast %parallel_loop3A_219 : i32 to index
        %parallel_loop3A_438 = arith.constant 448 : index
        %parallel_loop3A_439 = tpu.vector_load %arg19[%parallel_loop3A_437, %parallel_loop3A_438] {strides = array<i32>} : memref<8x640xi32, #tpu.memory_space<vmem>>, vector<16xi32>,
        %parallel_loop3A_440 = arith.constant 20 : i32
        %parallel_loop3A_441 = vector.broadcast %parallel_loop3A_440 : i32 to vector<16xi32>
        %parallel_loop3A_442 = arith.shli %parallel_loop3A_439, %parallel_loop3A_441 : vector<16xi32>
        %parallel_loop3A_443 = arith.ori %parallel_loop3A_436, %parallel_loop3A_442 : vector<16xi32>
        %parallel_loop3A_444 = arith.index_cast %parallel_loop3A_219 : i32 to index
        %parallel_loop3A_445 = arith.constant 528 : index
        %parallel_loop3A_446 = tpu.vector_load %arg19[%parallel_loop3A_444, %parallel_loop3A_445] {strides = array<i32>} : memref<8x640xi32, #tpu.memory_space<vmem>>, vector<16xi32>,
        %parallel_loop3A_447 = arith.constant 24 : i32
        %parallel_loop3A_448 = vector.broadcast %parallel_loop3A_447 : i32 to vector<16xi32>
        %parallel_loop3A_449 = arith.shli %parallel_loop3A_446, %parallel_loop3A_448 : vector<16xi32>
        %parallel_loop3A_450 = arith.ori %parallel_loop3A_443, %parallel_loop3A_449 : vector<16xi32>
        %parallel_loop3A_451 = arith.index_cast %parallel_loop3A_219 : i32 to index
        %parallel_loop3A_452 = arith.constant 608 : index
        %parallel_loop3A_453 = tpu.vector_load %arg19[%parallel_loop3A_451, %parallel_loop3A_452] {strides = array<i32>} : memref<8x640xi32, #tpu.memory_space<vmem>>, vector<16xi32>,
        %parallel_loop3A_454 = arith.constant 28 : i32
        %parallel_loop3A_455 = vector.broadcast %parallel_loop3A_454 : i32 to vector<16xi32>
        %parallel_loop3A_456 = arith.shli %parallel_loop3A_453, %parallel_loop3A_455 : vector<16xi32>
        %parallel_loop3A_457 = arith.ori %parallel_loop3A_450, %parallel_loop3A_456 : vector<16xi32>
        %parallel_loop3A_458 = arith.constant 8 : i32
        %parallel_loop3A_459 = arith.muli %add3A_214, %parallel_loop3A_458 : i32
        %parallel_loop3A_460 = arith.addi %parallel_loop3A_459, %parallel_loop3A_219 : i32
        %parallel_loop3A_461 = arith.constant 80 : i32
        %parallel_loop3A_462 = arith.muli %parallel_loop3A_460, %parallel_loop3A_461 : i32
        %parallel_loop3A_463 = arith.addi %mul3A_34, %parallel_loop3A_462 : i32
        %parallel_loop3A_464 = arith.constant 48 : i32
        %parallel_loop3A_465 = arith.addi %parallel_loop3A_463, %parallel_loop3A_464 : i32
        %parallel_loop3A_466 = arith.index_cast %parallel_loop3A_465 : i32 to index
        %parallel_loop3A_467 = tpu.vector_load %arg8[%parallel_loop3A_466] {strides = array<i32>} : memref<51200xi32, #tpu.memory_space<vmem>>, vector<16xi32>,
        tpu.vector_store %arg8[%parallel_loop3A_466], %parallel_loop3A_457 {strides = array<i32>} : memref<51200xi32, #tpu.memory_space<vmem>>, vector<16xi32>,
        %parallel_loop3A_468 = arith.index_cast %parallel_loop3A_219 : i32 to index
        %parallel_loop3A_469 = arith.constant 64 : index
        %parallel_loop3A_470 = tpu.vector_load %arg19[%parallel_loop3A_468, %parallel_loop3A_469] {strides = array<i32>} : memref<8x640xi32, #tpu.memory_space<vmem>>, vector<16xi32>,
        %parallel_loop3A_471 = arith.index_cast %parallel_loop3A_219 : i32 to index
        %parallel_loop3A_472 = arith.constant 144 : index
        %parallel_loop3A_473 = tpu.vector_load %arg19[%parallel_loop3A_471, %parallel_loop3A_472] {strides = array<i32>} : memref<8x640xi32, #tpu.memory_space<vmem>>, vector<16xi32>,
        %parallel_loop3A_474 = arith.constant 4 : i32
        %parallel_loop3A_475 = vector.broadcast %parallel_loop3A_474 : i32 to vector<16xi32>
        %parallel_loop3A_476 = arith.shli %parallel_loop3A_473, %parallel_loop3A_475 : vector<16xi32>
        %parallel_loop3A_477 = arith.ori %parallel_loop3A_470, %parallel_loop3A_476 : vector<16xi32>
        %parallel_loop3A_478 = arith.index_cast %parallel_loop3A_219 : i32 to index
        %parallel_loop3A_479 = arith.constant 224 : index
        %parallel_loop3A_480 = tpu.vector_load %arg19[%parallel_loop3A_478, %parallel_loop3A_479] {strides = array<i32>} : memref<8x640xi32, #tpu.memory_space<vmem>>, vector<16xi32>,
        %parallel_loop3A_481 = arith.constant 8 : i32
        %parallel_loop3A_482 = vector.broadcast %parallel_loop3A_481 : i32 to vector<16xi32>
        %parallel_loop3A_483 = arith.shli %parallel_loop3A_480, %parallel_loop3A_482 : vector<16xi32>
        %parallel_loop3A_484 = arith.ori %parallel_loop3A_477, %parallel_loop3A_483 : vector<16xi32>
        %parallel_loop3A_485 = arith.index_cast %parallel_loop3A_219 : i32 to index
        %parallel_loop3A_486 = arith.constant 304 : index
        %parallel_loop3A_487 = tpu.vector_load %arg19[%parallel_loop3A_485, %parallel_loop3A_486] {strides = array<i32>} : memref<8x640xi32, #tpu.memory_space<vmem>>, vector<16xi32>,
        %parallel_loop3A_488 = arith.constant 12 : i32
        %parallel_loop3A_489 = vector.broadcast %parallel_loop3A_488 : i32 to vector<16xi32>
        %parallel_loop3A_490 = arith.shli %parallel_loop3A_487, %parallel_loop3A_489 : vector<16xi32>
        %parallel_loop3A_491 = arith.ori %parallel_loop3A_484, %parallel_loop3A_490 : vector<16xi32>
        %parallel_loop3A_492 = arith.index_cast %parallel_loop3A_219 : i32 to index
        %parallel_loop3A_493 = arith.constant 384 : index
        %parallel_loop3A_494 = tpu.vector_load %arg19[%parallel_loop3A_492, %parallel_loop3A_493] {strides = array<i32>} : memref<8x640xi32, #tpu.memory_space<vmem>>, vector<16xi32>,
        %parallel_loop3A_495 = arith.constant 16 : i32
        %parallel_loop3A_496 = vector.broadcast %parallel_loop3A_495 : i32 to vector<16xi32>
        %parallel_loop3A_497 = arith.shli %parallel_loop3A_494, %parallel_loop3A_496 : vector<16xi32>
        %parallel_loop3A_498 = arith.ori %parallel_loop3A_491, %parallel_loop3A_497 : vector<16xi32>
        %parallel_loop3A_499 = arith.index_cast %parallel_loop3A_219 : i32 to index
        %parallel_loop3A_500 = arith.constant 464 : index
        %parallel_loop3A_501 = tpu.vector_load %arg19[%parallel_loop3A_499, %parallel_loop3A_500] {strides = array<i32>} : memref<8x640xi32, #tpu.memory_space<vmem>>, vector<16xi32>,
        %parallel_loop3A_502 = arith.constant 20 : i32
        %parallel_loop3A_503 = vector.broadcast %parallel_loop3A_502 : i32 to vector<16xi32>
        %parallel_loop3A_504 = arith.shli %parallel_loop3A_501, %parallel_loop3A_503 : vector<16xi32>
        %parallel_loop3A_505 = arith.ori %parallel_loop3A_498, %parallel_loop3A_504 : vector<16xi32>
        %parallel_loop3A_506 = arith.index_cast %parallel_loop3A_219 : i32 to index
        %parallel_loop3A_507 = arith.constant 544 : index
        %parallel_loop3A_508 = tpu.vector_load %arg19[%parallel_loop3A_506, %parallel_loop3A_507] {strides = array<i32>} : memref<8x640xi32, #tpu.memory_space<vmem>>, vector<16xi32>,
        %parallel_loop3A_509 = arith.constant 24 : i32
        %parallel_loop3A_510 = vector.broadcast %parallel_loop3A_509 : i32 to vector<16xi32>
        %parallel_loop3A_511 = arith.shli %parallel_loop3A_508, %parallel_loop3A_510 : vector<16xi32>
        %parallel_loop3A_512 = arith.ori %parallel_loop3A_505, %parallel_loop3A_511 : vector<16xi32>
        %parallel_loop3A_513 = arith.index_cast %parallel_loop3A_219 : i32 to index
        %parallel_loop3A_514 = arith.constant 624 : index
        %parallel_loop3A_515 = tpu.vector_load %arg19[%parallel_loop3A_513, %parallel_loop3A_514] {strides = array<i32>} : memref<8x640xi32, #tpu.memory_space<vmem>>, vector<16xi32>,
        %parallel_loop3A_516 = arith.constant 28 : i32
        %parallel_loop3A_517 = vector.broadcast %parallel_loop3A_516 : i32 to vector<16xi32>
        %parallel_loop3A_518 = arith.shli %parallel_loop3A_515, %parallel_loop3A_517 : vector<16xi32>
        %parallel_loop3A_519 = arith.ori %parallel_loop3A_512, %parallel_loop3A_518 : vector<16xi32>
        %parallel_loop3A_520 = arith.constant 8 : i32
        %parallel_loop3A_521 = arith.muli %add3A_214, %parallel_loop3A_520 : i32
        %parallel_loop3A_522 = arith.addi %parallel_loop3A_521, %parallel_loop3A_219 : i32
        %parallel_loop3A_523 = arith.constant 80 : i32
        %parallel_loop3A_524 = arith.muli %parallel_loop3A_522, %parallel_loop3A_523 : i32
        %parallel_loop3A_525 = arith.addi %mul3A_34, %parallel_loop3A_524 : i32
        %parallel_loop3A_526 = arith.constant 64 : i32
        %parallel_loop3A_527 = arith.addi %parallel_loop3A_525, %parallel_loop3A_526 : i32
        %parallel_loop3A_528 = arith.index_cast %parallel_loop3A_527 : i32 to index
        %parallel_loop3A_529 = tpu.vector_load %arg8[%parallel_loop3A_528] {strides = array<i32>} : memref<51200xi32, #tpu.memory_space<vmem>>, vector<16xi32>,
        tpu.vector_store %arg8[%parallel_loop3A_528], %parallel_loop3A_519 {strides = array<i32>} : memref<51200xi32, #tpu.memory_space<vmem>>, vector<16xi32>,
      } {sc.loop_unroll_factor = 1 : i64, sc.parallel_access}
      %scan3A_218 = arith.constant 0 : i32
      scf.yield %scan3A_218 : i32
    }
    %scan3A_47 = arith.constant 20 : i32
    %add3A_48 = arith.constant 0 : i32
    %add3A_49 = arith.addi %mul3A_32, %add3A_48 : i32
    %dma_wait3A = arith.constant 0 : i32
    %dma_wait3A_50 = tpu.memref_slice %arg6[%select_n3A, %add3A_49, %dma_wait3A] : memref<16x640x640xi32, #tpu.memory_space<hbm>> -> memref<1x8x640xi32, #tpu.memory_space<hbm>>
    %dma_wait3A_51 = tpu.memref_squeeze %dma_wait3A_50 : memref<1x8x640xi32, #tpu.memory_space<hbm>> -> memref<8x640xi32, #tpu.memory_space<hbm>>
    %dma_wait3A_52 = arith.constant 0 : i32
    %dma_wait3A_53 = tpu.memref_slice %arg6[%select_n3A, %add3A_49, %dma_wait3A_52] : memref<16x640x640xi32, #tpu.memory_space<hbm>> -> memref<1x8x640xi32, #tpu.memory_space<hbm>>
    %dma_wait3A_54 = tpu.memref_squeeze %dma_wait3A_53 : memref<1x8x640xi32, #tpu.memory_space<hbm>> -> memref<8x640xi32, #tpu.memory_space<hbm>>
    tpu.wait_dma2 semaphore(%arg23 : memref<!tpu.dma_semaphore, #tpu.memory_space<semaphore_mem>>) src(%dma_wait3A_54 : memref<8x640xi32, #tpu.memory_space<hbm>>) dst(%arg13 : memref<8x640xi32, #tpu.memory_space<vmem>>)
    %add3A_55 = arith.constant 0 : i32
    %add3A_56 = arith.addi %mul3A_32, %add3A_55 : i32
    %dma_start3A_57 = arith.constant 0 : i32
    %dma_start3A_58 = arith.constant 0 : i32
    %dma_start3A_59 = tpu.memref_slice %arg2[%select_n3A, %dma_start3A_57, %add3A_56, %dma_start3A_58] : memref<16x2x640x640xf32, #tpu.memory_space<hbm>> -> memref<1x1x8x640xf32, #tpu.memory_space<hbm>>
    %dma_start3A_60 = tpu.memref_squeeze %dma_start3A_59 : memref<1x1x8x640xf32, #tpu.memory_space<hbm>> -> memref<8x640xf32, #tpu.memory_space<hbm>>
    %dma_start3A_61 = arith.constant 0 : i32
    %dma_start3A_62 = tpu.memref_slice %arg2[%select_n3A, %dma_start3A_57, %add3A_56, %dma_start3A_61] : memref<16x2x640x640xf32, #tpu.memory_space<hbm>> -> memref<1x1x8x640xf32, #tpu.memory_space<hbm>>
    %dma_start3A_63 = tpu.memref_squeeze %dma_start3A_62 : memref<1x1x8x640xf32, #tpu.memory_space<hbm>> -> memref<8x640xf32, #tpu.memory_space<hbm>>
    tpu.enqueue_dma source(%dma_start3A_63 : memref<8x640xf32, #tpu.memory_space<hbm>>) target(%arg9 : memref<8x640xf32, #tpu.memory_space<vmem>>) target_semaphore(%arg23 : memref<!tpu.dma_semaphore, #tpu.memory_space<semaphore_mem>>)
    %dma_start3A_64 = arith.constant 1 : i32
    %dma_start3A_65 = arith.constant 0 : i32
    %dma_start3A_66 = tpu.memref_slice %arg2[%select_n3A, %dma_start3A_64, %add3A_56, %dma_start3A_65] : memref<16x2x640x640xf32, #tpu.memory_space<hbm>> -> memref<1x1x8x640xf32, #tpu.memory_space<hbm>>
    %dma_start3A_67 = tpu.memref_squeeze %dma_start3A_66 : memref<1x1x8x640xf32, #tpu.memory_space<hbm>> -> memref<8x640xf32, #tpu.memory_space<hbm>>
    %dma_start3A_68 = arith.constant 0 : i32
    %dma_start3A_69 = tpu.memref_slice %arg2[%select_n3A, %dma_start3A_64, %add3A_56, %dma_start3A_68] : memref<16x2x640x640xf32, #tpu.memory_space<hbm>> -> memref<1x1x8x640xf32, #tpu.memory_space<hbm>>
    %dma_start3A_70 = tpu.memref_squeeze %dma_start3A_69 : memref<1x1x8x640xf32, #tpu.memory_space<hbm>> -> memref<8x640xf32, #tpu.memory_space<hbm>>
    tpu.enqueue_dma source(%dma_start3A_70 : memref<8x640xf32, #tpu.memory_space<hbm>>) target(%arg10 : memref<8x640xf32, #tpu.memory_space<vmem>>) target_semaphore(%arg23 : memref<!tpu.dma_semaphore, #tpu.memory_space<semaphore_mem>>)
    %dma_start3A_71 = arith.constant 0 : i32
    %dma_start3A_72 = arith.constant 0 : i32
    %dma_start3A_73 = tpu.memref_slice %arg3[%select_n3A, %dma_start3A_71, %add3A_56, %dma_start3A_72] : memref<16x2x640x640xf32, #tpu.memory_space<hbm>> -> memref<1x1x8x640xf32, #tpu.memory_space<hbm>>
    %dma_start3A_74 = tpu.memref_squeeze %dma_start3A_73 : memref<1x1x8x640xf32, #tpu.memory_space<hbm>> -> memref<8x640xf32, #tpu.memory_space<hbm>>
    %dma_start3A_75 = arith.constant 0 : i32
    %dma_start3A_76 = tpu.memref_slice %arg3[%select_n3A, %dma_start3A_71, %add3A_56, %dma_start3A_75] : memref<16x2x640x640xf32, #tpu.memory_space<hbm>> -> memref<1x1x8x640xf32, #tpu.memory_space<hbm>>
    %dma_start3A_77 = tpu.memref_squeeze %dma_start3A_76 : memref<1x1x8x640xf32, #tpu.memory_space<hbm>> -> memref<8x640xf32, #tpu.memory_space<hbm>>
    tpu.enqueue_dma source(%dma_start3A_77 : memref<8x640xf32, #tpu.memory_space<hbm>>) target(%arg11 : memref<8x640xf32, #tpu.memory_space<vmem>>) target_semaphore(%arg23 : memref<!tpu.dma_semaphore, #tpu.memory_space<semaphore_mem>>)
    %dma_start3A_78 = arith.constant 1 : i32
    %dma_start3A_79 = arith.constant 0 : i32
    %dma_start3A_80 = tpu.memref_slice %arg3[%select_n3A, %dma_start3A_78, %add3A_56, %dma_start3A_79] : memref<16x2x640x640xf32, #tpu.memory_space<hbm>> -> memref<1x1x8x640xf32, #tpu.memory_space<hbm>>
    %dma_start3A_81 = tpu.memref_squeeze %dma_start3A_80 : memref<1x1x8x640xf32, #tpu.memory_space<hbm>> -> memref<8x640xf32, #tpu.memory_space<hbm>>
    %dma_start3A_82 = arith.constant 0 : i32
    %dma_start3A_83 = tpu.memref_slice %arg3[%select_n3A, %dma_start3A_78, %add3A_56, %dma_start3A_82] : memref<16x2x640x640xf32, #tpu.memory_space<hbm>> -> memref<1x1x8x640xf32, #tpu.memory_space<hbm>>
    %dma_start3A_84 = tpu.memref_squeeze %dma_start3A_83 : memref<1x1x8x640xf32, #tpu.memory_space<hbm>> -> memref<8x640xf32, #tpu.memory_space<hbm>>
    tpu.enqueue_dma source(%dma_start3A_84 : memref<8x640xf32, #tpu.memory_space<hbm>>) target(%arg12 : memref<8x640xf32, #tpu.memory_space<vmem>>) target_semaphore(%arg23 : memref<!tpu.dma_semaphore, #tpu.memory_space<semaphore_mem>>)
    %dma_start3A_85 = arith.constant 0 : i32
    %dma_start3A_86 = tpu.memref_slice %arg4[%select_n3A, %add3A_56, %dma_start3A_85] : memref<16x640x640xi32, #tpu.memory_space<hbm>> -> memref<1x8x640xi32, #tpu.memory_space<hbm>>
    %dma_start3A_87 = tpu.memref_squeeze %dma_start3A_86 : memref<1x8x640xi32, #tpu.memory_space<hbm>> -> memref<8x640xi32, #tpu.memory_space<hbm>>
    %dma_start3A_88 = arith.constant 0 : i32
    %dma_start3A_89 = tpu.memref_slice %arg4[%select_n3A, %add3A_56, %dma_start3A_88] : memref<16x640x640xi32, #tpu.memory_space<hbm>> -> memref<1x8x640xi32, #tpu.memory_space<hbm>>
    %dma_start3A_90 = tpu.memref_squeeze %dma_start3A_89 : memref<1x8x640xi32, #tpu.memory_space<hbm>> -> memref<8x640xi32, #tpu.memory_space<hbm>>
    tpu.enqueue_dma source(%dma_start3A_90 : memref<8x640xi32, #tpu.memory_space<hbm>>) target(%arg13 : memref<8x640xi32, #tpu.memory_space<vmem>>) target_semaphore(%arg23 : memref<!tpu.dma_semaphore, #tpu.memory_space<semaphore_mem>>)
    %dma_start3A_91 = arith.constant 0 : i32
    %dma_start3A_92 = tpu.memref_slice %arg5[%select_n3A, %add3A_56, %dma_start3A_91] : memref<16x640x640xi32, #tpu.memory_space<hbm>> -> memref<1x8x640xi32, #tpu.memory_space<hbm>>
    %dma_start3A_93 = tpu.memref_squeeze %dma_start3A_92 : memref<1x8x640xi32, #tpu.memory_space<hbm>> -> memref<8x640xi32, #tpu.memory_space<hbm>>
    %dma_start3A_94 = arith.constant 0 : i32
    %dma_start3A_95 = tpu.memref_slice %arg5[%select_n3A, %add3A_56, %dma_start3A_94] : memref<16x640x640xi32, #tpu.memory_space<hbm>> -> memref<1x8x640xi32, #tpu.memory_space<hbm>>
    %dma_start3A_96 = tpu.memref_squeeze %dma_start3A_95 : memref<1x8x640xi32, #tpu.memory_space<hbm>> -> memref<8x640xi32, #tpu.memory_space<hbm>>
    tpu.enqueue_dma source(%dma_start3A_96 : memref<8x640xi32, #tpu.memory_space<hbm>>) target(%arg14 : memref<8x640xi32, #tpu.memory_space<vmem>>) target_semaphore(%arg23 : memref<!tpu.dma_semaphore, #tpu.memory_space<semaphore_mem>>)
    %mul3A_97 = arith.constant 51200 : i32
    %mul3A_98 = arith.muli %select_n3A, %mul3A_97 : i32
    %add3A_99 = arith.addi %mul3A_98, %mul3A_34 : i32
    "tpu.region"() ({
      %run_scoped3A = tpu.sem_alloc : memref<!tpu.dma_semaphore, #tpu.memory_space<semaphore_mem>>
      %dma_start3A_163 = tpu.memref_slice %arg8[%mul3A_34] : memref<51200xi32, #tpu.memory_space<vmem>> -> memref<25600xi32, #tpu.memory_space<vmem>>
      %dma_start3A_164 = tpu.memref_slice %arg22[%add3A_99] : memref<819200xi32, #tpu.memory_space<hbm>> -> memref<25600xi32, #tpu.memory_space<hbm>>
      %dma_start3A_165 = tpu.memref_slice %arg22[%add3A_99] : memref<819200xi32, #tpu.memory_space<hbm>> -> memref<25600xi32, #tpu.memory_space<hbm>>
      %dma_start3A_166 = tpu.memref_slice %arg8[%mul3A_34] : memref<51200xi32, #tpu.memory_space<vmem>> -> memref<25600xi32, #tpu.memory_space<vmem>>
      tpu.enqueue_dma source(%dma_start3A_166 : memref<25600xi32, #tpu.memory_space<vmem>>) target(%dma_start3A_165 : memref<25600xi32, #tpu.memory_space<hbm>>) target_semaphore(%run_scoped3A : memref<!tpu.dma_semaphore, #tpu.memory_space<semaphore_mem>>)
      %dma_wait3A_167 = tpu.memref_slice %arg8[%mul3A_34] : memref<51200xi32, #tpu.memory_space<vmem>> -> memref<25600xi32, #tpu.memory_space<vmem>>
      %dma_wait3A_168 = tpu.memref_slice %arg22[%add3A_99] : memref<819200xi32, #tpu.memory_space<hbm>> -> memref<25600xi32, #tpu.memory_space<hbm>>
      %dma_wait3A_169 = tpu.memref_slice %arg22[%add3A_99] : memref<819200xi32, #tpu.memory_space<hbm>> -> memref<25600xi32, #tpu.memory_space<hbm>>
      %dma_wait3A_170 = tpu.memref_slice %arg8[%mul3A_34] : memref<51200xi32, #tpu.memory_space<vmem>> -> memref<25600xi32, #tpu.memory_space<vmem>>
      tpu.wait_dma2 semaphore(%run_scoped3A : memref<!tpu.dma_semaphore, #tpu.memory_space<semaphore_mem>>) src(%dma_wait3A_170 : memref<25600xi32, #tpu.memory_space<vmem>>) dst(%dma_wait3A_169 : memref<25600xi32, #tpu.memory_space<hbm>>)
      tpu.yield
    }) : () -> ()
    %barrier3A = arith.constant 0 : index
    tpu.barrier barrier_id(%barrier3A)
    %sub3A_100 = arith.constant 1 : i32
    %sub3A_101 = arith.subi %sub3A_100, %select_n3A_30 : i32
    %mul3A_102 = arith.constant 25600 : i32
    %mul3A_103 = arith.muli %sub3A_101, %mul3A_102 : i32
    %mul3A_104 = arith.constant 51200 : i32
    %mul3A_105 = arith.muli %select_n3A, %mul3A_104 : i32
    %add3A_106 = arith.addi %mul3A_105, %mul3A_103 : i32
    "tpu.region"() ({
      %run_scoped3A = tpu.sem_alloc : memref<!tpu.dma_semaphore, #tpu.memory_space<semaphore_mem>>
      %dma_start3A_163 = tpu.memref_slice %arg8[%mul3A_103] : memref<51200xi32, #tpu.memory_space<vmem>> -> memref<25600xi32, #tpu.memory_space<vmem>>
      %dma_start3A_164 = tpu.memref_slice %arg22[%add3A_106] : memref<819200xi32, #tpu.memory_space<hbm>> -> memref<25600xi32, #tpu.memory_space<hbm>>
      %dma_start3A_165 = tpu.memref_slice %arg8[%mul3A_103] : memref<51200xi32, #tpu.memory_space<vmem>> -> memref<25600xi32, #tpu.memory_space<vmem>>
      %dma_start3A_166 = tpu.memref_slice %arg22[%add3A_106] : memref<819200xi32, #tpu.memory_space<hbm>> -> memref<25600xi32, #tpu.memory_space<hbm>>
      tpu.enqueue_dma source(%dma_start3A_166 : memref<25600xi32, #tpu.memory_space<hbm>>) target(%dma_start3A_165 : memref<25600xi32, #tpu.memory_space<vmem>>) target_semaphore(%run_scoped3A : memref<!tpu.dma_semaphore, #tpu.memory_space<semaphore_mem>>)
      %dma_wait3A_167 = tpu.memref_slice %arg8[%mul3A_103] : memref<51200xi32, #tpu.memory_space<vmem>> -> memref<25600xi32, #tpu.memory_space<vmem>>
      %dma_wait3A_168 = tpu.memref_slice %arg22[%add3A_106] : memref<819200xi32, #tpu.memory_space<hbm>> -> memref<25600xi32, #tpu.memory_space<hbm>>
      %dma_wait3A_169 = tpu.memref_slice %arg8[%mul3A_103] : memref<51200xi32, #tpu.memory_space<vmem>> -> memref<25600xi32, #tpu.memory_space<vmem>>
      %dma_wait3A_170 = tpu.memref_slice %arg22[%add3A_106] : memref<819200xi32, #tpu.memory_space<hbm>> -> memref<25600xi32, #tpu.memory_space<hbm>>
      tpu.wait_dma2 semaphore(%run_scoped3A : memref<!tpu.dma_semaphore, #tpu.memory_space<semaphore_mem>>) src(%dma_wait3A_170 : memref<25600xi32, #tpu.memory_space<hbm>>) dst(%dma_wait3A_169 : memref<25600xi32, #tpu.memory_space<vmem>>)
      tpu.yield
    }) : () -> ()
    %broadcast_in_dim3A = arith.constant 0.000000e+00 : f32
    %broadcast_in_dim3A_107 = vector.broadcast %broadcast_in_dim3A : f32 to vector<16xf32>
    %scan3A_108 = arith.constant 0 : i32
    %scan3A_109 = arith.constant 20 : i32
    %scan3A_110 = arith.addi %scan3A_108, %scan3A_109 : i32
    %scan3A_111 = arith.constant 1 : i32
    %scan3A_112:3 = scf.for %scan3A_163 = %scan3A_108 to %scan3A_110 step %scan3A_111 iter_args(%scan3A_164 = %broadcast_in_dim3A_107, %scan3A_165 = %broadcast_in_dim3A_107, %scan3A_166 = %broadcast_in_dim3A_107) -> (vector<16xf32>, vector<16xf32>, vector<16xf32>)  : i32 {
      %mul3A_167 = arith.constant 2 : i32
      %mul3A_168 = arith.muli %mul3A_167, %scan3A_163 : i32
      %add3A_169 = arith.constant 1 : i32
      %add3A_170 = arith.addi %mul3A_168, %add3A_169 : i32
      %mul3A_171 = arith.constant 8 : i32
      %mul3A_172 = arith.muli %add3A_170, %mul3A_171 : i32
      %add3A_173 = arith.addi %mul3A_32, %mul3A_172 : i32
      %dma_start3A_174 = arith.constant 0 : i32
      %dma_start3A_175 = arith.constant 0 : i32
      %dma_start3A_176 = tpu.memref_slice %arg2[%select_n3A, %dma_start3A_174, %add3A_173, %dma_start3A_175] : memref<16x2x640x640xf32, #tpu.memory_space<hbm>> -> memref<1x1x8x640xf32, #tpu.memory_space<hbm>>
      %dma_start3A_177 = tpu.memref_squeeze %dma_start3A_176 : memref<1x1x8x640xf32, #tpu.memory_space<hbm>> -> memref<8x640xf32, #tpu.memory_space<hbm>>
      %dma_start3A_178 = arith.constant 0 : i32
      %dma_start3A_179 = tpu.memref_slice %arg2[%select_n3A, %dma_start3A_174, %add3A_173, %dma_start3A_178] : memref<16x2x640x640xf32, #tpu.memory_space<hbm>> -> memref<1x1x8x640xf32, #tpu.memory_space<hbm>>
      %dma_start3A_180 = tpu.memref_squeeze %dma_start3A_179 : memref<1x1x8x640xf32, #tpu.memory_space<hbm>> -> memref<8x640xf32, #tpu.memory_space<hbm>>
      tpu.enqueue_dma source(%dma_start3A_180 : memref<8x640xf32, #tpu.memory_space<hbm>>) target(%arg15 : memref<8x640xf32, #tpu.memory_space<vmem>>) target_semaphore(%arg24 : memref<!tpu.dma_semaphore, #tpu.memory_space<semaphore_mem>>)
      %dma_start3A_181 = arith.constant 1 : i32
      %dma_start3A_182 = arith.constant 0 : i32
      %dma_start3A_183 = tpu.memref_slice %arg2[%select_n3A, %dma_start3A_181, %add3A_173, %dma_start3A_182] : memref<16x2x640x640xf32, #tpu.memory_space<hbm>> -> memref<1x1x8x640xf32, #tpu.memory_space<hbm>>
      %dma_start3A_184 = tpu.memref_squeeze %dma_start3A_183 : memref<1x1x8x640xf32, #tpu.memory_space<hbm>> -> memref<8x640xf32, #tpu.memory_space<hbm>>
      %dma_start3A_185 = arith.constant 0 : i32
      %dma_start3A_186 = tpu.memref_slice %arg2[%select_n3A, %dma_start3A_181, %add3A_173, %dma_start3A_185] : memref<16x2x640x640xf32, #tpu.memory_space<hbm>> -> memref<1x1x8x640xf32, #tpu.memory_space<hbm>>
      %dma_start3A_187 = tpu.memref_squeeze %dma_start3A_186 : memref<1x1x8x640xf32, #tpu.memory_space<hbm>> -> memref<8x640xf32, #tpu.memory_space<hbm>>
      tpu.enqueue_dma source(%dma_start3A_187 : memref<8x640xf32, #tpu.memory_space<hbm>>) target(%arg16 : memref<8x640xf32, #tpu.memory_space<vmem>>) target_semaphore(%arg24 : memref<!tpu.dma_semaphore, #tpu.memory_space<semaphore_mem>>)
      %dma_start3A_188 = arith.constant 0 : i32
      %dma_start3A_189 = arith.constant 0 : i32
      %dma_start3A_190 = tpu.memref_slice %arg3[%select_n3A, %dma_start3A_188, %add3A_173, %dma_start3A_189] : memref<16x2x640x640xf32, #tpu.memory_space<hbm>> -> memref<1x1x8x640xf32, #tpu.memory_space<hbm>>
      %dma_start3A_191 = tpu.memref_squeeze %dma_start3A_190 : memref<1x1x8x640xf32, #tpu.memory_space<hbm>> -> memref<8x640xf32, #tpu.memory_space<hbm>>
      %dma_start3A_192 = arith.constant 0 : i32
      %dma_start3A_193 = tpu.memref_slice %arg3[%select_n3A, %dma_start3A_188, %add3A_173, %dma_start3A_192] : memref<16x2x640x640xf32, #tpu.memory_space<hbm>> -> memref<1x1x8x640xf32, #tpu.memory_space<hbm>>
      %dma_start3A_194 = tpu.memref_squeeze %dma_start3A_193 : memref<1x1x8x640xf32, #tpu.memory_space<hbm>> -> memref<8x640xf32, #tpu.memory_space<hbm>>
      tpu.enqueue_dma source(%dma_start3A_194 : memref<8x640xf32, #tpu.memory_space<hbm>>) target(%arg17 : memref<8x640xf32, #tpu.memory_space<vmem>>) target_semaphore(%arg24 : memref<!tpu.dma_semaphore, #tpu.memory_space<semaphore_mem>>)
      %dma_start3A_195 = arith.constant 1 : i32
      %dma_start3A_196 = arith.constant 0 : i32
      %dma_start3A_197 = tpu.memref_slice %arg3[%select_n3A, %dma_start3A_195, %add3A_173, %dma_start3A_196] : memref<16x2x640x640xf32, #tpu.memory_space<hbm>> -> memref<1x1x8x640xf32, #tpu.memory_space<hbm>>
      %dma_start3A_198 = tpu.memref_squeeze %dma_start3A_197 : memref<1x1x8x640xf32, #tpu.memory_space<hbm>> -> memref<8x640xf32, #tpu.memory_space<hbm>>
      %dma_start3A_199 = arith.constant 0 : i32
      %dma_start3A_200 = tpu.memref_slice %arg3[%select_n3A, %dma_start3A_195, %add3A_173, %dma_start3A_199] : memref<16x2x640x640xf32, #tpu.memory_space<hbm>> -> memref<1x1x8x640xf32, #tpu.memory_space<hbm>>
      %dma_start3A_201 = tpu.memref_squeeze %dma_start3A_200 : memref<1x1x8x640xf32, #tpu.memory_space<hbm>> -> memref<8x640xf32, #tpu.memory_space<hbm>>
      tpu.enqueue_dma source(%dma_start3A_201 : memref<8x640xf32, #tpu.memory_space<hbm>>) target(%arg18 : memref<8x640xf32, #tpu.memory_space<vmem>>) target_semaphore(%arg24 : memref<!tpu.dma_semaphore, #tpu.memory_space<semaphore_mem>>)
      %dma_start3A_202 = arith.constant 0 : i32
      %dma_start3A_203 = tpu.memref_slice %arg4[%select_n3A, %add3A_173, %dma_start3A_202] : memref<16x640x640xi32, #tpu.memory_space<hbm>> -> memref<1x8x640xi32, #tpu.memory_space<hbm>>
      %dma_start3A_204 = tpu.memref_squeeze %dma_start3A_203 : memref<1x8x640xi32, #tpu.memory_space<hbm>> -> memref<8x640xi32, #tpu.memory_space<hbm>>
      %dma_start3A_205 = arith.constant 0 : i32
      %dma_start3A_206 = tpu.memref_slice %arg4[%select_n3A, %add3A_173, %dma_start3A_205] : memref<16x640x640xi32, #tpu.memory_space<hbm>> -> memref<1x8x640xi32, #tpu.memory_space<hbm>>
      %dma_start3A_207 = tpu.memref_squeeze %dma_start3A_206 : memref<1x8x640xi32, #tpu.memory_space<hbm>> -> memref<8x640xi32, #tpu.memory_space<hbm>>
      tpu.enqueue_dma source(%dma_start3A_207 : memref<8x640xi32, #tpu.memory_space<hbm>>) target(%arg19 : memref<8x640xi32, #tpu.memory_space<vmem>>) target_semaphore(%arg24 : memref<!tpu.dma_semaphore, #tpu.memory_space<semaphore_mem>>)
      %dma_start3A_208 = arith.constant 0 : i32
      %dma_start3A_209 = tpu.memref_slice %arg5[%select_n3A, %add3A_173, %dma_start3A_208] : memref<16x640x640xi32, #tpu.memory_space<hbm>> -> memref<1x8x640xi32, #tpu.memory_space<hbm>>
      %dma_start3A_210 = tpu.memref_squeeze %dma_start3A_209 : memref<1x8x640xi32, #tpu.memory_space<hbm>> -> memref<8x640xi32, #tpu.memory_space<hbm>>
      %dma_start3A_211 = arith.constant 0 : i32
      %dma_start3A_212 = tpu.memref_slice %arg5[%select_n3A, %add3A_173, %dma_start3A_211] : memref<16x640x640xi32, #tpu.memory_space<hbm>> -> memref<1x8x640xi32, #tpu.memory_space<hbm>>
      %dma_start3A_213 = tpu.memref_squeeze %dma_start3A_212 : memref<1x8x640xi32, #tpu.memory_space<hbm>> -> memref<8x640xi32, #tpu.memory_space<hbm>>
      tpu.enqueue_dma source(%dma_start3A_213 : memref<8x640xi32, #tpu.memory_space<hbm>>) target(%arg20 : memref<8x640xi32, #tpu.memory_space<vmem>>) target_semaphore(%arg24 : memref<!tpu.dma_semaphore, #tpu.memory_space<semaphore_mem>>)
      %mul3A_214 = arith.constant 8 : i32
      %mul3A_215 = arith.muli %mul3A_168, %mul3A_214 : i32
      %add3A_216 = arith.addi %mul3A_32, %mul3A_215 : i32
      %dma_wait3A_217 = arith.constant 0 : i32
      %dma_wait3A_218 = arith.constant 0 : i32
      %dma_wait3A_219 = tpu.memref_slice %arg2[%select_n3A, %dma_wait3A_217, %add3A_216, %dma_wait3A_218] : memref<16x2x640x640xf32, #tpu.memory_space<hbm>> -> memref<1x1x8x640xf32, #tpu.memory_space<hbm>>
      %dma_wait3A_220 = tpu.memref_squeeze %dma_wait3A_219 : memref<1x1x8x640xf32, #tpu.memory_space<hbm>> -> memref<8x640xf32, #tpu.memory_space<hbm>>
      %dma_wait3A_221 = arith.constant 0 : i32
      %dma_wait3A_222 = tpu.memref_slice %arg2[%select_n3A, %dma_wait3A_217, %add3A_216, %dma_wait3A_221] : memref<16x2x640x640xf32, #tpu.memory_space<hbm>> -> memref<1x1x8x640xf32, #tpu.memory_space<hbm>>
      %dma_wait3A_223 = tpu.memref_squeeze %dma_wait3A_222 : memref<1x1x8x640xf32, #tpu.memory_space<hbm>> -> memref<8x640xf32, #tpu.memory_space<hbm>>
      tpu.wait_dma2 semaphore(%arg23 : memref<!tpu.dma_semaphore, #tpu.memory_space<semaphore_mem>>) src(%dma_wait3A_223 : memref<8x640xf32, #tpu.memory_space<hbm>>) dst(%arg9 : memref<8x640xf32, #tpu.memory_space<vmem>>)
      %dma_wait3A_224 = arith.constant 1 : i32
      %dma_wait3A_225 = arith.constant 0 : i32
      %dma_wait3A_226 = tpu.memref_slice %arg2[%select_n3A, %dma_wait3A_224, %add3A_216, %dma_wait3A_225] : memref<16x2x640x640xf32, #tpu.memory_space<hbm>> -> memref<1x1x8x640xf32, #tpu.memory_space<hbm>>
      %dma_wait3A_227 = tpu.memref_squeeze %dma_wait3A_226 : memref<1x1x8x640xf32, #tpu.memory_space<hbm>> -> memref<8x640xf32, #tpu.memory_space<hbm>>
      %dma_wait3A_228 = arith.constant 0 : i32
      %dma_wait3A_229 = tpu.memref_slice %arg2[%select_n3A, %dma_wait3A_224, %add3A_216, %dma_wait3A_228] : memref<16x2x640x640xf32, #tpu.memory_space<hbm>> -> memref<1x1x8x640xf32, #tpu.memory_space<hbm>>
      %dma_wait3A_230 = tpu.memref_squeeze %dma_wait3A_229 : memref<1x1x8x640xf32, #tpu.memory_space<hbm>> -> memref<8x640xf32, #tpu.memory_space<hbm>>
      tpu.wait_dma2 semaphore(%arg23 : memref<!tpu.dma_semaphore, #tpu.memory_space<semaphore_mem>>) src(%dma_wait3A_230 : memref<8x640xf32, #tpu.memory_space<hbm>>) dst(%arg10 : memref<8x640xf32, #tpu.memory_space<vmem>>)
      %dma_wait3A_231 = arith.constant 0 : i32
      %dma_wait3A_232 = arith.constant 0 : i32
      %dma_wait3A_233 = tpu.memref_slice %arg3[%select_n3A, %dma_wait3A_231, %add3A_216, %dma_wait3A_232] : memref<16x2x640x640xf32, #tpu.memory_space<hbm>> -> memref<1x1x8x640xf32, #tpu.memory_space<hbm>>
      %dma_wait3A_234 = tpu.memref_squeeze %dma_wait3A_233 : memref<1x1x8x640xf32, #tpu.memory_space<hbm>> -> memref<8x640xf32, #tpu.memory_space<hbm>>
      %dma_wait3A_235 = arith.constant 0 : i32
      %dma_wait3A_236 = tpu.memref_slice %arg3[%select_n3A, %dma_wait3A_231, %add3A_216, %dma_wait3A_235] : memref<16x2x640x640xf32, #tpu.memory_space<hbm>> -> memref<1x1x8x640xf32, #tpu.memory_space<hbm>>
      %dma_wait3A_237 = tpu.memref_squeeze %dma_wait3A_236 : memref<1x1x8x640xf32, #tpu.memory_space<hbm>> -> memref<8x640xf32, #tpu.memory_space<hbm>>
      tpu.wait_dma2 semaphore(%arg23 : memref<!tpu.dma_semaphore, #tpu.memory_space<semaphore_mem>>) src(%dma_wait3A_237 : memref<8x640xf32, #tpu.memory_space<hbm>>) dst(%arg11 : memref<8x640xf32, #tpu.memory_space<vmem>>)
      %dma_wait3A_238 = arith.constant 1 : i32
      %dma_wait3A_239 = arith.constant 0 : i32
      %dma_wait3A_240 = tpu.memref_slice %arg3[%select_n3A, %dma_wait3A_238, %add3A_216, %dma_wait3A_239] : memref<16x2x640x640xf32, #tpu.memory_space<hbm>> -> memref<1x1x8x640xf32, #tpu.memory_space<hbm>>
      %dma_wait3A_241 = tpu.memref_squeeze %dma_wait3A_240 : memref<1x1x8x640xf32, #tpu.memory_space<hbm>> -> memref<8x640xf32, #tpu.memory_space<hbm>>
      %dma_wait3A_242 = arith.constant 0 : i32
      %dma_wait3A_243 = tpu.memref_slice %arg3[%select_n3A, %dma_wait3A_238, %add3A_216, %dma_wait3A_242] : memref<16x2x640x640xf32, #tpu.memory_space<hbm>> -> memref<1x1x8x640xf32, #tpu.memory_space<hbm>>
      %dma_wait3A_244 = tpu.memref_squeeze %dma_wait3A_243 : memref<1x1x8x640xf32, #tpu.memory_space<hbm>> -> memref<8x640xf32, #tpu.memory_space<hbm>>
      tpu.wait_dma2 semaphore(%arg23 : memref<!tpu.dma_semaphore, #tpu.memory_space<semaphore_mem>>) src(%dma_wait3A_244 : memref<8x640xf32, #tpu.memory_space<hbm>>) dst(%arg12 : memref<8x640xf32, #tpu.memory_space<vmem>>)
      %dma_wait3A_245 = arith.constant 0 : i32
      %dma_wait3A_246 = tpu.memref_slice %arg4[%select_n3A, %add3A_216, %dma_wait3A_245] : memref<16x640x640xi32, #tpu.memory_space<hbm>> -> memref<1x8x640xi32, #tpu.memory_space<hbm>>
      %dma_wait3A_247 = tpu.memref_squeeze %dma_wait3A_246 : memref<1x8x640xi32, #tpu.memory_space<hbm>> -> memref<8x640xi32, #tpu.memory_space<hbm>>
      %dma_wait3A_248 = arith.constant 0 : i32
      %dma_wait3A_249 = tpu.memref_slice %arg4[%select_n3A, %add3A_216, %dma_wait3A_248] : memref<16x640x640xi32, #tpu.memory_space<hbm>> -> memref<1x8x640xi32, #tpu.memory_space<hbm>>
      %dma_wait3A_250 = tpu.memref_squeeze %dma_wait3A_249 : memref<1x8x640xi32, #tpu.memory_space<hbm>> -> memref<8x640xi32, #tpu.memory_space<hbm>>
      tpu.wait_dma2 semaphore(%arg23 : memref<!tpu.dma_semaphore, #tpu.memory_space<semaphore_mem>>) src(%dma_wait3A_250 : memref<8x640xi32, #tpu.memory_space<hbm>>) dst(%arg13 : memref<8x640xi32, #tpu.memory_space<vmem>>)
      %dma_wait3A_251 = arith.constant 0 : i32
      %dma_wait3A_252 = tpu.memref_slice %arg5[%select_n3A, %add3A_216, %dma_wait3A_251] : memref<16x640x640xi32, #tpu.memory_space<hbm>> -> memref<1x8x640xi32, #tpu.memory_space<hbm>>
      %dma_wait3A_253 = tpu.memref_squeeze %dma_wait3A_252 : memref<1x8x640xi32, #tpu.memory_space<hbm>> -> memref<8x640xi32, #tpu.memory_space<hbm>>
      %dma_wait3A_254 = arith.constant 0 : i32
      %dma_wait3A_255 = tpu.memref_slice %arg5[%select_n3A, %add3A_216, %dma_wait3A_254] : memref<16x640x640xi32, #tpu.memory_space<hbm>> -> memref<1x8x640xi32, #tpu.memory_space<hbm>>
      %dma_wait3A_256 = tpu.memref_squeeze %dma_wait3A_255 : memref<1x8x640xi32, #tpu.memory_space<hbm>> -> memref<8x640xi32, #tpu.memory_space<hbm>>
      tpu.wait_dma2 semaphore(%arg23 : memref<!tpu.dma_semaphore, #tpu.memory_space<semaphore_mem>>) src(%dma_wait3A_256 : memref<8x640xi32, #tpu.memory_space<hbm>>) dst(%arg14 : memref<8x640xi32, #tpu.memory_space<vmem>>)
      %mul3A_257 = arith.constant 8 : i32
      %mul3A_258 = arith.muli %mul3A_168, %mul3A_257 : i32
      %add3A_259 = arith.addi %mul3A_32, %mul3A_258 : i32
      %scan3A_260 = arith.constant 0 : i32
      %scan3A_261 = arith.constant 8 : i32
      %scan3A_262 = arith.addi %scan3A_260, %scan3A_261 : i32
      %scan3A_263 = arith.constant 1 : i32
      %scan3A_264:3 = scf.for %scan3A_369 = %scan3A_260 to %scan3A_262 step %scan3A_263 iter_args(%scan3A_370 = %scan3A_164, %scan3A_371 = %scan3A_165, %scan3A_372 = %scan3A_166) -> (vector<16xf32>, vector<16xf32>, vector<16xf32>)  : i32 {
        %add3A_373 = arith.addi %add3A_259, %scan3A_369 : i32
        %broadcast_in_dim3A_374 = vector.broadcast %add3A_373 : i32 to vector<16xi32>
        %convert_element_type3A = arith.sitofp %broadcast_in_dim3A_374 : vector<16xi32> to vector<16xf32>
        %parallel_loop3A = arith.constant 0 : i32
        %parallel_loop3A_375 = arith.constant 40 : i32
        %parallel_loop3A_376 = arith.constant 1 : i32
        %parallel_loop3A_377:3 = scf.for %parallel_loop3A_378 = %parallel_loop3A to %parallel_loop3A_375 step %parallel_loop3A_376 iter_args(%parallel_loop3A_379 = %scan3A_370, %parallel_loop3A_380 = %scan3A_371, %parallel_loop3A_381 = %scan3A_372) -> (vector<16xf32>, vector<16xf32>, vector<16xf32>)  : i32 {
          %parallel_loop3A_382 = arith.constant 16 : i32
          %parallel_loop3A_383 = arith.muli %parallel_loop3A_378, %parallel_loop3A_382 : i32
          %parallel_loop3A_384 = vector.broadcast %parallel_loop3A_383 : i32 to vector<16xi32>
          %parallel_loop3A_385 = arith.addi %parallel_loop3A_384, %iota3A : vector<16xi32>
          %parallel_loop3A_386 = arith.sitofp %parallel_loop3A_385 : vector<16xi32> to vector<16xf32>
          %parallel_loop3A_387 = arith.index_cast %scan3A_369 : i32 to index
          %parallel_loop3A_388 = arith.index_cast %parallel_loop3A_383 : i32 to index
          %parallel_loop3A_389 = tpu.vector_load %arg9[%parallel_loop3A_387, %parallel_loop3A_388] {strides = array<i32>} : memref<8x640xf32, #tpu.memory_space<vmem>>, vector<16xf32>,
          %parallel_loop3A_390 = arith.index_cast %scan3A_369 : i32 to index
          %parallel_loop3A_391 = arith.index_cast %parallel_loop3A_383 : i32 to index
          %parallel_loop3A_392 = tpu.vector_load %arg10[%parallel_loop3A_390, %parallel_loop3A_391] {strides = array<i32>} : memref<8x640xf32, #tpu.memory_space<vmem>>, vector<16xf32>,
          %parallel_loop3A_393 = arith.constant 1.000000e+01 : f32
          %parallel_loop3A_394 = vector.broadcast %parallel_loop3A_393 : f32 to vector<16xf32>
          %parallel_loop3A_395 = arith.mulf %parallel_loop3A_394, %parallel_loop3A_389 : vector<16xf32>
          %parallel_loop3A_396 = arith.addf %parallel_loop3A_386, %parallel_loop3A_395 : vector<16xf32>
          %parallel_loop3A_397 = arith.fptosi %parallel_loop3A_396 : vector<16xf32> to vector<16xi32>
          %parallel_loop3A_398 = arith.constant 0 : i32
          %parallel_loop3A_399 = arith.constant 639 : i32
          %parallel_loop3A_400 = vector.broadcast %parallel_loop3A_398 : i32 to vector<16xi32>
          %parallel_loop3A_401 = arith.maxsi %parallel_loop3A_400, %parallel_loop3A_397 : vector<16xi32>
          %parallel_loop3A_402 = vector.broadcast %parallel_loop3A_399 : i32 to vector<16xi32>
          %parallel_loop3A_403 = arith.minsi %parallel_loop3A_402, %parallel_loop3A_401 : vector<16xi32>
          %parallel_loop3A_404 = arith.constant 1.000000e+01 : f32
          %parallel_loop3A_405 = vector.broadcast %parallel_loop3A_404 : f32 to vector<16xf32>
          %parallel_loop3A_406 = arith.mulf %parallel_loop3A_405, %parallel_loop3A_392 : vector<16xf32>
          %parallel_loop3A_407 = arith.addf %convert_element_type3A, %parallel_loop3A_406 : vector<16xf32>
          %parallel_loop3A_408 = arith.fptosi %parallel_loop3A_407 : vector<16xf32> to vector<16xi32>
          %parallel_loop3A_409 = arith.constant 0 : i32
          %parallel_loop3A_410 = arith.constant 639 : i32
          %parallel_loop3A_411 = vector.broadcast %parallel_loop3A_409 : i32 to vector<16xi32>
          %parallel_loop3A_412 = arith.maxsi %parallel_loop3A_411, %parallel_loop3A_408 : vector<16xi32>
          %parallel_loop3A_413 = vector.broadcast %parallel_loop3A_410 : i32 to vector<16xi32>
          %parallel_loop3A_414 = arith.minsi %parallel_loop3A_413, %parallel_loop3A_412 : vector<16xi32>
          %parallel_loop3A_415 = arith.constant 80 : i32
          %parallel_loop3A_416 = vector.broadcast %parallel_loop3A_415 : i32 to vector<16xi32>
          %parallel_loop3A_417 = arith.divsi %parallel_loop3A_403, %parallel_loop3A_416 : vector<16xi32>
          %parallel_loop3A_418 = arith.constant 0 : i32
          %parallel_loop3A_419 = vector.broadcast %parallel_loop3A_418 : i32 to vector<16xi32>
          %parallel_loop3A_420 = arith.cmpi sgt, %parallel_loop3A_403, %parallel_loop3A_419 : vector<16xi32>
          %parallel_loop3A_421 = arith.extui %parallel_loop3A_420 : vector<16xi1> to vector<16xi32>
          %parallel_loop3A_422 = arith.constant 0 : i32
          %parallel_loop3A_423 = vector.broadcast %parallel_loop3A_422 : i32 to vector<16xi32>
          %parallel_loop3A_424 = arith.cmpi slt, %parallel_loop3A_403, %parallel_loop3A_423 : vector<16xi32>
          %parallel_loop3A_425 = arith.extui %parallel_loop3A_424 : vector<16xi1> to vector<16xi32>
          %parallel_loop3A_426 = arith.subi %parallel_loop3A_421, %parallel_loop3A_425 : vector<16xi32>
          %parallel_loop3A_427 = arith.constant 0 : i32
          %parallel_loop3A_428 = arith.cmpi sgt, %parallel_loop3A_415, %parallel_loop3A_427 : i32
          %parallel_loop3A_429 = arith.extui %parallel_loop3A_428 : i1 to i32
          %parallel_loop3A_430 = arith.constant 0 : i32
          %parallel_loop3A_431 = arith.cmpi slt, %parallel_loop3A_415, %parallel_loop3A_430 : i32
          %parallel_loop3A_432 = arith.extui %parallel_loop3A_431 : i1 to i32
          %parallel_loop3A_433 = arith.subi %parallel_loop3A_429, %parallel_loop3A_432 : i32
          %parallel_loop3A_434 = vector.broadcast %parallel_loop3A_433 : i32 to vector<16xi32>
          %parallel_loop3A_435 = arith.cmpi ne, %parallel_loop3A_426, %parallel_loop3A_434 : vector<16xi32>
          %parallel_loop3A_436 = vector.broadcast %parallel_loop3A_415 : i32 to vector<16xi32>
          %parallel_loop3A_437 = arith.remsi %parallel_loop3A_403, %parallel_loop3A_436 : vector<16xi32>
          %parallel_loop3A_438 = arith.constant 0 : i32
          %parallel_loop3A_439 = vector.broadcast %parallel_loop3A_438 : i32 to vector<16xi32>
          %parallel_loop3A_440 = arith.cmpi ne, %parallel_loop3A_437, %parallel_loop3A_439 : vector<16xi32>
          %parallel_loop3A_441 = arith.andi %parallel_loop3A_435, %parallel_loop3A_440 : vector<16xi1>
          %parallel_loop3A_442 = arith.constant 1 : i32
          %parallel_loop3A_443 = vector.broadcast %parallel_loop3A_442 : i32 to vector<16xi32>
          %parallel_loop3A_444 = arith.subi %parallel_loop3A_417, %parallel_loop3A_443 : vector<16xi32>
          %parallel_loop3A_445 = arith.select %parallel_loop3A_441, %parallel_loop3A_444, %parallel_loop3A_417 : vector<16xi1>, vector<16xi32>
          %parallel_loop3A_446 = arith.constant 80 : i32
          %parallel_loop3A_447 = vector.broadcast %parallel_loop3A_446 : i32 to vector<16xi32>
          %parallel_loop3A_448 = arith.muli %parallel_loop3A_445, %parallel_loop3A_447 : vector<16xi32>
          %parallel_loop3A_449 = arith.subi %parallel_loop3A_403, %parallel_loop3A_448 : vector<16xi32>
          %parallel_loop3A_450 = arith.constant 80 : i32
          %parallel_loop3A_451 = vector.broadcast %parallel_loop3A_450 : i32 to vector<16xi32>
          %parallel_loop3A_452 = arith.muli %parallel_loop3A_414, %parallel_loop3A_451 : vector<16xi32>
          %parallel_loop3A_453 = arith.addi %parallel_loop3A_452, %parallel_loop3A_449 : vector<16xi32>
          %parallel_loop3A_454 = tpu.vector_load_idx %arg8[%parallel_loop3A_453] : memref<51200xi32, #tpu.memory_space<vmem>>[vector<16xi32>], vector<16xi32>,
          %parallel_loop3A_455 = arith.constant 4 : i32
          %parallel_loop3A_456 = vector.broadcast %parallel_loop3A_455 : i32 to vector<16xi32>
          %parallel_loop3A_457 = arith.muli %parallel_loop3A_445, %parallel_loop3A_456 : vector<16xi32>
          %parallel_loop3A_458 = arith.shrui %parallel_loop3A_454, %parallel_loop3A_457 : vector<16xi32>
          %parallel_loop3A_459 = arith.constant 15 : i32
          %parallel_loop3A_460 = vector.broadcast %parallel_loop3A_459 : i32 to vector<16xi32>
          %parallel_loop3A_461 = arith.andi %parallel_loop3A_458, %parallel_loop3A_460 : vector<16xi32>
          %parallel_loop3A_462 = arith.index_cast %scan3A_369 : i32 to index
          %parallel_loop3A_463 = arith.index_cast %parallel_loop3A_383 : i32 to index
          %parallel_loop3A_464 = tpu.vector_load %arg13[%parallel_loop3A_462, %parallel_loop3A_463] {strides = array<i32>} : memref<8x640xi32, #tpu.memory_space<vmem>>, vector<16xi32>,
          %parallel_loop3A_465 = arith.index_cast %scan3A_369 : i32 to index
          %parallel_loop3A_466 = arith.index_cast %parallel_loop3A_383 : i32 to index
          %parallel_loop3A_467 = tpu.vector_load %arg14[%parallel_loop3A_465, %parallel_loop3A_466] {strides = array<i32>} : memref<8x640xi32, #tpu.memory_space<vmem>>, vector<16xi32>,
          %parallel_loop3A_468 = arith.sitofp %parallel_loop3A_467 : vector<16xi32> to vector<16xf32>
          %parallel_loop3A_469 = arith.cmpi ne, %parallel_loop3A_464, %parallel_loop3A_461 : vector<16xi32>
          %parallel_loop3A_470 = arith.constant 0.000000e+00 : f32
          %parallel_loop3A_471 = vector.broadcast %parallel_loop3A_470 : f32 to vector<16xf32>
          %parallel_loop3A_472 = arith.select %parallel_loop3A_469, %parallel_loop3A_468, %parallel_loop3A_471 : vector<16xi1>, vector<16xf32>
          %parallel_loop3A_473 = arith.index_cast %scan3A_369 : i32 to index
          %parallel_loop3A_474 = arith.index_cast %parallel_loop3A_383 : i32 to index
          %parallel_loop3A_475 = tpu.vector_load %arg11[%parallel_loop3A_473, %parallel_loop3A_474] {strides = array<i32>} : memref<8x640xf32, #tpu.memory_space<vmem>>, vector<16xf32>,
          %parallel_loop3A_476 = arith.index_cast %scan3A_369 : i32 to index
          %parallel_loop3A_477 = arith.index_cast %parallel_loop3A_383 : i32 to index
          %parallel_loop3A_478 = tpu.vector_load %arg12[%parallel_loop3A_476, %parallel_loop3A_477] {strides = array<i32>} : memref<8x640xf32, #tpu.memory_space<vmem>>, vector<16xf32>,
          %parallel_loop3A_479 = arith.subf %parallel_loop3A_389, %parallel_loop3A_475 : vector<16xf32>
          %parallel_loop3A_480 = math.absf %parallel_loop3A_479 : vector<16xf32>
          %parallel_loop3A_481 = arith.mulf %parallel_loop3A_480, %parallel_loop3A_472 : vector<16xf32>
          %parallel_loop3A_482 = arith.subf %parallel_loop3A_392, %parallel_loop3A_478 : vector<16xf32>
          %parallel_loop3A_483 = math.absf %parallel_loop3A_482 : vector<16xf32>
          %parallel_loop3A_484 = arith.mulf %parallel_loop3A_483, %parallel_loop3A_472 : vector<16xf32>
          %parallel_loop3A_485 = arith.constant 1.000000e+00 : f32
          %parallel_loop3A_486 = vector.broadcast %parallel_loop3A_485 : f32 to vector<16xf32>
          %parallel_loop3A_487 = arith.minimumf %parallel_loop3A_481, %parallel_loop3A_486 : vector<16xf32>
          %parallel_loop3A_488 = arith.constant 1.000000e+00 : f32
          %parallel_loop3A_489 = vector.broadcast %parallel_loop3A_488 : f32 to vector<16xf32>
          %parallel_loop3A_490 = arith.minimumf %parallel_loop3A_484, %parallel_loop3A_489 : vector<16xf32>
          %parallel_loop3A_491 = arith.constant 5.000000e-01 : f32
          %parallel_loop3A_492 = vector.broadcast %parallel_loop3A_491 : f32 to vector<16xf32>
          %parallel_loop3A_493 = arith.mulf %parallel_loop3A_492, %parallel_loop3A_487 : vector<16xf32>
          %parallel_loop3A_494 = arith.subf %parallel_loop3A_481, %parallel_loop3A_493 : vector<16xf32>
          %parallel_loop3A_495 = arith.mulf %parallel_loop3A_487, %parallel_loop3A_494 : vector<16xf32>
          %parallel_loop3A_496 = arith.constant 5.000000e-01 : f32
          %parallel_loop3A_497 = vector.broadcast %parallel_loop3A_496 : f32 to vector<16xf32>
          %parallel_loop3A_498 = arith.mulf %parallel_loop3A_497, %parallel_loop3A_490 : vector<16xf32>
          %parallel_loop3A_499 = arith.subf %parallel_loop3A_484, %parallel_loop3A_498 : vector<16xf32>
          %parallel_loop3A_500 = arith.mulf %parallel_loop3A_490, %parallel_loop3A_499 : vector<16xf32>
          %parallel_loop3A_501 = arith.addf %parallel_loop3A_495, %parallel_loop3A_500 : vector<16xf32>
          %parallel_loop3A_502 = arith.addf %parallel_loop3A_379, %parallel_loop3A_501 : vector<16xf32>
          %parallel_loop3A_503 = arith.addf %parallel_loop3A_380, %parallel_loop3A_472 : vector<16xf32>
          %parallel_loop3A_504 = arith.addf %parallel_loop3A_381, %parallel_loop3A_468 : vector<16xf32>
          scf.yield %parallel_loop3A_502, %parallel_loop3A_503, %parallel_loop3A_504 : vector<16xf32>, vector<16xf32>, vector<16xf32>
        } {sc.loop_unroll_factor = 8 : i64, sc.parallel_access}
        scf.yield %parallel_loop3A_377#0, %parallel_loop3A_377#1, %parallel_loop3A_377#2 : vector<16xf32>, vector<16xf32>, vector<16xf32>
      }
      %scan3A_265 = arith.constant 8 : i32
      %add3A_266 = arith.constant 2 : i32
      %add3A_267 = arith.addi %mul3A_168, %add3A_266 : i32
      %rem3A_268 = arith.constant 40 : i32
      %rem3A_269 = arith.remsi %add3A_267, %rem3A_268 : i32
      %mul3A_270 = arith.constant 8 : i32
      %mul3A_271 = arith.muli %rem3A_269, %mul3A_270 : i32
      %add3A_272 = arith.addi %mul3A_32, %mul3A_271 : i32
      %dma_start3A_273 = arith.constant 0 : i32
      %dma_start3A_274 = arith.constant 0 : i32
      %dma_start3A_275 = tpu.memref_slice %arg2[%select_n3A, %dma_start3A_273, %add3A_272, %dma_start3A_274] : memref<16x2x640x640xf32, #tpu.memory_space<hbm>> -> memref<1x1x8x640xf32, #tpu.memory_space<hbm>>
      %dma_start3A_276 = tpu.memref_squeeze %dma_start3A_275 : memref<1x1x8x640xf32, #tpu.memory_space<hbm>> -> memref<8x640xf32, #tpu.memory_space<hbm>>
      %dma_start3A_277 = arith.constant 0 : i32
      %dma_start3A_278 = tpu.memref_slice %arg2[%select_n3A, %dma_start3A_273, %add3A_272, %dma_start3A_277] : memref<16x2x640x640xf32, #tpu.memory_space<hbm>> -> memref<1x1x8x640xf32, #tpu.memory_space<hbm>>
      %dma_start3A_279 = tpu.memref_squeeze %dma_start3A_278 : memref<1x1x8x640xf32, #tpu.memory_space<hbm>> -> memref<8x640xf32, #tpu.memory_space<hbm>>
      tpu.enqueue_dma source(%dma_start3A_279 : memref<8x640xf32, #tpu.memory_space<hbm>>) target(%arg9 : memref<8x640xf32, #tpu.memory_space<vmem>>) target_semaphore(%arg23 : memref<!tpu.dma_semaphore, #tpu.memory_space<semaphore_mem>>)
      %dma_start3A_280 = arith.constant 1 : i32
      %dma_start3A_281 = arith.constant 0 : i32
      %dma_start3A_282 = tpu.memref_slice %arg2[%select_n3A, %dma_start3A_280, %add3A_272, %dma_start3A_281] : memref<16x2x640x640xf32, #tpu.memory_space<hbm>> -> memref<1x1x8x640xf32, #tpu.memory_space<hbm>>
      %dma_start3A_283 = tpu.memref_squeeze %dma_start3A_282 : memref<1x1x8x640xf32, #tpu.memory_space<hbm>> -> memref<8x640xf32, #tpu.memory_space<hbm>>
      %dma_start3A_284 = arith.constant 0 : i32
      %dma_start3A_285 = tpu.memref_slice %arg2[%select_n3A, %dma_start3A_280, %add3A_272, %dma_start3A_284] : memref<16x2x640x640xf32, #tpu.memory_space<hbm>> -> memref<1x1x8x640xf32, #tpu.memory_space<hbm>>
      %dma_start3A_286 = tpu.memref_squeeze %dma_start3A_285 : memref<1x1x8x640xf32, #tpu.memory_space<hbm>> -> memref<8x640xf32, #tpu.memory_space<hbm>>
      tpu.enqueue_dma source(%dma_start3A_286 : memref<8x640xf32, #tpu.memory_space<hbm>>) target(%arg10 : memref<8x640xf32, #tpu.memory_space<vmem>>) target_semaphore(%arg23 : memref<!tpu.dma_semaphore, #tpu.memory_space<semaphore_mem>>)
      %dma_start3A_287 = arith.constant 0 : i32
      %dma_start3A_288 = arith.constant 0 : i32
      %dma_start3A_289 = tpu.memref_slice %arg3[%select_n3A, %dma_start3A_287, %add3A_272, %dma_start3A_288] : memref<16x2x640x640xf32, #tpu.memory_space<hbm>> -> memref<1x1x8x640xf32, #tpu.memory_space<hbm>>
      %dma_start3A_290 = tpu.memref_squeeze %dma_start3A_289 : memref<1x1x8x640xf32, #tpu.memory_space<hbm>> -> memref<8x640xf32, #tpu.memory_space<hbm>>
      %dma_start3A_291 = arith.constant 0 : i32
      %dma_start3A_292 = tpu.memref_slice %arg3[%select_n3A, %dma_start3A_287, %add3A_272, %dma_start3A_291] : memref<16x2x640x640xf32, #tpu.memory_space<hbm>> -> memref<1x1x8x640xf32, #tpu.memory_space<hbm>>
      %dma_start3A_293 = tpu.memref_squeeze %dma_start3A_292 : memref<1x1x8x640xf32, #tpu.memory_space<hbm>> -> memref<8x640xf32, #tpu.memory_space<hbm>>
      tpu.enqueue_dma source(%dma_start3A_293 : memref<8x640xf32, #tpu.memory_space<hbm>>) target(%arg11 : memref<8x640xf32, #tpu.memory_space<vmem>>) target_semaphore(%arg23 : memref<!tpu.dma_semaphore, #tpu.memory_space<semaphore_mem>>)
      %dma_start3A_294 = arith.constant 1 : i32
      %dma_start3A_295 = arith.constant 0 : i32
      %dma_start3A_296 = tpu.memref_slice %arg3[%select_n3A, %dma_start3A_294, %add3A_272, %dma_start3A_295] : memref<16x2x640x640xf32, #tpu.memory_space<hbm>> -> memref<1x1x8x640xf32, #tpu.memory_space<hbm>>
      %dma_start3A_297 = tpu.memref_squeeze %dma_start3A_296 : memref<1x1x8x640xf32, #tpu.memory_space<hbm>> -> memref<8x640xf32, #tpu.memory_space<hbm>>
      %dma_start3A_298 = arith.constant 0 : i32
      %dma_start3A_299 = tpu.memref_slice %arg3[%select_n3A, %dma_start3A_294, %add3A_272, %dma_start3A_298] : memref<16x2x640x640xf32, #tpu.memory_space<hbm>> -> memref<1x1x8x640xf32, #tpu.memory_space<hbm>>
      %dma_start3A_300 = tpu.memref_squeeze %dma_start3A_299 : memref<1x1x8x640xf32, #tpu.memory_space<hbm>> -> memref<8x640xf32, #tpu.memory_space<hbm>>
      tpu.enqueue_dma source(%dma_start3A_300 : memref<8x640xf32, #tpu.memory_space<hbm>>) target(%arg12 : memref<8x640xf32, #tpu.memory_space<vmem>>) target_semaphore(%arg23 : memref<!tpu.dma_semaphore, #tpu.memory_space<semaphore_mem>>)
      %dma_start3A_301 = arith.constant 0 : i32
      %dma_start3A_302 = tpu.memref_slice %arg4[%select_n3A, %add3A_272, %dma_start3A_301] : memref<16x640x640xi32, #tpu.memory_space<hbm>> -> memref<1x8x640xi32, #tpu.memory_space<hbm>>
      %dma_start3A_303 = tpu.memref_squeeze %dma_start3A_302 : memref<1x8x640xi32, #tpu.memory_space<hbm>> -> memref<8x640xi32, #tpu.memory_space<hbm>>
      %dma_start3A_304 = arith.constant 0 : i32
      %dma_start3A_305 = tpu.memref_slice %arg4[%select_n3A, %add3A_272, %dma_start3A_304] : memref<16x640x640xi32, #tpu.memory_space<hbm>> -> memref<1x8x640xi32, #tpu.memory_space<hbm>>
      %dma_start3A_306 = tpu.memref_squeeze %dma_start3A_305 : memref<1x8x640xi32, #tpu.memory_space<hbm>> -> memref<8x640xi32, #tpu.memory_space<hbm>>
      tpu.enqueue_dma source(%dma_start3A_306 : memref<8x640xi32, #tpu.memory_space<hbm>>) target(%arg13 : memref<8x640xi32, #tpu.memory_space<vmem>>) target_semaphore(%arg23 : memref<!tpu.dma_semaphore, #tpu.memory_space<semaphore_mem>>)
      %dma_start3A_307 = arith.constant 0 : i32
      %dma_start3A_308 = tpu.memref_slice %arg5[%select_n3A, %add3A_272, %dma_start3A_307] : memref<16x640x640xi32, #tpu.memory_space<hbm>> -> memref<1x8x640xi32, #tpu.memory_space<hbm>>
      %dma_start3A_309 = tpu.memref_squeeze %dma_start3A_308 : memref<1x8x640xi32, #tpu.memory_space<hbm>> -> memref<8x640xi32, #tpu.memory_space<hbm>>
      %dma_start3A_310 = arith.constant 0 : i32
      %dma_start3A_311 = tpu.memref_slice %arg5[%select_n3A, %add3A_272, %dma_start3A_310] : memref<16x640x640xi32, #tpu.memory_space<hbm>> -> memref<1x8x640xi32, #tpu.memory_space<hbm>>
      %dma_start3A_312 = tpu.memref_squeeze %dma_start3A_311 : memref<1x8x640xi32, #tpu.memory_space<hbm>> -> memref<8x640xi32, #tpu.memory_space<hbm>>
      tpu.enqueue_dma source(%dma_start3A_312 : memref<8x640xi32, #tpu.memory_space<hbm>>) target(%arg14 : memref<8x640xi32, #tpu.memory_space<vmem>>) target_semaphore(%arg23 : memref<!tpu.dma_semaphore, #tpu.memory_space<semaphore_mem>>)
      %add3A_313 = arith.constant 1 : i32
      %add3A_314 = arith.addi %mul3A_168, %add3A_313 : i32
      %mul3A_315 = arith.constant 8 : i32
      %mul3A_316 = arith.muli %add3A_314, %mul3A_315 : i32
      %add3A_317 = arith.addi %mul3A_32, %mul3A_316 : i32
      %dma_wait3A_318 = arith.constant 0 : i32
      %dma_wait3A_319 = arith.constant 0 : i32
      %dma_wait3A_320 = tpu.memref_slice %arg2[%select_n3A, %dma_wait3A_318, %add3A_317, %dma_wait3A_319] : memref<16x2x640x640xf32, #tpu.memory_space<hbm>> -> memref<1x1x8x640xf32, #tpu.memory_space<hbm>>
      %dma_wait3A_321 = tpu.memref_squeeze %dma_wait3A_320 : memref<1x1x8x640xf32, #tpu.memory_space<hbm>> -> memref<8x640xf32, #tpu.memory_space<hbm>>
      %dma_wait3A_322 = arith.constant 0 : i32
      %dma_wait3A_323 = tpu.memref_slice %arg2[%select_n3A, %dma_wait3A_318, %add3A_317, %dma_wait3A_322] : memref<16x2x640x640xf32, #tpu.memory_space<hbm>> -> memref<1x1x8x640xf32, #tpu.memory_space<hbm>>
      %dma_wait3A_324 = tpu.memref_squeeze %dma_wait3A_323 : memref<1x1x8x640xf32, #tpu.memory_space<hbm>> -> memref<8x640xf32, #tpu.memory_space<hbm>>
      tpu.wait_dma2 semaphore(%arg24 : memref<!tpu.dma_semaphore, #tpu.memory_space<semaphore_mem>>) src(%dma_wait3A_324 : memref<8x640xf32, #tpu.memory_space<hbm>>) dst(%arg15 : memref<8x640xf32, #tpu.memory_space<vmem>>)
      %dma_wait3A_325 = arith.constant 1 : i32
      %dma_wait3A_326 = arith.constant 0 : i32
      %dma_wait3A_327 = tpu.memref_slice %arg2[%select_n3A, %dma_wait3A_325, %add3A_317, %dma_wait3A_326] : memref<16x2x640x640xf32, #tpu.memory_space<hbm>> -> memref<1x1x8x640xf32, #tpu.memory_space<hbm>>
      %dma_wait3A_328 = tpu.memref_squeeze %dma_wait3A_327 : memref<1x1x8x640xf32, #tpu.memory_space<hbm>> -> memref<8x640xf32, #tpu.memory_space<hbm>>
      %dma_wait3A_329 = arith.constant 0 : i32
      %dma_wait3A_330 = tpu.memref_slice %arg2[%select_n3A, %dma_wait3A_325, %add3A_317, %dma_wait3A_329] : memref<16x2x640x640xf32, #tpu.memory_space<hbm>> -> memref<1x1x8x640xf32, #tpu.memory_space<hbm>>
      %dma_wait3A_331 = tpu.memref_squeeze %dma_wait3A_330 : memref<1x1x8x640xf32, #tpu.memory_space<hbm>> -> memref<8x640xf32, #tpu.memory_space<hbm>>
      tpu.wait_dma2 semaphore(%arg24 : memref<!tpu.dma_semaphore, #tpu.memory_space<semaphore_mem>>) src(%dma_wait3A_331 : memref<8x640xf32, #tpu.memory_space<hbm>>) dst(%arg16 : memref<8x640xf32, #tpu.memory_space<vmem>>)
      %dma_wait3A_332 = arith.constant 0 : i32
      %dma_wait3A_333 = arith.constant 0 : i32
      %dma_wait3A_334 = tpu.memref_slice %arg3[%select_n3A, %dma_wait3A_332, %add3A_317, %dma_wait3A_333] : memref<16x2x640x640xf32, #tpu.memory_space<hbm>> -> memref<1x1x8x640xf32, #tpu.memory_space<hbm>>
      %dma_wait3A_335 = tpu.memref_squeeze %dma_wait3A_334 : memref<1x1x8x640xf32, #tpu.memory_space<hbm>> -> memref<8x640xf32, #tpu.memory_space<hbm>>
      %dma_wait3A_336 = arith.constant 0 : i32
      %dma_wait3A_337 = tpu.memref_slice %arg3[%select_n3A, %dma_wait3A_332, %add3A_317, %dma_wait3A_336] : memref<16x2x640x640xf32, #tpu.memory_space<hbm>> -> memref<1x1x8x640xf32, #tpu.memory_space<hbm>>
      %dma_wait3A_338 = tpu.memref_squeeze %dma_wait3A_337 : memref<1x1x8x640xf32, #tpu.memory_space<hbm>> -> memref<8x640xf32, #tpu.memory_space<hbm>>
      tpu.wait_dma2 semaphore(%arg24 : memref<!tpu.dma_semaphore, #tpu.memory_space<semaphore_mem>>) src(%dma_wait3A_338 : memref<8x640xf32, #tpu.memory_space<hbm>>) dst(%arg17 : memref<8x640xf32, #tpu.memory_space<vmem>>)
      %dma_wait3A_339 = arith.constant 1 : i32
      %dma_wait3A_340 = arith.constant 0 : i32
      %dma_wait3A_341 = tpu.memref_slice %arg3[%select_n3A, %dma_wait3A_339, %add3A_317, %dma_wait3A_340] : memref<16x2x640x640xf32, #tpu.memory_space<hbm>> -> memref<1x1x8x640xf32, #tpu.memory_space<hbm>>
      %dma_wait3A_342 = tpu.memref_squeeze %dma_wait3A_341 : memref<1x1x8x640xf32, #tpu.memory_space<hbm>> -> memref<8x640xf32, #tpu.memory_space<hbm>>
      %dma_wait3A_343 = arith.constant 0 : i32
      %dma_wait3A_344 = tpu.memref_slice %arg3[%select_n3A, %dma_wait3A_339, %add3A_317, %dma_wait3A_343] : memref<16x2x640x640xf32, #tpu.memory_space<hbm>> -> memref<1x1x8x640xf32, #tpu.memory_space<hbm>>
      %dma_wait3A_345 = tpu.memref_squeeze %dma_wait3A_344 : memref<1x1x8x640xf32, #tpu.memory_space<hbm>> -> memref<8x640xf32, #tpu.memory_space<hbm>>
      tpu.wait_dma2 semaphore(%arg24 : memref<!tpu.dma_semaphore, #tpu.memory_space<semaphore_mem>>) src(%dma_wait3A_345 : memref<8x640xf32, #tpu.memory_space<hbm>>) dst(%arg18 : memref<8x640xf32, #tpu.memory_space<vmem>>)
      %dma_wait3A_346 = arith.constant 0 : i32
      %dma_wait3A_347 = tpu.memref_slice %arg4[%select_n3A, %add3A_317, %dma_wait3A_346] : memref<16x640x640xi32, #tpu.memory_space<hbm>> -> memref<1x8x640xi32, #tpu.memory_space<hbm>>
      %dma_wait3A_348 = tpu.memref_squeeze %dma_wait3A_347 : memref<1x8x640xi32, #tpu.memory_space<hbm>> -> memref<8x640xi32, #tpu.memory_space<hbm>>
      %dma_wait3A_349 = arith.constant 0 : i32
      %dma_wait3A_350 = tpu.memref_slice %arg4[%select_n3A, %add3A_317, %dma_wait3A_349] : memref<16x640x640xi32, #tpu.memory_space<hbm>> -> memref<1x8x640xi32, #tpu.memory_space<hbm>>
      %dma_wait3A_351 = tpu.memref_squeeze %dma_wait3A_350 : memref<1x8x640xi32, #tpu.memory_space<hbm>> -> memref<8x640xi32, #tpu.memory_space<hbm>>
      tpu.wait_dma2 semaphore(%arg24 : memref<!tpu.dma_semaphore, #tpu.memory_space<semaphore_mem>>) src(%dma_wait3A_351 : memref<8x640xi32, #tpu.memory_space<hbm>>) dst(%arg19 : memref<8x640xi32, #tpu.memory_space<vmem>>)
      %dma_wait3A_352 = arith.constant 0 : i32
      %dma_wait3A_353 = tpu.memref_slice %arg5[%select_n3A, %add3A_317, %dma_wait3A_352] : memref<16x640x640xi32, #tpu.memory_space<hbm>> -> memref<1x8x640xi32, #tpu.memory_space<hbm>>
      %dma_wait3A_354 = tpu.memref_squeeze %dma_wait3A_353 : memref<1x8x640xi32, #tpu.memory_space<hbm>> -> memref<8x640xi32, #tpu.memory_space<hbm>>
      %dma_wait3A_355 = arith.constant 0 : i32
      %dma_wait3A_356 = tpu.memref_slice %arg5[%select_n3A, %add3A_317, %dma_wait3A_355] : memref<16x640x640xi32, #tpu.memory_space<hbm>> -> memref<1x8x640xi32, #tpu.memory_space<hbm>>
      %dma_wait3A_357 = tpu.memref_squeeze %dma_wait3A_356 : memref<1x8x640xi32, #tpu.memory_space<hbm>> -> memref<8x640xi32, #tpu.memory_space<hbm>>
      tpu.wait_dma2 semaphore(%arg24 : memref<!tpu.dma_semaphore, #tpu.memory_space<semaphore_mem>>) src(%dma_wait3A_357 : memref<8x640xi32, #tpu.memory_space<hbm>>) dst(%arg20 : memref<8x640xi32, #tpu.memory_space<vmem>>)
      %add3A_358 = arith.constant 1 : i32
      %add3A_359 = arith.addi %mul3A_168, %add3A_358 : i32
      %mul3A_360 = arith.constant 8 : i32
      %mul3A_361 = arith.muli %add3A_359, %mul3A_360 : i32
      %add3A_362 = arith.addi %mul3A_32, %mul3A_361 : i32
      %scan3A_363 = arith.constant 0 : i32
      %scan3A_364 = arith.constant 8 : i32
      %scan3A_365 = arith.addi %scan3A_363, %scan3A_364 : i32
      %scan3A_366 = arith.constant 1 : i32
      %scan3A_367:3 = scf.for %scan3A_369 = %scan3A_363 to %scan3A_365 step %scan3A_366 iter_args(%scan3A_370 = %scan3A_264#0, %scan3A_371 = %scan3A_264#1, %scan3A_372 = %scan3A_264#2) -> (vector<16xf32>, vector<16xf32>, vector<16xf32>)  : i32 {
        %add3A_373 = arith.addi %add3A_362, %scan3A_369 : i32
        %broadcast_in_dim3A_374 = vector.broadcast %add3A_373 : i32 to vector<16xi32>
        %convert_element_type3A = arith.sitofp %broadcast_in_dim3A_374 : vector<16xi32> to vector<16xf32>
        %parallel_loop3A = arith.constant 0 : i32
        %parallel_loop3A_375 = arith.constant 40 : i32
        %parallel_loop3A_376 = arith.constant 1 : i32
        %parallel_loop3A_377:3 = scf.for %parallel_loop3A_378 = %parallel_loop3A to %parallel_loop3A_375 step %parallel_loop3A_376 iter_args(%parallel_loop3A_379 = %scan3A_370, %parallel_loop3A_380 = %scan3A_371, %parallel_loop3A_381 = %scan3A_372) -> (vector<16xf32>, vector<16xf32>, vector<16xf32>)  : i32 {
          %parallel_loop3A_382 = arith.constant 16 : i32
          %parallel_loop3A_383 = arith.muli %parallel_loop3A_378, %parallel_loop3A_382 : i32
          %parallel_loop3A_384 = vector.broadcast %parallel_loop3A_383 : i32 to vector<16xi32>
          %parallel_loop3A_385 = arith.addi %parallel_loop3A_384, %iota3A : vector<16xi32>
          %parallel_loop3A_386 = arith.sitofp %parallel_loop3A_385 : vector<16xi32> to vector<16xf32>
          %parallel_loop3A_387 = arith.index_cast %scan3A_369 : i32 to index
          %parallel_loop3A_388 = arith.index_cast %parallel_loop3A_383 : i32 to index
          %parallel_loop3A_389 = tpu.vector_load %arg15[%parallel_loop3A_387, %parallel_loop3A_388] {strides = array<i32>} : memref<8x640xf32, #tpu.memory_space<vmem>>, vector<16xf32>,
          %parallel_loop3A_390 = arith.index_cast %scan3A_369 : i32 to index
          %parallel_loop3A_391 = arith.index_cast %parallel_loop3A_383 : i32 to index
          %parallel_loop3A_392 = tpu.vector_load %arg16[%parallel_loop3A_390, %parallel_loop3A_391] {strides = array<i32>} : memref<8x640xf32, #tpu.memory_space<vmem>>, vector<16xf32>,
          %parallel_loop3A_393 = arith.constant 1.000000e+01 : f32
          %parallel_loop3A_394 = vector.broadcast %parallel_loop3A_393 : f32 to vector<16xf32>
          %parallel_loop3A_395 = arith.mulf %parallel_loop3A_394, %parallel_loop3A_389 : vector<16xf32>
          %parallel_loop3A_396 = arith.addf %parallel_loop3A_386, %parallel_loop3A_395 : vector<16xf32>
          %parallel_loop3A_397 = arith.fptosi %parallel_loop3A_396 : vector<16xf32> to vector<16xi32>
          %parallel_loop3A_398 = arith.constant 0 : i32
          %parallel_loop3A_399 = arith.constant 639 : i32
          %parallel_loop3A_400 = vector.broadcast %parallel_loop3A_398 : i32 to vector<16xi32>
          %parallel_loop3A_401 = arith.maxsi %parallel_loop3A_400, %parallel_loop3A_397 : vector<16xi32>
          %parallel_loop3A_402 = vector.broadcast %parallel_loop3A_399 : i32 to vector<16xi32>
          %parallel_loop3A_403 = arith.minsi %parallel_loop3A_402, %parallel_loop3A_401 : vector<16xi32>
          %parallel_loop3A_404 = arith.constant 1.000000e+01 : f32
          %parallel_loop3A_405 = vector.broadcast %parallel_loop3A_404 : f32 to vector<16xf32>
          %parallel_loop3A_406 = arith.mulf %parallel_loop3A_405, %parallel_loop3A_392 : vector<16xf32>
          %parallel_loop3A_407 = arith.addf %convert_element_type3A, %parallel_loop3A_406 : vector<16xf32>
          %parallel_loop3A_408 = arith.fptosi %parallel_loop3A_407 : vector<16xf32> to vector<16xi32>
          %parallel_loop3A_409 = arith.constant 0 : i32
          %parallel_loop3A_410 = arith.constant 639 : i32
          %parallel_loop3A_411 = vector.broadcast %parallel_loop3A_409 : i32 to vector<16xi32>
          %parallel_loop3A_412 = arith.maxsi %parallel_loop3A_411, %parallel_loop3A_408 : vector<16xi32>
          %parallel_loop3A_413 = vector.broadcast %parallel_loop3A_410 : i32 to vector<16xi32>
          %parallel_loop3A_414 = arith.minsi %parallel_loop3A_413, %parallel_loop3A_412 : vector<16xi32>
          %parallel_loop3A_415 = arith.constant 80 : i32
          %parallel_loop3A_416 = vector.broadcast %parallel_loop3A_415 : i32 to vector<16xi32>
          %parallel_loop3A_417 = arith.divsi %parallel_loop3A_403, %parallel_loop3A_416 : vector<16xi32>
          %parallel_loop3A_418 = arith.constant 0 : i32
          %parallel_loop3A_419 = vector.broadcast %parallel_loop3A_418 : i32 to vector<16xi32>
          %parallel_loop3A_420 = arith.cmpi sgt, %parallel_loop3A_403, %parallel_loop3A_419 : vector<16xi32>
          %parallel_loop3A_421 = arith.extui %parallel_loop3A_420 : vector<16xi1> to vector<16xi32>
          %parallel_loop3A_422 = arith.constant 0 : i32
          %parallel_loop3A_423 = vector.broadcast %parallel_loop3A_422 : i32 to vector<16xi32>
          %parallel_loop3A_424 = arith.cmpi slt, %parallel_loop3A_403, %parallel_loop3A_423 : vector<16xi32>
          %parallel_loop3A_425 = arith.extui %parallel_loop3A_424 : vector<16xi1> to vector<16xi32>
          %parallel_loop3A_426 = arith.subi %parallel_loop3A_421, %parallel_loop3A_425 : vector<16xi32>
          %parallel_loop3A_427 = arith.constant 0 : i32
          %parallel_loop3A_428 = arith.cmpi sgt, %parallel_loop3A_415, %parallel_loop3A_427 : i32
          %parallel_loop3A_429 = arith.extui %parallel_loop3A_428 : i1 to i32
          %parallel_loop3A_430 = arith.constant 0 : i32
          %parallel_loop3A_431 = arith.cmpi slt, %parallel_loop3A_415, %parallel_loop3A_430 : i32
          %parallel_loop3A_432 = arith.extui %parallel_loop3A_431 : i1 to i32
          %parallel_loop3A_433 = arith.subi %parallel_loop3A_429, %parallel_loop3A_432 : i32
          %parallel_loop3A_434 = vector.broadcast %parallel_loop3A_433 : i32 to vector<16xi32>
          %parallel_loop3A_435 = arith.cmpi ne, %parallel_loop3A_426, %parallel_loop3A_434 : vector<16xi32>
          %parallel_loop3A_436 = vector.broadcast %parallel_loop3A_415 : i32 to vector<16xi32>
          %parallel_loop3A_437 = arith.remsi %parallel_loop3A_403, %parallel_loop3A_436 : vector<16xi32>
          %parallel_loop3A_438 = arith.constant 0 : i32
          %parallel_loop3A_439 = vector.broadcast %parallel_loop3A_438 : i32 to vector<16xi32>
          %parallel_loop3A_440 = arith.cmpi ne, %parallel_loop3A_437, %parallel_loop3A_439 : vector<16xi32>
          %parallel_loop3A_441 = arith.andi %parallel_loop3A_435, %parallel_loop3A_440 : vector<16xi1>
          %parallel_loop3A_442 = arith.constant 1 : i32
          %parallel_loop3A_443 = vector.broadcast %parallel_loop3A_442 : i32 to vector<16xi32>
          %parallel_loop3A_444 = arith.subi %parallel_loop3A_417, %parallel_loop3A_443 : vector<16xi32>
          %parallel_loop3A_445 = arith.select %parallel_loop3A_441, %parallel_loop3A_444, %parallel_loop3A_417 : vector<16xi1>, vector<16xi32>
          %parallel_loop3A_446 = arith.constant 80 : i32
          %parallel_loop3A_447 = vector.broadcast %parallel_loop3A_446 : i32 to vector<16xi32>
          %parallel_loop3A_448 = arith.muli %parallel_loop3A_445, %parallel_loop3A_447 : vector<16xi32>
          %parallel_loop3A_449 = arith.subi %parallel_loop3A_403, %parallel_loop3A_448 : vector<16xi32>
          %parallel_loop3A_450 = arith.constant 80 : i32
          %parallel_loop3A_451 = vector.broadcast %parallel_loop3A_450 : i32 to vector<16xi32>
          %parallel_loop3A_452 = arith.muli %parallel_loop3A_414, %parallel_loop3A_451 : vector<16xi32>
          %parallel_loop3A_453 = arith.addi %parallel_loop3A_452, %parallel_loop3A_449 : vector<16xi32>
          %parallel_loop3A_454 = tpu.vector_load_idx %arg8[%parallel_loop3A_453] : memref<51200xi32, #tpu.memory_space<vmem>>[vector<16xi32>], vector<16xi32>,
          %parallel_loop3A_455 = arith.constant 4 : i32
          %parallel_loop3A_456 = vector.broadcast %parallel_loop3A_455 : i32 to vector<16xi32>
          %parallel_loop3A_457 = arith.muli %parallel_loop3A_445, %parallel_loop3A_456 : vector<16xi32>
          %parallel_loop3A_458 = arith.shrui %parallel_loop3A_454, %parallel_loop3A_457 : vector<16xi32>
          %parallel_loop3A_459 = arith.constant 15 : i32
          %parallel_loop3A_460 = vector.broadcast %parallel_loop3A_459 : i32 to vector<16xi32>
          %parallel_loop3A_461 = arith.andi %parallel_loop3A_458, %parallel_loop3A_460 : vector<16xi32>
          %parallel_loop3A_462 = arith.index_cast %scan3A_369 : i32 to index
          %parallel_loop3A_463 = arith.index_cast %parallel_loop3A_383 : i32 to index
          %parallel_loop3A_464 = tpu.vector_load %arg19[%parallel_loop3A_462, %parallel_loop3A_463] {strides = array<i32>} : memref<8x640xi32, #tpu.memory_space<vmem>>, vector<16xi32>,
          %parallel_loop3A_465 = arith.index_cast %scan3A_369 : i32 to index
          %parallel_loop3A_466 = arith.index_cast %parallel_loop3A_383 : i32 to index
          %parallel_loop3A_467 = tpu.vector_load %arg20[%parallel_loop3A_465, %parallel_loop3A_466] {strides = array<i32>} : memref<8x640xi32, #tpu.memory_space<vmem>>, vector<16xi32>,
          %parallel_loop3A_468 = arith.sitofp %parallel_loop3A_467 : vector<16xi32> to vector<16xf32>
          %parallel_loop3A_469 = arith.cmpi ne, %parallel_loop3A_464, %parallel_loop3A_461 : vector<16xi32>
          %parallel_loop3A_470 = arith.constant 0.000000e+00 : f32
          %parallel_loop3A_471 = vector.broadcast %parallel_loop3A_470 : f32 to vector<16xf32>
          %parallel_loop3A_472 = arith.select %parallel_loop3A_469, %parallel_loop3A_468, %parallel_loop3A_471 : vector<16xi1>, vector<16xf32>
          %parallel_loop3A_473 = arith.index_cast %scan3A_369 : i32 to index
          %parallel_loop3A_474 = arith.index_cast %parallel_loop3A_383 : i32 to index
          %parallel_loop3A_475 = tpu.vector_load %arg17[%parallel_loop3A_473, %parallel_loop3A_474] {strides = array<i32>} : memref<8x640xf32, #tpu.memory_space<vmem>>, vector<16xf32>,
          %parallel_loop3A_476 = arith.index_cast %scan3A_369 : i32 to index
          %parallel_loop3A_477 = arith.index_cast %parallel_loop3A_383 : i32 to index
          %parallel_loop3A_478 = tpu.vector_load %arg18[%parallel_loop3A_476, %parallel_loop3A_477] {strides = array<i32>} : memref<8x640xf32, #tpu.memory_space<vmem>>, vector<16xf32>,
          %parallel_loop3A_479 = arith.subf %parallel_loop3A_389, %parallel_loop3A_475 : vector<16xf32>
          %parallel_loop3A_480 = math.absf %parallel_loop3A_479 : vector<16xf32>
          %parallel_loop3A_481 = arith.mulf %parallel_loop3A_480, %parallel_loop3A_472 : vector<16xf32>
          %parallel_loop3A_482 = arith.subf %parallel_loop3A_392, %parallel_loop3A_478 : vector<16xf32>
          %parallel_loop3A_483 = math.absf %parallel_loop3A_482 : vector<16xf32>
          %parallel_loop3A_484 = arith.mulf %parallel_loop3A_483, %parallel_loop3A_472 : vector<16xf32>
          %parallel_loop3A_485 = arith.constant 1.000000e+00 : f32
          %parallel_loop3A_486 = vector.broadcast %parallel_loop3A_485 : f32 to vector<16xf32>
          %parallel_loop3A_487 = arith.minimumf %parallel_loop3A_481, %parallel_loop3A_486 : vector<16xf32>
          %parallel_loop3A_488 = arith.constant 1.000000e+00 : f32
          %parallel_loop3A_489 = vector.broadcast %parallel_loop3A_488 : f32 to vector<16xf32>
          %parallel_loop3A_490 = arith.minimumf %parallel_loop3A_484, %parallel_loop3A_489 : vector<16xf32>
          %parallel_loop3A_491 = arith.constant 5.000000e-01 : f32
          %parallel_loop3A_492 = vector.broadcast %parallel_loop3A_491 : f32 to vector<16xf32>
          %parallel_loop3A_493 = arith.mulf %parallel_loop3A_492, %parallel_loop3A_487 : vector<16xf32>
          %parallel_loop3A_494 = arith.subf %parallel_loop3A_481, %parallel_loop3A_493 : vector<16xf32>
          %parallel_loop3A_495 = arith.mulf %parallel_loop3A_487, %parallel_loop3A_494 : vector<16xf32>
          %parallel_loop3A_496 = arith.constant 5.000000e-01 : f32
          %parallel_loop3A_497 = vector.broadcast %parallel_loop3A_496 : f32 to vector<16xf32>
          %parallel_loop3A_498 = arith.mulf %parallel_loop3A_497, %parallel_loop3A_490 : vector<16xf32>
          %parallel_loop3A_499 = arith.subf %parallel_loop3A_484, %parallel_loop3A_498 : vector<16xf32>
          %parallel_loop3A_500 = arith.mulf %parallel_loop3A_490, %parallel_loop3A_499 : vector<16xf32>
          %parallel_loop3A_501 = arith.addf %parallel_loop3A_495, %parallel_loop3A_500 : vector<16xf32>
          %parallel_loop3A_502 = arith.addf %parallel_loop3A_379, %parallel_loop3A_501 : vector<16xf32>
          %parallel_loop3A_503 = arith.addf %parallel_loop3A_380, %parallel_loop3A_472 : vector<16xf32>
          %parallel_loop3A_504 = arith.addf %parallel_loop3A_381, %parallel_loop3A_468 : vector<16xf32>
          scf.yield %parallel_loop3A_502, %parallel_loop3A_503, %parallel_loop3A_504 : vector<16xf32>, vector<16xf32>, vector<16xf32>
        } {sc.loop_unroll_factor = 8 : i64, sc.parallel_access}
        scf.yield %parallel_loop3A_377#0, %parallel_loop3A_377#1, %parallel_loop3A_377#2 : vector<16xf32>, vector<16xf32>, vector<16xf32>
      }
      %scan3A_368 = arith.constant 8 : i32
      scf.yield %scan3A_367#0, %scan3A_367#1, %scan3A_367#2 : vector<16xf32>, vector<16xf32>, vector<16xf32>
    }
    %scan3A_113 = arith.constant 20 : i32
    %add3A_114 = arith.constant 0 : i32
    %add3A_115 = arith.addi %mul3A_32, %add3A_114 : i32
    %dma_wait3A_116 = arith.constant 0 : i32
    %dma_wait3A_117 = arith.constant 0 : i32
    %dma_wait3A_118 = tpu.memref_slice %arg2[%select_n3A, %dma_wait3A_116, %add3A_115, %dma_wait3A_117] : memref<16x2x640x640xf32, #tpu.memory_space<hbm>> -> memref<1x1x8x640xf32, #tpu.memory_space<hbm>>
    %dma_wait3A_119 = tpu.memref_squeeze %dma_wait3A_118 : memref<1x1x8x640xf32, #tpu.memory_space<hbm>> -> memref<8x640xf32, #tpu.memory_space<hbm>>
    %dma_wait3A_120 = arith.constant 0 : i32
    %dma_wait3A_121 = tpu.memref_slice %arg2[%select_n3A, %dma_wait3A_116, %add3A_115, %dma_wait3A_120] : memref<16x2x640x640xf32, #tpu.memory_space<hbm>> -> memref<1x1x8x640xf32, #tpu.memory_space<hbm>>
    %dma_wait3A_122 = tpu.memref_squeeze %dma_wait3A_121 : memref<1x1x8x640xf32, #tpu.memory_space<hbm>> -> memref<8x640xf32, #tpu.memory_space<hbm>>
    tpu.wait_dma2 semaphore(%arg23 : memref<!tpu.dma_semaphore, #tpu.memory_space<semaphore_mem>>) src(%dma_wait3A_122 : memref<8x640xf32, #tpu.memory_space<hbm>>) dst(%arg9 : memref<8x640xf32, #tpu.memory_space<vmem>>)
    %dma_wait3A_123 = arith.constant 1 : i32
    %dma_wait3A_124 = arith.constant 0 : i32
    %dma_wait3A_125 = tpu.memref_slice %arg2[%select_n3A, %dma_wait3A_123, %add3A_115, %dma_wait3A_124] : memref<16x2x640x640xf32, #tpu.memory_space<hbm>> -> memref<1x1x8x640xf32, #tpu.memory_space<hbm>>
    %dma_wait3A_126 = tpu.memref_squeeze %dma_wait3A_125 : memref<1x1x8x640xf32, #tpu.memory_space<hbm>> -> memref<8x640xf32, #tpu.memory_space<hbm>>
    %dma_wait3A_127 = arith.constant 0 : i32
    %dma_wait3A_128 = tpu.memref_slice %arg2[%select_n3A, %dma_wait3A_123, %add3A_115, %dma_wait3A_127] : memref<16x2x640x640xf32, #tpu.memory_space<hbm>> -> memref<1x1x8x640xf32, #tpu.memory_space<hbm>>
    %dma_wait3A_129 = tpu.memref_squeeze %dma_wait3A_128 : memref<1x1x8x640xf32, #tpu.memory_space<hbm>> -> memref<8x640xf32, #tpu.memory_space<hbm>>
    tpu.wait_dma2 semaphore(%arg23 : memref<!tpu.dma_semaphore, #tpu.memory_space<semaphore_mem>>) src(%dma_wait3A_129 : memref<8x640xf32, #tpu.memory_space<hbm>>) dst(%arg10 : memref<8x640xf32, #tpu.memory_space<vmem>>)
    %dma_wait3A_130 = arith.constant 0 : i32
    %dma_wait3A_131 = arith.constant 0 : i32
    %dma_wait3A_132 = tpu.memref_slice %arg3[%select_n3A, %dma_wait3A_130, %add3A_115, %dma_wait3A_131] : memref<16x2x640x640xf32, #tpu.memory_space<hbm>> -> memref<1x1x8x640xf32, #tpu.memory_space<hbm>>
    %dma_wait3A_133 = tpu.memref_squeeze %dma_wait3A_132 : memref<1x1x8x640xf32, #tpu.memory_space<hbm>> -> memref<8x640xf32, #tpu.memory_space<hbm>>
    %dma_wait3A_134 = arith.constant 0 : i32
    %dma_wait3A_135 = tpu.memref_slice %arg3[%select_n3A, %dma_wait3A_130, %add3A_115, %dma_wait3A_134] : memref<16x2x640x640xf32, #tpu.memory_space<hbm>> -> memref<1x1x8x640xf32, #tpu.memory_space<hbm>>
    %dma_wait3A_136 = tpu.memref_squeeze %dma_wait3A_135 : memref<1x1x8x640xf32, #tpu.memory_space<hbm>> -> memref<8x640xf32, #tpu.memory_space<hbm>>
    tpu.wait_dma2 semaphore(%arg23 : memref<!tpu.dma_semaphore, #tpu.memory_space<semaphore_mem>>) src(%dma_wait3A_136 : memref<8x640xf32, #tpu.memory_space<hbm>>) dst(%arg11 : memref<8x640xf32, #tpu.memory_space<vmem>>)
    %dma_wait3A_137 = arith.constant 1 : i32
    %dma_wait3A_138 = arith.constant 0 : i32
    %dma_wait3A_139 = tpu.memref_slice %arg3[%select_n3A, %dma_wait3A_137, %add3A_115, %dma_wait3A_138] : memref<16x2x640x640xf32, #tpu.memory_space<hbm>> -> memref<1x1x8x640xf32, #tpu.memory_space<hbm>>
    %dma_wait3A_140 = tpu.memref_squeeze %dma_wait3A_139 : memref<1x1x8x640xf32, #tpu.memory_space<hbm>> -> memref<8x640xf32, #tpu.memory_space<hbm>>
    %dma_wait3A_141 = arith.constant 0 : i32
    %dma_wait3A_142 = tpu.memref_slice %arg3[%select_n3A, %dma_wait3A_137, %add3A_115, %dma_wait3A_141] : memref<16x2x640x640xf32, #tpu.memory_space<hbm>> -> memref<1x1x8x640xf32, #tpu.memory_space<hbm>>
    %dma_wait3A_143 = tpu.memref_squeeze %dma_wait3A_142 : memref<1x1x8x640xf32, #tpu.memory_space<hbm>> -> memref<8x640xf32, #tpu.memory_space<hbm>>
    tpu.wait_dma2 semaphore(%arg23 : memref<!tpu.dma_semaphore, #tpu.memory_space<semaphore_mem>>) src(%dma_wait3A_143 : memref<8x640xf32, #tpu.memory_space<hbm>>) dst(%arg12 : memref<8x640xf32, #tpu.memory_space<vmem>>)
    %dma_wait3A_144 = arith.constant 0 : i32
    %dma_wait3A_145 = tpu.memref_slice %arg4[%select_n3A, %add3A_115, %dma_wait3A_144] : memref<16x640x640xi32, #tpu.memory_space<hbm>> -> memref<1x8x640xi32, #tpu.memory_space<hbm>>
    %dma_wait3A_146 = tpu.memref_squeeze %dma_wait3A_145 : memref<1x8x640xi32, #tpu.memory_space<hbm>> -> memref<8x640xi32, #tpu.memory_space<hbm>>
    %dma_wait3A_147 = arith.constant 0 : i32
    %dma_wait3A_148 = tpu.memref_slice %arg4[%select_n3A, %add3A_115, %dma_wait3A_147] : memref<16x640x640xi32, #tpu.memory_space<hbm>> -> memref<1x8x640xi32, #tpu.memory_space<hbm>>
    %dma_wait3A_149 = tpu.memref_squeeze %dma_wait3A_148 : memref<1x8x640xi32, #tpu.memory_space<hbm>> -> memref<8x640xi32, #tpu.memory_space<hbm>>
    tpu.wait_dma2 semaphore(%arg23 : memref<!tpu.dma_semaphore, #tpu.memory_space<semaphore_mem>>) src(%dma_wait3A_149 : memref<8x640xi32, #tpu.memory_space<hbm>>) dst(%arg13 : memref<8x640xi32, #tpu.memory_space<vmem>>)
    %dma_wait3A_150 = arith.constant 0 : i32
    %dma_wait3A_151 = tpu.memref_slice %arg5[%select_n3A, %add3A_115, %dma_wait3A_150] : memref<16x640x640xi32, #tpu.memory_space<hbm>> -> memref<1x8x640xi32, #tpu.memory_space<hbm>>
    %dma_wait3A_152 = tpu.memref_squeeze %dma_wait3A_151 : memref<1x8x640xi32, #tpu.memory_space<hbm>> -> memref<8x640xi32, #tpu.memory_space<hbm>>
    %dma_wait3A_153 = arith.constant 0 : i32
    %dma_wait3A_154 = tpu.memref_slice %arg5[%select_n3A, %add3A_115, %dma_wait3A_153] : memref<16x640x640xi32, #tpu.memory_space<hbm>> -> memref<1x8x640xi32, #tpu.memory_space<hbm>>
    %dma_wait3A_155 = tpu.memref_squeeze %dma_wait3A_154 : memref<1x8x640xi32, #tpu.memory_space<hbm>> -> memref<8x640xi32, #tpu.memory_space<hbm>>
    tpu.wait_dma2 semaphore(%arg23 : memref<!tpu.dma_semaphore, #tpu.memory_space<semaphore_mem>>) src(%dma_wait3A_155 : memref<8x640xi32, #tpu.memory_space<hbm>>) dst(%arg14 : memref<8x640xi32, #tpu.memory_space<vmem>>)
    %swap3A = arith.constant 0 : index
    %swap3A_156 = tpu.vector_load %arg21[%swap3A] {strides = array<i32>} : memref<48xf32, #tpu.memory_space<vmem>>, vector<16xf32>,
    tpu.vector_store %arg21[%swap3A], %scan3A_112#0 {strides = array<i32>} : memref<48xf32, #tpu.memory_space<vmem>>, vector<16xf32>,
    %swap3A_157 = arith.constant 16 : index
    %swap3A_158 = tpu.vector_load %arg21[%swap3A_157] {strides = array<i32>} : memref<48xf32, #tpu.memory_space<vmem>>, vector<16xf32>,
    tpu.vector_store %arg21[%swap3A_157], %scan3A_112#1 {strides = array<i32>} : memref<48xf32, #tpu.memory_space<vmem>>, vector<16xf32>,
    %swap3A_159 = arith.constant 32 : index
    %swap3A_160 = tpu.vector_load %arg21[%swap3A_159] {strides = array<i32>} : memref<48xf32, #tpu.memory_space<vmem>>, vector<16xf32>,
    tpu.vector_store %arg21[%swap3A_159], %scan3A_112#2 {strides = array<i32>} : memref<48xf32, #tpu.memory_space<vmem>>, vector<16xf32>,
    %mul3A_161 = arith.constant 48 : i32
    %mul3A_162 = arith.muli %add3A, %mul3A_161 : i32
    "tpu.region"() ({
      %run_scoped3A = tpu.sem_alloc : memref<!tpu.dma_semaphore, #tpu.memory_space<semaphore_mem>>
      %dma_start3A_163 = tpu.memref_slice %arg7[%mul3A_162] : memref<1536xf32, #tpu.memory_space<hbm>> -> memref<48xf32, #tpu.memory_space<hbm>>
      %dma_start3A_164 = tpu.memref_slice %arg7[%mul3A_162] : memref<1536xf32, #tpu.memory_space<hbm>> -> memref<48xf32, #tpu.memory_space<hbm>>
      tpu.enqueue_dma source(%arg21 : memref<48xf32, #tpu.memory_space<vmem>>) target(%dma_start3A_164 : memref<48xf32, #tpu.memory_space<hbm>>) target_semaphore(%run_scoped3A : memref<!tpu.dma_semaphore, #tpu.memory_space<semaphore_mem>>)
      %dma_wait3A_165 = tpu.memref_slice %arg7[%mul3A_162] : memref<1536xf32, #tpu.memory_space<hbm>> -> memref<48xf32, #tpu.memory_space<hbm>>
      %dma_wait3A_166 = tpu.memref_slice %arg7[%mul3A_162] : memref<1536xf32, #tpu.memory_space<hbm>> -> memref<48xf32, #tpu.memory_space<hbm>>
      tpu.wait_dma2 semaphore(%run_scoped3A : memref<!tpu.dma_semaphore, #tpu.memory_space<semaphore_mem>>) src(%arg21 : memref<48xf32, #tpu.memory_space<vmem>>) dst(%dma_wait3A_166 : memref<48xf32, #tpu.memory_space<hbm>>)
      tpu.yield
    }) : () -> ()
    return
  }
}

</mosaic_0001>

<sc_bundles>
// kernel: kernel.3.cloned.1.call-start
scs
__scs_entry_jumppad:
0x0: {  	(pc) =	sbr.rel $0x88, $3  }
0x1: {  	(tag) =	ssettag $0x0;
	lr =	simm.s32 $0x1  }
0x2: {  	[smem:$0x3F9C] =	sst lr;
	_ =	strace $0xD0000000  }
0x3: {  	_ = 	snop  }
0x4: {  	_ = 	snop  }
0x5: {  	_ = 	snop  }
0x6: {  	_ = 	snop  }
0x7: {  	_ = 	snop  }
__scs_overlays_trampoline_lowered:
0x8: {  	[smem:$0x3FAB] =	sst s0  }
0x9: {  	[smem:$0x3FAC] =	sst s1  }
0xa: {  	[smem:$0x3FAD] =	sst s2  }
0xb: {  	[smem:$0x3FAE] =	sst s3  }
0xc: {  	[smem:$0x3FAF] =	sst s4  }
0xd: {  	[smem:$0x3FB0] =	sst s5  }
0xe: {  	[smem:$0x3FB1] =	sst s6  }
0xf: {  	[smem:$0x3FB2] =	sst s7  }
0x10: {  	[smem:$0x3FB3] =	sst s8  }
0x11: {  	[smem:$0x3FB4] =	sst s9;
	s0 =	simm.s32 @!p0 $0x0  }
0x12: {  	s1 =	sld [smem:$0x3F9A];
	s0 =	simm.s32 @p0 $0x1  }
0x13: {  	[smem:$0x3FB5] =	sst s0;
	s0 =	simm.s32 @!p1 $0x0  }
0x14: {  	s2 =	sld [smem:$0x3F99];
	s0 =	simm.s32 @p1 $0x1  }
0x15: {  	[smem:$0x3FB6] =	sst s0;
	s0 =	simm.s32 @!p2 $0x0  }
0x16: {  	s3 =	sld [smem:$0x3FDB];
	s0 =	simm.s32 @p2 $0x1  }
0x17: {  	s4 =	simm.s32 $0x1BF5;
	[smem:$0x3FB8] =	sst s0  }
0x18: {  	s0 =	sld [smem:$0x3F9B];
	_ =	swait.ge [sflag:s4], $0x0  }
0x19: {  	s7 =	sld [smem:$0x3F9C]  }
0x1a: {  	s8 =	sadd.s32 $0xFFFFE003, lr  }
0x1b: {  	s9 =	sadd.s32 $0xFFFFFEF7, lr;
	s5 =	simm.s32 $0xFFFFFFFF;
	p2 =	slt.u32 s8, $0xFFFFF086  }
0x1c: {  	p1 =	slt.u32 s9, $0xF7A;
	s5 =	simm.s32 @!p2 $0x0  }
0x1d: {  	s5 =	simm.s32 @p1 $0x1;
	p0 =	seq.s32 s7, s2  }
0x1e: {  	s7 =	smul.u32 @!p0 $0xF7A, s2;
	p2 =	seq.s32 @!p0 s5, $0x0  }
0x1f: {  	s9 =	smul.u32 $0xF7A, s1;
	s8 =	simm.s32 @!p0 $0x1BF5;
	p2 =	por !p2, p0  }
0x20: {  	[sflag:s8] =	ssyncset.s32 @!p0 $0xFFFFF086;
	s6 =	sadd.s32 @!p0 s3, s7;
	s7 =	simm.s32 @!p0 $0x108  }
0x21: {  	s3 =	sadd.s32 s3, s9;
	s6 =	sadd.s32 @!p0 $0x88, s6;
	s7 =	simm.s32 @p2 $0x1082  }
0x22: {  	[simem:s7], [sflag:s8] =	dma.local @!p0 [hbm:s6], $0xF7A  }
0x23: {  	s9 =	sor.u32 $0xD0000000, s2;
	s6 =	simm.s32 $0x108;
	_ =	swait.ge @!p0 [sflag:s8], $0x0  }
0x24: {  	s3 =	sadd.s32 $0x88, s3;
	s6 =	simm.s32 @!p1 $0x1082;
	[sflag:s4] =	ssyncset.s32 $0xFFFFF086  }
0x25: {  	[simem:s6], [sflag:s4] =	dma.local [hbm:s3], $0xF7A  }
0x26: {  	[smem:$0x3F9C] =	sst s1;
	(tag) =	ssettag s2;
	_ =	strace s9  }
0x27: {  	s1 =	sld [smem:$0x3FAC]  }
0x28: {  	s2 =	sld [smem:$0x3FAD]  }
0x29: {  	s4 =	sld [smem:$0x3FAF]  }
0x2a: {  	p0 =	seq.s32 s5, $0x0;
	s5 =	sld [smem:$0x3FB0]  }
0x2b: {  	s6 =	sld [smem:$0x3FB1]  }
0x2c: {  	s7 =	sld [smem:$0x3FB2]  }
0x2d: {  	s3 =	simm.s32 $0x108;
	s8 =	sld [smem:$0x3FB3]  }
0x2e: {  	s3 =	simm.s32 @!p0 $0x1082;
	s9 =	sld [smem:$0x3FB4]  }
0x2f: {  	lr =	sadd.s32 s0, s3;
	s0 =	sld [smem:$0x3FAB]  }
0x30: {  	s3 =	sld [smem:$0x3FAE]  }
0x31: {  	[smem:$0x3FB7] =	sst s10  }
0x32: {  	s10 =	sld [smem:$0x3FB5];
	_ =	sdelay $0x3  }
0x33: {  	p0 =	seq.s32 s10, $0x1;
	s10 =	sld [smem:$0x3FB7];
	_ =	sdelay $0x3  }
0x34: {  	[smem:$0x3FB7] =	sst s10  }
0x35: {  	s10 =	sld [smem:$0x3FB6];
	_ =	sdelay $0x3  }
0x36: {  	p1 =	seq.s32 s10, $0x1;
	s10 =	sld [smem:$0x3FB7];
	_ =	sdelay $0x3  }
0x37: {  	[smem:$0x3FB7] =	sst s10  }
0x38: {  	s10 =	sld [smem:$0x3FB8]  }
0x39: {  	_ = 	snop;
	(pc) =	sbr.ind lr, $3  }
0x3a: {  	_ = 	snop  }
0x3b: {  	_ = 	snop  }
0x3c: {  	p2 =	seq.s32 s10, $0x1;
	s10 =	sld [smem:$0x3FB7]  }
0x3d: {  	_ =	shalt  }
0x3e: {  	_ =	shalt  }
0x3f: {  	_ =	shalt  }
0x40: {  	_ =	shalt  }
0x41: {  	_ =	shalt  }
0x42: {  	_ =	shalt  }
0x43: {  	_ =	shalt  }
0x44: {  	_ =	shalt  }
0x45: {  	_ =	shalt  }
0x46: {  	_ =	shalt  }
0x47: {  	_ =	shalt  }
0x48: {  	_ =	shalt  }
0x49: {  	_ =	shalt  }
0x4a: {  	_ =	shalt  }
0x4b: {  	_ =	shalt  }
0x4c: {  	_ =	shalt  }
0x4d: {  	_ =	shalt  }
0x4e: {  	_ =	shalt  }
0x4f: {  	_ =	shalt  }
0x50: {  	_ =	shalt  }
0x51: {  	_ =	shalt  }
0x52: {  	_ =	shalt  }
0x53: {  	_ =	shalt  }
0x54: {  	_ =	shalt  }
0x55: {  	_ =	shalt  }
0x56: {  	_ =	shalt  }
0x57: {  	_ =	shalt  }
0x58: {  	_ =	shalt  }
0x59: {  	_ =	shalt  }
0x5a: {  	_ =	shalt  }
0x5b: {  	_ =	shalt  }
0x5c: {  	_ =	shalt  }
0x5d: {  	_ =	shalt  }
0x5e: {  	_ =	shalt  }
0x5f: {  	_ =	shalt  }
0x60: {  	_ =	shalt  }
0x61: {  	_ =	shalt  }
0x62: {  	_ =	shalt  }
0x63: {  	_ =	shalt  }
0x64: {  	_ =	shalt  }
0x65: {  	_ =	shalt  }
0x66: {  	_ =	shalt  }
0x67: {  	_ =	shalt  }
0x68: {  	_ =	shalt  }
0x69: {  	_ =	shalt  }
0x6a: {  	_ =	shalt  }
0x6b: {  	_ =	shalt  }
0x6c: {  	_ =	shalt  }
0x6d: {  	_ =	shalt  }
0x6e: {  	_ =	shalt  }
0x6f: {  	_ =	shalt  }
0x70: {  	_ =	shalt  }
0x71: {  	_ =	shalt  }
0x72: {  	_ =	shalt  }
0x73: {  	_ =	shalt  }
0x74: {  	_ =	shalt  }
0x75: {  	_ =	shalt  }
0x76: {  	_ =	shalt  }
0x77: {  	_ =	shalt  }
0x78: {  	_ =	shalt  }
0x79: {  	_ =	shalt  }
0x7a: {  	_ =	shalt  }
0x7b: {  	_ =	shalt  }
0x7c: {  	_ =	shalt  }
0x7d: {  	_ =	shalt  }
0x7e: {  	_ =	shalt  }
0x7f: {  	_ =	shalt  }
0x80: {  	_ =	shalt  }
0x81: {  	_ =	shalt  }
0x82: {  	_ =	shalt  }
0x83: {  	_ =	shalt  }
0x84: {  	_ =	shalt  }
0x85: {  	_ =	shalt  }
0x86: {  	_ =	shalt  }
0x87: {  	_ =	shalt  }
.Lfunc_end0:
.L_simem_size_0:
called_computation_lowered:
.L_overlay_start_0:
0x88: {  	s2 =	sld [smem:$0x3FD9]  }
0x89: {  	s3 =	sld [smem:$0x3FFE];
	_ =	sdelay $0x1  }
0x8a: {  	s1 =	srdreg.scid  }
0x8b: {  	s0 =	sand.u32 $0x1, s1  }
0x8c: {  	s18 =	sshll.u32 s0, $0xA;
	s2 =	sadd.s32 s3, s2  }
0x8d: {  	s3 =	sadd.s32 s2, s18  }
0x8e: {  	[smem:$0x3FC3] =	sst s3  }
0x8f: {  	_ = 	snop  }
0x90: {  	s3 =	sld [smem:$0x3FC9]  }
0x91: {  	s4 =	sld [smem:$0x3FC8]  }
0x92: {  	s5 =	sld [smem:$0x3FC7]  }
0x93: {  	s6 =	sld [smem:$0x3FC6]  }
0x94: {  	s7 =	sld [smem:$0x3FC5];
	(tm) =	ssettm $0x1  }
0x95: {  	s8 =	sld [smem:$0x3FFB];
	_ =	sdelay $0x3  }
0x96: {  	_ =	strace s8  }
0x97: {  	s8 =	sld [smem:$0x3FFC];
	_ =	sdelay $0x3  }
0x98: {  	_ =	strace s8  }
0x99: {  	s8 =	sld [smem:$0x3FFD];
	_ =	sdelay $0x3  }
0x9a: {  	_ =	strace s8  }
0x9b: {  	_ =	strace $0x8FFFFFFF  }
0x9c: {  	s19 =	sld [smem:$0x3FDB];
	_ =	sdelay $0x1  }
0x9d: {  	s9 =	simm.s32 $_scs_section_size  }
0x9e: {  	s10 =	simm.s32 $_size__tile_overlayer_lowered;
	s11 =	simm.s32 $_tile_overlayer_lowered  }
0x9f: {  	s22 =	simm.s32 $0x1BFF;
	s21 =	sshll.u32 s11, $0x1;
	s8 =	sadd.s32 s9, s19  }
0xa0: {  	s12 =	simm.s32 $0x0;
	s20 =	sshll.u32 s10, $0x1;
	s10 =	sadd.s32 s21, s8  }
0xa1: {  	[timem:s12], [sflag:s22] =	dma.local [hbm:s10], s20  }
0xa2: {  	_ =	swait.ge [sflag:s22], s20  }
0xa3: {  	s9 =	ssub.s32 $0x0, s20;
	[sflag:s22] =	ssyncset.done $0x0  }
0xa4: {  	[sflag:s22] =	ssyncadd.s32 s9;
	_ =	sdelay $0x1  }
0xa5: {  	s23 =	simm.s32 $0x1B8B  }
0xa6: {  	_ =	swait.ge [sflag:s23], $0x1  }
0xa7: {  	[sflag:s23] =	ssyncset.done $0x0  }
0xa8: {  	s25 =	simm.s32 $0x1B8E;
	s24 =	sld [smem:$0x3FFE];
	[sflag:s23] =	ssyncadd.s32 $0xFFFFFFFF  }
0xa9: {  	s26 =	simm.s32 $execute0_lowered;
	[smem:$0x3FD2] =	sst s25  }
0xaa: {  	s10 =	sshll.u32 s26, $0x1;
	_ =	strace $0x80000046;
	[dreg:$0x1] =	wrdreg $0xFFFFFFFF  }
0xab: {  	s28 =	simm.s32 $_size_execute0_lowered;
	s8 =	sadd.s32 s8, s10;
	[dreg:$0x0] =	wrdreg $0x0  }
0xac: {  	s10 =	sshll.u32 s28, $0x1;
	[dreg:$0x2] =	wrdreg s8  }
0xad: {  	[dreg:$0x3] =	wrdreg s10  }
0xae: {  	[dreg:$0x4] =	wrdreg $0xC0  }
0xaf: {  	_ =	task [dreg:s12], $0x5FFFF  }
0xb0: {  	[dreg:$0x1] =	wrdreg $0xFFFFFFFF  }
0xb1: {  	[dreg:$0x0] =	wrdreg $0x60  }
0xb2: {  	[dreg:$0x2] =	wrdreg s3  }
0xb3: {  	[dreg:$0x3] =	wrdreg s7  }
0xb4: {  	[dreg:$0x4] =	wrdreg s4  }
0xb5: {  	[dreg:$0x5] =	wrdreg s6  }
0xb6: {  	[dreg:$0x6] =	wrdreg s5  }
0xb7: {  	s2 =	sadd.s32 $0x800, s2;
	[dreg:$0x7] =	wrdreg s24  }
0xb8: {  	[dreg:$0x8] =	wrdreg s2  }
0xb9: {  	[dreg:$0x9] =	wrdreg $0x9  }
0xba: {  	_ =	task.clear_ibuf [dreg:s12], $0xAFFFF;
	_ =	strace $0x90000046  }
0xbb: {  	s29 =	simm.s32 $0x9;
	_ =	strace $0x80000048  }
0xbc: {  	_ =	swait.ge [sflag:s29], $0x1  }
0xbd: {  	[sflag:s29] =	ssyncadd.s32 $0xFFFFFFFF  }
0xbe: {  	_ =	strace $0x90000048  }
0xbf: {  	_ =	sfence  }
0xc0: {  	s30 =	sld [smem:$0x0];
	_ =	sdelay $0x2  }
0xc1: {  	s31 =	sshll.u32 s1, $0xD;
	s1 =	sshrl.u32 s1, $0x2  }
0xc2: {  	s3 =	sand.u32 $0x4000, s31;
	s1 =	sadd.s32 s1, s30  }
0xc3: {  	s0 =	sor.u32 s3, s0;
	s1 =	sshll.u32 s1, $0x11  }
0xc4: {  	s0 =	sor.u32 s1, s0  }
0xc5: {  	s0 =	sadd.s32 $0x8F2B, s0  }
0xc6: {  	[sflag:s0] =	ssyncadd.remote.s32 $0x1  }
0xc7: {  	_ =	sfence.sel $0xFFFF  }
0xc8: {  	[dreg:$0x0] =	wrdreg $0xFFFFFFFF;
	(pc) =	sbr.abs _section_cstart, $3  }
0xc9: {  	[dreg:$0x1] =	wrdreg $0xFFFFFFFF  }
0xca: {  	_ =	task.clear_ibuf [dreg:s12], $0x2FFFF;
	_ =	strace $0x9FFFFFFF  }
0xcb: {  	(tm) =	ssettm $0x7FFFFFFF  }
tec
execute0_lowered:
.L_overlay_start_1:
0x0: {  	(tag) =	ssettag $0x1  }
0x1: {  	s1 =	rddreg [dreg:$0x0]  }
0x2: {  	s2 =	rddreg [dreg:$0x1]  }
0x3: {  	s0 =	srdreg.scid;
	s5 =	rddreg [dreg:$0x4]  }
0x4: {  	s4 =	stileid.u32;
	s13 =	rddreg [dreg:$0x5]  }
0x5: {  	s7 =	simm.s32 $0x1;
	s14 =	rddreg [dreg:$0x6];
	s12 =	sand.u32 $0x1, s4  }
0x6: {  	s31 =	simm.s32 $0x11800;
	s0 =	sand.u32 $0x1, s0;
	s16 =	smul.u32 $0x32000, s12  }
0x7: {  	s3 =	sshll.u32 s0, $0x4;
	p1 =	seq.s32 s12, $0x1;
	s11 =	smul.u32 $0x140, s12  }
0x8: {  	s0 =	ssub.s32 $0x2, s0;
	s21 =	smul.u32 $0x6400, s12;
	s29 =	sxor.u32 $0x1, s12  }
0x9: {  	s12 =	smul.u32 $0x19000, s12;
	s6 =	sor.u32 s4, s3;
	s3 =	rddreg [dreg:$0x2]  }
0xa: {  	s4 =	rddreg [dreg:$0x3];
	s20 =	smul.u32 $0x6400, s29;
	p0 =	seq.s32 s6, $0x0  }
0xb: {  	s10 =	sshrl.u32 s0, $0x1;
	s22 =	smul.u32 $0x19000, s29;
	p0 =	por !p0, !p1  }
0xc: {  	s8 =	sshrl.u32 s6, $0x1;
	s0 =	ssub.s32 s0, s10;
	p0 =	por !p0, !p0  }
0xd: {  	s10 =	simm.s32 $0x1;
	s6 =	smul.u32 $0x6, s6;
	s7 =	simm.s32 @!p0 $0x0  }
0xe: {  	s25 =	sshrl.u32 s12, $0x2;
	s15 =	ssub.s32 s8, s7;
	s8 =	simm.s32 $0x0  }
0xf: {  	s26 =	sshrl.u32 s22, $0x2;
	s6 =	sadd.s32 s13, s6;
	[smem:$0x7FF] =	sst s8  }
0x10: {  	s7 =	smul.u32 $0x64000, s15;
	_ =	strace $0x80000047;
	[dreg:$0xb] =	wrdreg s6  }
0x11: {  	s0 =	smax.u32 s0, $0x1;
	s9 =	smul.u32 $0xC8000, s15;
	[dreg:$0x14] =	wrdreg s26  }
0x12: {  	s29 =	sor.u32 $0x280, s21;
	s15 =	smul.u32 $0xC800, s15;
	[dreg:$0x15] =	wrdreg s0  }
0x13: {  	s26 =	sshrl.u32 s11, $0x3;
	[dreg:$0x8] =	wrdreg s21;
	s17 =	sadd.s32 s16, s7  }
0x14: {  	[dreg:$0x17] =	wrdreg s29;
	s16 =	sadd.s32 s16, s9;
	s17 =	sshrl.u32 s17, $0x3  }
0x15: {  	[dreg:$0x13] =	wrdreg s25;
	s18 =	sshrl.u32 s16, $0x3;
	s19 =	sadd.s32 s5, s17  }
0x16: {  	s0 =	simm.s32 $0x2;
	s28 =	sadd.s32 s1, s18;
	[dreg:$0x9] =	wrdreg s19  }
0x17: {  	s16 =	sadd.s32 $0x64000, s16;
	s13 =	sadd.s32 s2, s18;
	[dreg:$0xa] =	wrdreg s28  }
0x18: {  	s16 =	sshrl.u32 s16, $0x3;
	s23 =	sadd.s32 s3, s17;
	[dreg:$0xd] =	wrdreg s13  }
0x19: {  	s18 =	sadd.s32 s20, s15;
	s24 =	sadd.s32 s4, s17;
	[dreg:$0x11] =	wrdreg s23  }
0x1a: {  	s20 =	sadd.s32 s21, s15;
	s30 =	sadd.s32 s1, s16;
	[dreg:$0x12] =	wrdreg s24  }
0x1b: {  	s15 =	simm.s32 $0xF000;
	s16 =	sadd.s32 s2, s16;
	[dreg:$0xc] =	wrdreg s30  }
0x1c: {  	s13 =	sshrl.u32 s20, $0x3;
	s28 =	sor.u32 $0x40, s25;
	[dreg:$0xe] =	wrdreg s16  }
0x1d: {  	s6 =	sshrl.u32 s18, $0x3;
	s13 =	sadd.s32 s13, s14;
	[dreg:$0x16] =	wrdreg s28  }
0x1e: {  	s17 =	simm.s32 $0x12C00;
	s6 =	sadd.s32 s6, s14;
	[dreg:$0xf] =	wrdreg s13  }
0x1f: {  	s30 =	sor.u32 $0x2C0, s25;
	s16 =	simm.s32 $0x10400;
	[dreg:$0x10] =	wrdreg s6  }
0x20: {  	v18 =	vlaneseq.u32;
	s14 =	simm.s32 $0x0;
	[dreg:$0x18] =	wrdreg s30;
	s6 =	simm.s32 $0x19000  }
.LBB2_1:
0x21: {  	[dreg:$0x19] =	wrdreg s14  }
0x22: {  	s12 =	rddreg [dreg:$0x9]  }
0x23: {  	s18 =	rddreg [dreg:$0x18]  }
0x24: {  	s23 =	rddreg [dreg:$0x17]  }
0x25: {  	s25 =	simm.s32 $0x0;
	s22 =	rddreg [dreg:$0x16]  }
0x26: {  	[tilespmem:s31], [sflag:$0x1] =	stream.linear.gather [hbm4b:s12+s8], $0x1400, $0x38;
	[tilespmem:$0x1B880] =	vst v63  }
0x27: {  	s29 =	rddreg [dreg:$0x8];
	s30 =	simm.s32 $0x0;
	s12 =	simm.s32 $0x280  }
.LBB2_2:
0x28: {  	s13 =	sshll.u32 s30, $0x4  }
0x29: {  	s13 =	sadd.s32 s13, s11  }
0x2a: {  	s13 =	sadd.s32 $0x8, s13  }
0x2b: {  	s13 =	sshrl.u32 s13, $0x3  }
0x2c: {  	s13 =	smul.u32 $0x1400, s13;
	_ =	sdelay $0x1  }
0x2d: {  	s13 =	sadd.s32 s7, s13  }
0x2e: {  	s13 =	sshrl.u32 s13, $0x3  }
0x2f: {  	s19 =	simm.s32 $0x0;
	s13 =	sadd.s32 s5, s13  }
0x30: {  	[tilespmem:s6], [sflag:$0x2] =	stream.linear.gather [hbm4b:s13+s19], $0x1400, $0x38;
	[tilespmem:$0x1B880] =	vst v63  }
0x31: {  	_ =	swait.ge [sflag:s10], $0x1400  }
0x32: {  	[sflag:s10] =	ssyncset.done $0x0  }
0x33: {  	s19 =	simm.s32 $0x12040;
	[sflag:s10] =	ssyncadd.s32 $0xFFFFEC00  }
0x34: {  	v2 =	vld [tilespmem:s19+$0xFFFFF7C0]  }
0x35: {  	v3 =	vld [tilespmem:s19+$0xFFFFF810]  }
0x36: {  	v4 =	vld [tilespmem:s19+$0xFFFFFBE0]  }
0x37: {  	v5 =	vld [tilespmem:s19+$0xFFFFFC30]  }
0x38: {  	v6 =	vld [tilespmem:s19+$0x0]  }
0x39: {  	v7 =	vld [tilespmem:s19+$0x3D0]  }
0x3a: {  	v8 =	vld [tilespmem:s19+$0x420];
	v3 =	vshll.u32 v3, $0x4  }
0x3b: {  	v9 =	vld [tilespmem:s19+$0x7F0];
	v2 =	vor.u32 v2, v3;
	v3 =	vshll.u32 v4, $0x8  }
0x3c: {  	v2 =	vor.u32 v3, v2;
	v3 =	vshll.u32 v5, $0xC  }
0x3d: {  	v2 =	vor.u32 v3, v2;
	v3 =	vshll.u32 v6, $0x10  }
0x3e: {  	v2 =	vor.u32 v3, v2;
	v3 =	vshll.u32 v7, $0x14  }
0x3f: {  	s21 =	sadd.s32 $0x0, s25;
	s20 =	sadd.s32 $0x0, s29;
	v2 =	vor.u32 v3, v2;
	v3 =	vshll.u32 v8, $0x18  }
0x40: {  	s20 =	sand.u32 $0x1FF80, s20;
	s13 =	sand.u32 $0x70, s21;
	v2 =	vor.u32 v3, v2;
	v3 =	vshll.u32 v9, $0x1C  }
0x41: {  	s13 =	sor.u32 s13, s20;
	v2 =	vor.u32 v3, v2  }
0x42: {  	[tilespmem:s13+$0x0] =	vst v2  }
0x43: {  	v2 =	vld [tilespmem:s19+$0xFFFFF7D0]  }
0x44: {  	v3 =	vld [tilespmem:s19+$0xFFFFF820]  }
0x45: {  	v4 =	vld [tilespmem:s19+$0xFFFFFBF0]  }
0x46: {  	v5 =	vld [tilespmem:s19+$0xFFFFFFC0]  }
0x47: {  	v6 =	vld [tilespmem:s19+$0x10]  }
0x48: {  	v7 =	vld [tilespmem:s19+$0x3E0]  }
0x49: {  	v8 =	vld [tilespmem:s19+$0x430];
	v3 =	vshll.u32 v3, $0x4  }
0x4a: {  	v2 =	vor.u32 v2, v3;
	v3 =	vshll.u32 v4, $0x8;
	v4 =	vld [tilespmem:s19+$0x800]  }
0x4b: {  	v2 =	vor.u32 v3, v2;
	v3 =	vshll.u32 v5, $0xC  }
0x4c: {  	v2 =	vor.u32 v3, v2;
	v3 =	vshll.u32 v6, $0x10  }
0x4d: {  	v2 =	vor.u32 v3, v2;
	v3 =	vshll.u32 v7, $0x14  }
0x4e: {  	v2 =	vor.u32 v3, v2;
	v3 =	vshll.u32 v8, $0x18  }
0x4f: {  	v2 =	vor.u32 v3, v2;
	v3 =	vshll.u32 v4, $0x1C  }
0x50: {  	s20 =	simm.s32 $0x120C0;
	v2 =	vor.u32 v3, v2  }
0x51: {  	v10 =	vld [tilespmem:s20+$0x420];
	[tilespmem:s22+$0xFFFFFFD0] =	vst v2  }
0x52: {  	v3 =	vld [tilespmem:s19+$0xFFFFFC00]  }
0x53: {  	v4 =	vld [tilespmem:s19+$0xFFFFF830]  }
0x54: {  	v5 =	vld [tilespmem:s19+$0xFFFFF7E0]  }
0x55: {  	v2 =	vld [tilespmem:s19+$0xFFFFFFD0]  }
0x56: {  	v6 =	vld [tilespmem:s19+$0x20]  }
0x57: {  	v7 =	vld [tilespmem:s19+$0x3F0]  }
0x58: {  	v8 =	vld [tilespmem:s19+$0x7C0];
	v4 =	vshll.u32 v4, $0x4  }
0x59: {  	v9 =	vld [tilespmem:s19+$0x810];
	v3 =	vshll.u32 v3, $0x8;
	v4 =	vor.u32 v5, v4  }
0x5a: {  	v2 =	vshll.u32 v2, $0xC;
	v5 =	vld [tilespmem:s20+$0xFFFFF7C0];
	v3 =	vor.u32 v3, v4  }
0x5b: {  	v4 =	vshll.u32 v6, $0x10;
	v6 =	vld [tilespmem:s20+$0xFFFFF810];
	v2 =	vor.u32 v2, v3  }
0x5c: {  	v3 =	vshll.u32 v7, $0x14;
	v7 =	vld [tilespmem:s20+$0xFFFFFBE0];
	v2 =	vor.u32 v4, v2  }
0x5d: {  	v4 =	vshll.u32 v8, $0x18;
	v8 =	vld [tilespmem:s20+$0xFFFFFC30];
	v2 =	vor.u32 v3, v2  }
0x5e: {  	v3 =	vshll.u32 v9, $0x1C;
	v9 =	vld [tilespmem:s20+$0x0];
	v2 =	vor.u32 v4, v2  }
0x5f: {  	v4 =	vld [tilespmem:s20+$0x3D0];
	v2 =	vor.u32 v3, v2  }
0x60: {  	v3 =	vshll.u32 v6, $0x4;
	v6 =	vld [tilespmem:s20+$0x7F0];
	[tilespmem:s22+$0xFFFFFFE0] =	vst v2  }
0x61: {  	v2 =	vor.u32 v5, v3;
	v3 =	vshll.u32 v7, $0x8;
	v5 =	vld [tilespmem:s19+$0xFFFFFBC0]  }
0x62: {  	v2 =	vor.u32 v3, v2;
	v3 =	vshll.u32 v8, $0xC;
	v7 =	vld [tilespmem:s19+$0xFFFFF7F0]  }
0x63: {  	v8 =	vld [tilespmem:s19+$0xFFFFFC10];
	v2 =	vor.u32 v3, v2;
	v3 =	vshll.u32 v9, $0x10  }
0x64: {  	v9 =	vld [tilespmem:s19+$0x30];
	v2 =	vor.u32 v3, v2;
	v3 =	vshll.u32 v4, $0x14  }
0x65: {  	s24 =	sadd.s32 $0x50, s25;
	s21 =	sadd.s32 $0x50, s29;
	v4 =	vld [tilespmem:s19+$0xFFFFFFE0];
	v2 =	vor.u32 v3, v2;
	v3 =	vshll.u32 v10, $0x18  }
0x66: {  	s21 =	sand.u32 $0x1FF80, s21;
	s13 =	sand.u32 $0x70, s24;
	v2 =	vor.u32 v3, v2;
	v3 =	vshll.u32 v6, $0x1C;
	v6 =	vld [tilespmem:s19+$0x400]  }
0x67: {  	s13 =	sor.u32 s13, s21;
	v2 =	vor.u32 v3, v2;
	v3 =	vld [tilespmem:s19+$0x7D0]  }
0x68: {  	v5 =	vshll.u32 v5, $0x4;
	[tilespmem:s13+$0x0] =	vst v2;
	v2 =	vld [tilespmem:s19+$0x820]  }
0x69: {  	v5 =	vor.u32 v7, v5;
	v7 =	vshll.u32 v8, $0x8;
	v8 =	vld [tilespmem:s20+$0xFFFFF7D0]  }
0x6a: {  	v5 =	vor.u32 v7, v5;
	v4 =	vshll.u32 v4, $0xC;
	v7 =	vld [tilespmem:s20+$0xFFFFF820]  }
0x6b: {  	v4 =	vor.u32 v4, v5;
	v5 =	vshll.u32 v9, $0x10;
	v9 =	vld [tilespmem:s20+$0xFFFFFBF0]  }
0x6c: {  	v4 =	vor.u32 v5, v4;
	v5 =	vshll.u32 v6, $0x14;
	v6 =	vld [tilespmem:s20+$0xFFFFFFC0]  }
0x6d: {  	v4 =	vor.u32 v5, v4;
	v3 =	vshll.u32 v3, $0x18;
	v5 =	vld [tilespmem:s20+$0x10]  }
0x6e: {  	v3 =	vor.u32 v3, v4;
	v2 =	vshll.u32 v2, $0x1C;
	v4 =	vld [tilespmem:s20+$0x3E0]  }
0x6f: {  	v2 =	vor.u32 v2, v3;
	v3 =	vshll.u32 v7, $0x4;
	v7 =	vld [tilespmem:s20+$0x430]  }
0x70: {  	[tilespmem:s22+$0xFFFFFFF0] =	vst v2;
	v2 =	vor.u32 v8, v3;
	v3 =	vshll.u32 v9, $0x8;
	v8 =	vld [tilespmem:s20+$0x800]  }
0x71: {  	v2 =	vor.u32 v3, v2;
	v3 =	vshll.u32 v6, $0xC;
	v9 =	vld [tilespmem:s19+$0xFFFFFBD0]  }
0x72: {  	v3 =	vor.u32 v3, v2;
	v5 =	vshll.u32 v5, $0x10;
	v2 =	vld [tilespmem:s19+$0x7E0]  }
0x73: {  	v3 =	vor.u32 v5, v3;
	v5 =	vshll.u32 v4, $0x14;
	v4 =	vld [tilespmem:s19+$0xFFFFFFF0]  }
0x74: {  	v5 =	vor.u32 v5, v3;
	v6 =	vshll.u32 v7, $0x18;
	v3 =	vld [tilespmem:s19+$0x410]  }
0x75: {  	v6 =	vor.u32 v6, v5;
	v7 =	vshll.u32 v8, $0x1C;
	v5 =	vld [tilespmem:s19+$0x3C0]  }
0x76: {  	s21 =	sadd.s32 $0x50, s22;
	v8 =	vor.u32 v7, v6;
	v6 =	vld [tilespmem:s19+$0xFFFFF800]  }
0x77: {  	s28 =	smov.u32 s22;
	s24 =	simm.s32 $0xA0;
	v7 =	vshll.u32 v9, $0x4;
	[tilespmem:s21+$0xFFFFFFD0] =	vst v8;
	v8 =	vld [tilespmem:s19+$0xFFFFFC20]  }
.LBB2_3:
0x78: {  	p0 =	sne.s32 s24, $0x230;
	s13 =	smov.u32 s24  }
0x79: {  	v9 =	vld [tilespmem:s19+$0x830];
	s24 =	sadd.s32 $0x50, s24;
	s19 =	smov.u32 s20;
	s20 =	sadd.s32 $0x80, s20  }
0x7a: {  	v4 =	vshll.u32 v4, $0xC;
	v10 =	vld [tilespmem:s19+$0xFFFFFFD0]  }
0x7b: {  	v11 =	vld [tilespmem:s19+$0xFFFFFC00];
	v5 =	vshll.u32 v5, $0x10  }
0x7c: {  	v3 =	vshll.u32 v3, $0x14;
	v12 =	vld [tilespmem:s19+$0xFFFFF830];
	v6 =	vor.u32 v6, v7  }
0x7d: {  	v2 =	vshll.u32 v2, $0x18;
	v7 =	vld [tilespmem:s19+$0xFFFFF7E0];
	v8 =	vshll.u32 v8, $0x8  }
0x7e: {  	v13 =	vld [tilespmem:s19+$0x20];
	v6 =	vor.u32 v8, v6  }
0x7f: {  	v8 =	vld [tilespmem:s19+$0x3F0];
	v4 =	vor.u32 v4, v6  }
0x80: {  	v6 =	vld [tilespmem:s19+$0x7C0];
	v4 =	vor.u32 v5, v4;
	v5 =	vshll.u32 v9, $0x1C  }
0x81: {  	v11 =	vshll.u32 v11, $0x8;
	v9 =	vshll.u32 v12, $0x4;
	v12 =	vld [tilespmem:s19+$0x810];
	v3 =	vor.u32 v3, v4  }
0x82: {  	v4 =	vld [tilespmem:s20+$0x420];
	v7 =	vor.u32 v7, v9;
	v9 =	vshll.u32 v10, $0xC;
	v2 =	vor.u32 v2, v3  }
0x83: {  	v3 =	vld [tilespmem:s20+$0xFFFFF7C0];
	v7 =	vor.u32 v11, v7;
	v10 =	vshll.u32 v13, $0x10;
	v2 =	vor.u32 v5, v2  }
0x84: {  	v5 =	vld [tilespmem:s20+$0xFFFFF810];
	v7 =	vor.u32 v9, v7;
	v8 =	vshll.u32 v8, $0x14;
	[tilespmem:s28+$0x0] =	vst v2;
	s28 =	smov.u32 s21  }
0x85: {  	v2 =	vld [tilespmem:s20+$0xFFFFFBE0];
	v7 =	vor.u32 v10, v7;
	v6 =	vshll.u32 v6, $0x18  }
0x86: {  	v9 =	vld [tilespmem:s20+$0xFFFFFC30];
	v7 =	vor.u32 v8, v7;
	v8 =	vshll.u32 v12, $0x1C  }
0x87: {  	v10 =	vld [tilespmem:s20+$0x0];
	v6 =	vor.u32 v6, v7  }
0x88: {  	v7 =	vld [tilespmem:s20+$0x3D0];
	v6 =	vor.u32 v8, v6  }
0x89: {  	v5 =	vshll.u32 v5, $0x4;
	v8 =	vld [tilespmem:s20+$0x7F0];
	[tilespmem:s21+$0xFFFFFFE0] =	vst v6  }
0x8a: {  	v3 =	vor.u32 v3, v5;
	v2 =	vshll.u32 v2, $0x8;
	v5 =	vld [tilespmem:s19+$0xFFFFFBC0]  }
0x8b: {  	v2 =	vor.u32 v2, v3;
	v3 =	vshll.u32 v9, $0xC;
	v6 =	vld [tilespmem:s19+$0xFFFFF7F0]  }
0x8c: {  	v2 =	vor.u32 v3, v2;
	v3 =	vshll.u32 v10, $0x10;
	v9 =	vld [tilespmem:s19+$0xFFFFFC10]  }
0x8d: {  	v2 =	vor.u32 v3, v2;
	v3 =	vshll.u32 v7, $0x14;
	v7 =	vld [tilespmem:s19+$0xFFFFFFE0]  }
0x8e: {  	s14 =	sadd.s32 s13, s25;
	s13 =	sadd.s32 s13, s29;
	v2 =	vor.u32 v3, v2;
	v3 =	vshll.u32 v4, $0x18;
	v4 =	vld [tilespmem:s19+$0x30]  }
0x8f: {  	s13 =	sand.u32 $0x1FF80, s13;
	s14 =	sand.u32 $0x70, s14;
	v2 =	vor.u32 v3, v2;
	v3 =	vshll.u32 v8, $0x1C;
	v5 =	vshll.u32 v5, $0x4;
	v8 =	vld [tilespmem:s19+$0x400]  }
0x90: {  	s13 =	sor.u32 s14, s13;
	v2 =	vor.u32 v3, v2;
	v3 =	vor.u32 v6, v5;
	v5 =	vld [tilespmem:s19+$0x7D0]  }
0x91: {  	[tilespmem:s13+$0x0] =	vst v2;
	v2 =	vshll.u32 v9, $0x8;
	v6 =	vld [tilespmem:s19+$0x820]  }
0x92: {  	v9 =	vld [tilespmem:s20+$0xFFFFF7D0];
	v2 =	vor.u32 v2, v3;
	v3 =	vshll.u32 v7, $0xC  }
0x93: {  	v7 =	vld [tilespmem:s20+$0xFFFFF820];
	v2 =	vor.u32 v3, v2;
	v3 =	vshll.u32 v4, $0x10  }
0x94: {  	v4 =	vld [tilespmem:s20+$0xFFFFFBF0];
	v2 =	vor.u32 v3, v2;
	v3 =	vshll.u32 v8, $0x14  }
0x95: {  	v8 =	vld [tilespmem:s20+$0xFFFFFFC0];
	v2 =	vor.u32 v3, v2;
	v3 =	vshll.u32 v5, $0x18  }
0x96: {  	v5 =	vld [tilespmem:s20+$0x10];
	v2 =	vor.u32 v3, v2;
	v3 =	vshll.u32 v6, $0x1C  }
0x97: {  	v6 =	vld [tilespmem:s20+$0x3E0];
	v2 =	vor.u32 v3, v2  }
0x98: {  	v3 =	vshll.u32 v7, $0x4;
	v7 =	vld [tilespmem:s20+$0x430];
	[tilespmem:s21+$0xFFFFFFF0] =	vst v2  }
0x99: {  	v2 =	vor.u32 v9, v3;
	v3 =	vshll.u32 v4, $0x8;
	v9 =	vld [tilespmem:s20+$0x800]  }
0x9a: {  	v2 =	vor.u32 v3, v2;
	v3 =	vshll.u32 v8, $0xC;
	v8 =	vld [tilespmem:s19+$0xFFFFFBD0]  }
0x9b: {  	v3 =	vor.u32 v3, v2;
	v4 =	vshll.u32 v5, $0x10;
	v2 =	vld [tilespmem:s19+$0x7E0]  }
.Ltmp0:
0x9c: {  	v3 =	vor.u32 v4, v3;
	v5 =	vshll.u32 v6, $0x14;
	v4 =	vld [tilespmem:s19+$0xFFFFFFF0];
	(pc) =	sbr.rel @p0 .LBB2_3-.Ltmp0, $4  }
0x9d: {  	v5 =	vor.u32 v5, v3;
	v6 =	vshll.u32 v7, $0x18;
	v3 =	vld [tilespmem:s19+$0x410]  }
0x9e: {  	s21 =	sadd.s32 $0x50, s21;
	v6 =	vor.u32 v6, v5;
	v7 =	vshll.u32 v9, $0x1C;
	v5 =	vld [tilespmem:s19+$0x3C0]  }
0x9f: {  	v9 =	vor.u32 v7, v6;
	v6 =	vld [tilespmem:s19+$0xFFFFF800];
	v7 =	vshll.u32 v8, $0x4  }
0xa0: {  	[tilespmem:s21+$0xFFFFFFD0] =	vst v9;
	v8 =	vld [tilespmem:s19+$0xFFFFFC20]  }
0xa1: {  	v9 =	vld [tilespmem:s20+$0xFFFFFC00]  }
0xa2: {  	v10 =	vld [tilespmem:s20+$0xFFFFF830]  }
0xa3: {  	v11 =	vld [tilespmem:s20+$0xFFFFF7E0]  }
0xa4: {  	v12 =	vld [tilespmem:s20+$0xFFFFFFD0]  }
0xa5: {  	v13 =	vld [tilespmem:s20+$0x20]  }
0xa6: {  	v14 =	vld [tilespmem:s20+$0x3F0]  }
0xa7: {  	v15 =	vld [tilespmem:s20+$0x7C0];
	v10 =	vshll.u32 v10, $0x4  }
0xa8: {  	v9 =	vshll.u32 v9, $0x8;
	v10 =	vor.u32 v11, v10;
	v11 =	vld [tilespmem:s20+$0x810]  }
0xa9: {  	v12 =	vshll.u32 v12, $0xC;
	v9 =	vor.u32 v9, v10  }
0xaa: {  	v10 =	vshll.u32 v13, $0x10;
	v9 =	vor.u32 v12, v9  }
0xab: {  	v57 =	vshll.u32 v14, $0x14;
	v9 =	vor.u32 v10, v9  }
0xac: {  	v10 =	vshll.u32 v15, $0x18;
	v9 =	vor.u32 v57, v9  }
0xad: {  	v11 =	vshll.u32 v11, $0x1C;
	v9 =	vor.u32 v10, v9  }
0xae: {  	v9 =	vor.u32 v11, v9  }
0xaf: {  	[tilespmem:s21+$0xFFFFFFE0] =	vst v9  }
0xb0: {  	v9 =	vld [tilespmem:s20+$0xFFFFFBC0]  }
0xb1: {  	v10 =	vld [tilespmem:s20+$0xFFFFF7F0]  }
0xb2: {  	v11 =	vld [tilespmem:s20+$0xFFFFFC10]  }
0xb3: {  	v58 =	vld [tilespmem:s20+$0xFFFFFFE0]  }
0xb4: {  	v59 =	vld [tilespmem:s20+$0x30]  }
0xb5: {  	v60 =	vld [tilespmem:s20+$0x400]  }
0xb6: {  	v61 =	vld [tilespmem:s20+$0x7D0];
	v9 =	vshll.u32 v9, $0x4  }
0xb7: {  	v9 =	vor.u32 v10, v9;
	v10 =	vshll.u32 v11, $0x8;
	v11 =	vld [tilespmem:s20+$0x820]  }
0xb8: {  	v9 =	vor.u32 v10, v9;
	v10 =	vshll.u32 v58, $0xC  }
0xb9: {  	v9 =	vor.u32 v10, v9;
	v10 =	vshll.u32 v59, $0x10  }
0xba: {  	v9 =	vor.u32 v10, v9;
	v10 =	vshll.u32 v60, $0x14  }
0xbb: {  	v9 =	vor.u32 v10, v9;
	v10 =	vshll.u32 v61, $0x18  }
0xbc: {  	v9 =	vor.u32 v10, v9;
	v10 =	vshll.u32 v11, $0x1C  }
0xbd: {  	v9 =	vor.u32 v10, v9  }
0xbe: {  	v10 =	vld [tilespmem:s19+$0x830];
	[tilespmem:s21+$0xFFFFFFF0] =	vst v9  }
0xbf: {  	v9 =	vld [tilespmem:s20+$0xFFFFFBD0]  }
0xc0: {  	v11 =	vld [tilespmem:s20+$0xFFFFF800]  }
0xc1: {  	v62 =	vld [tilespmem:s20+$0xFFFFFC20]  }
0xc2: {  	v63 =	vld [tilespmem:s20+$0xFFFFFFF0]  }
0xc3: {  	v6 =	vor.u32 v6, v7;
	v7 =	vshll.u32 v8, $0x8;
	v8 =	vld [tilespmem:s20+$0x3C0]  }
0xc4: {  	v4 =	vshll.u32 v4, $0xC;
	s13 =	sshll.u32 s30, $0x1;
	v2 =	vshll.u32 v2, $0x18;
	v6 =	vor.u32 v7, v6;
	v7 =	vld [tilespmem:s20+$0x410]  }
0xc5: {  	v3 =	vshll.u32 v3, $0x14;
	s13 =	sadd.s32 $0x2, s13;
	v4 =	vor.u32 v4, v6;
	v6 =	vld [tilespmem:s20+$0x7E0];
	v9 =	vshll.u32 v9, $0x4  }
0xc6: {  	v5 =	vshll.u32 v5, $0x10;
	p0 =	seq.s32 s13, $0x28;
	v12 =	vshll.u32 v62, $0x8;
	v9 =	vor.u32 v11, v9;
	v11 =	vld [tilespmem:s20+$0x830]  }
0xc7: {  	s13 =	simm.s32 @p0 $0x0;
	v4 =	vor.u32 v5, v4;
	v5 =	vshll.u32 v63, $0xC;
	v9 =	vor.u32 v12, v9  }
0xc8: {  	s13 =	sadd.s32 s26, s13;
	v3 =	vor.u32 v3, v4;
	v8 =	vshll.u32 v8, $0x10;
	v5 =	vor.u32 v5, v9  }
0xc9: {  	s13 =	smul.u32 $0x1400, s13;
	v2 =	vor.u32 v2, v3;
	v4 =	vshll.u32 v7, $0x14;
	v5 =	vor.u32 v8, v5  }
0xca: {  	v10 =	vshll.u32 v10, $0x1C;
	v3 =	vshll.u32 v6, $0x18;
	v4 =	vor.u32 v4, v5  }
0xcb: {  	s13 =	sadd.s32 s7, s13;
	v2 =	vor.u32 v10, v2;
	v5 =	vshll.u32 v11, $0x1C;
	v3 =	vor.u32 v3, v4  }
0xcc: {  	s13 =	sshrl.u32 s13, $0x3;
	[tilespmem:s28+$0x0] =	vst v2;
	v2 =	vor.u32 v5, v3  }
0xcd: {  	s14 =	simm.s32 $0x0;
	s13 =	sadd.s32 s5, s13;
	[tilespmem:s21+$0x0] =	vst v2  }
0xce: {  	[tilespmem:s31], [sflag:$0x1] =	stream.linear.gather [hbm4b:s13+s14], $0x1400, $0x38;
	[tilespmem:$0x1B880] =	vst v63  }
0xcf: {  	_ =	swait.ge [sflag:s0], $0x1400  }
0xd0: {  	[sflag:s0] =	ssyncset.done $0x0  }
0xd1: {  	s19 =	simm.s32 $0x19840;
	[sflag:s0] =	ssyncadd.s32 $0xFFFFEC00  }
0xd2: {  	v2 =	vld [tilespmem:s19+$0xFFFFF7C0]  }
0xd3: {  	v3 =	vld [tilespmem:s19+$0xFFFFF810]  }
0xd4: {  	v4 =	vld [tilespmem:s19+$0xFFFFFBE0]  }
0xd5: {  	v5 =	vld [tilespmem:s19+$0xFFFFFC30]  }
0xd6: {  	v6 =	vld [tilespmem:s19+$0x0]  }
0xd7: {  	v7 =	vld [tilespmem:s19+$0x3D0]  }
0xd8: {  	v8 =	vld [tilespmem:s19+$0x420];
	v3 =	vshll.u32 v3, $0x4  }
0xd9: {  	v9 =	vld [tilespmem:s19+$0x7F0];
	v2 =	vor.u32 v2, v3;
	v3 =	vshll.u32 v4, $0x8  }
0xda: {  	v2 =	vor.u32 v3, v2;
	v3 =	vshll.u32 v5, $0xC  }
0xdb: {  	v2 =	vor.u32 v3, v2;
	v3 =	vshll.u32 v6, $0x10  }
0xdc: {  	v2 =	vor.u32 v3, v2;
	v3 =	vshll.u32 v7, $0x14  }
0xdd: {  	s24 =	sadd.s32 $0x0, s12;
	s20 =	sadd.s32 $0x0, s23;
	v2 =	vor.u32 v3, v2;
	v3 =	vshll.u32 v8, $0x18  }
0xde: {  	s14 =	sand.u32 $0x7FFFFF80, s20;
	s13 =	sand.u32 $0x70, s24;
	v2 =	vor.u32 v3, v2;
	v3 =	vshll.u32 v9, $0x1C  }
0xdf: {  	s13 =	sor.u32 s13, s14;
	v2 =	vor.u32 v3, v2  }
0xe0: {  	[tilespmem:s13+$0x0] =	vst v2  }
0xe1: {  	v2 =	vld [tilespmem:s19+$0xFFFFF7D0]  }
0xe2: {  	v3 =	vld [tilespmem:s19+$0xFFFFF820]  }
0xe3: {  	v4 =	vld [tilespmem:s19+$0xFFFFFBF0]  }
0xe4: {  	v5 =	vld [tilespmem:s19+$0xFFFFFFC0]  }
0xe5: {  	v6 =	vld [tilespmem:s19+$0x10]  }
0xe6: {  	v7 =	vld [tilespmem:s19+$0x3E0]  }
0xe7: {  	v8 =	vld [tilespmem:s19+$0x430];
	v3 =	vshll.u32 v3, $0x4  }
0xe8: {  	v2 =	vor.u32 v2, v3;
	v3 =	vshll.u32 v4, $0x8;
	v4 =	vld [tilespmem:s19+$0x800]  }
0xe9: {  	v2 =	vor.u32 v3, v2;
	v3 =	vshll.u32 v5, $0xC  }
0xea: {  	v2 =	vor.u32 v3, v2;
	v3 =	vshll.u32 v6, $0x10  }
0xeb: {  	v2 =	vor.u32 v3, v2;
	v3 =	vshll.u32 v7, $0x14  }
0xec: {  	v2 =	vor.u32 v3, v2;
	v3 =	vshll.u32 v8, $0x18  }
0xed: {  	v2 =	vor.u32 v3, v2;
	v3 =	vshll.u32 v4, $0x1C  }
0xee: {  	s20 =	simm.s32 $0x198C0;
	v2 =	vor.u32 v3, v2  }
0xef: {  	v10 =	vld [tilespmem:s20+$0x420];
	[tilespmem:s18+$0xFFFFFFD0] =	vst v2  }
0xf0: {  	v3 =	vld [tilespmem:s19+$0xFFFFFC00]  }
0xf1: {  	v4 =	vld [tilespmem:s19+$0xFFFFF830]  }
0xf2: {  	v5 =	vld [tilespmem:s19+$0xFFFFF7E0]  }
0xf3: {  	v2 =	vld [tilespmem:s19+$0xFFFFFFD0]  }
0xf4: {  	v6 =	vld [tilespmem:s19+$0x20]  }
0xf5: {  	v7 =	vld [tilespmem:s19+$0x3F0]  }
0xf6: {  	v8 =	vld [tilespmem:s19+$0x7C0];
	v4 =	vshll.u32 v4, $0x4  }
0xf7: {  	v9 =	vld [tilespmem:s19+$0x810];
	v3 =	vshll.u32 v3, $0x8;
	v4 =	vor.u32 v5, v4  }
0xf8: {  	v2 =	vshll.u32 v2, $0xC;
	v5 =	vld [tilespmem:s20+$0xFFFFF7C0];
	v3 =	vor.u32 v3, v4  }
0xf9: {  	v4 =	vshll.u32 v6, $0x10;
	v6 =	vld [tilespmem:s20+$0xFFFFF810];
	v2 =	vor.u32 v2, v3  }
0xfa: {  	v3 =	vshll.u32 v7, $0x14;
	v7 =	vld [tilespmem:s20+$0xFFFFFBE0];
	v2 =	vor.u32 v4, v2  }
0xfb: {  	v4 =	vshll.u32 v8, $0x18;
	v8 =	vld [tilespmem:s20+$0xFFFFFC30];
	v2 =	vor.u32 v3, v2  }
0xfc: {  	v3 =	vshll.u32 v9, $0x1C;
	v9 =	vld [tilespmem:s20+$0x0];
	v2 =	vor.u32 v4, v2  }
0xfd: {  	v4 =	vld [tilespmem:s20+$0x3D0];
	v2 =	vor.u32 v3, v2  }
0xfe: {  	v3 =	vshll.u32 v6, $0x4;
	v6 =	vld [tilespmem:s20+$0x7F0];
	[tilespmem:s18+$0xFFFFFFE0] =	vst v2  }
0xff: {  	v2 =	vor.u32 v5, v3;
	v3 =	vshll.u32 v7, $0x8;
	v5 =	vld [tilespmem:s19+$0xFFFFFBC0]  }
0x100: {  	v2 =	vor.u32 v3, v2;
	v3 =	vshll.u32 v8, $0xC;
	v7 =	vld [tilespmem:s19+$0xFFFFF7F0]  }
0x101: {  	v8 =	vld [tilespmem:s19+$0xFFFFFC10];
	v2 =	vor.u32 v3, v2;
	v3 =	vshll.u32 v9, $0x10  }
0x102: {  	v9 =	vld [tilespmem:s19+$0x30];
	v2 =	vor.u32 v3, v2;
	v3 =	vshll.u32 v4, $0x14  }
0x103: {  	s21 =	sadd.s32 $0x50, s12;
	s24 =	sadd.s32 $0x50, s23;
	v4 =	vld [tilespmem:s19+$0xFFFFFFE0];
	v2 =	vor.u32 v3, v2;
	v3 =	vshll.u32 v10, $0x18  }
0x104: {  	s14 =	sand.u32 $0x7FFFFF80, s24;
	s13 =	sand.u32 $0x70, s21;
	v2 =	vor.u32 v3, v2;
	v3 =	vshll.u32 v6, $0x1C;
	v6 =	vld [tilespmem:s19+$0x400]  }
0x105: {  	s13 =	sor.u32 s13, s14;
	v2 =	vor.u32 v3, v2;
	v3 =	vld [tilespmem:s19+$0x7D0]  }
0x106: {  	v5 =	vshll.u32 v5, $0x4;
	[tilespmem:s13+$0x0] =	vst v2;
	v2 =	vld [tilespmem:s19+$0x820]  }
0x107: {  	v5 =	vor.u32 v7, v5;
	v7 =	vshll.u32 v8, $0x8;
	v8 =	vld [tilespmem:s20+$0xFFFFF7D0]  }
0x108: {  	v5 =	vor.u32 v7, v5;
	v4 =	vshll.u32 v4, $0xC;
	v7 =	vld [tilespmem:s20+$0xFFFFF820]  }
0x109: {  	v4 =	vor.u32 v4, v5;
	v5 =	vshll.u32 v9, $0x10;
	v9 =	vld [tilespmem:s20+$0xFFFFFBF0]  }
0x10a: {  	v4 =	vor.u32 v5, v4;
	v5 =	vshll.u32 v6, $0x14;
	v6 =	vld [tilespmem:s20+$0xFFFFFFC0]  }
0x10b: {  	v4 =	vor.u32 v5, v4;
	v3 =	vshll.u32 v3, $0x18;
	v5 =	vld [tilespmem:s20+$0x10]  }
0x10c: {  	v3 =	vor.u32 v3, v4;
	v2 =	vshll.u32 v2, $0x1C;
	v4 =	vld [tilespmem:s20+$0x3E0]  }
0x10d: {  	v2 =	vor.u32 v2, v3;
	v3 =	vshll.u32 v7, $0x4;
	v7 =	vld [tilespmem:s20+$0x430]  }
0x10e: {  	[tilespmem:s18+$0xFFFFFFF0] =	vst v2;
	v2 =	vor.u32 v8, v3;
	v3 =	vshll.u32 v9, $0x8;
	v8 =	vld [tilespmem:s20+$0x800]  }
0x10f: {  	v2 =	vor.u32 v3, v2;
	v3 =	vshll.u32 v6, $0xC;
	v9 =	vld [tilespmem:s19+$0xFFFFFBD0]  }
0x110: {  	v3 =	vor.u32 v3, v2;
	v5 =	vshll.u32 v5, $0x10;
	v2 =	vld [tilespmem:s19+$0x7E0]  }
0x111: {  	v3 =	vor.u32 v5, v3;
	v5 =	vshll.u32 v4, $0x14;
	v4 =	vld [tilespmem:s19+$0xFFFFFFF0]  }
0x112: {  	v5 =	vor.u32 v5, v3;
	v6 =	vshll.u32 v7, $0x18;
	v3 =	vld [tilespmem:s19+$0x410]  }
0x113: {  	v6 =	vor.u32 v6, v5;
	v7 =	vshll.u32 v8, $0x1C;
	v5 =	vld [tilespmem:s19+$0x3C0]  }
0x114: {  	s21 =	sadd.s32 $0x50, s18;
	v8 =	vor.u32 v7, v6;
	v6 =	vld [tilespmem:s19+$0xFFFFF800]  }
0x115: {  	s28 =	smov.u32 s18;
	s24 =	simm.s32 $0xA0;
	v7 =	vshll.u32 v9, $0x4;
	[tilespmem:s21+$0xFFFFFFD0] =	vst v8;
	v8 =	vld [tilespmem:s19+$0xFFFFFC20]  }
.LBB2_5:
0x116: {  	p0 =	sne.s32 s24, $0x230;
	s13 =	smov.u32 s24  }
0x117: {  	v9 =	vld [tilespmem:s19+$0x830];
	s24 =	sadd.s32 $0x50, s24;
	s19 =	smov.u32 s20;
	s20 =	sadd.s32 $0x80, s20  }
0x118: {  	v4 =	vshll.u32 v4, $0xC;
	v10 =	vld [tilespmem:s19+$0xFFFFFFD0]  }
0x119: {  	v11 =	vld [tilespmem:s19+$0xFFFFFC00];
	v5 =	vshll.u32 v5, $0x10  }
0x11a: {  	v3 =	vshll.u32 v3, $0x14;
	v12 =	vld [tilespmem:s19+$0xFFFFF830];
	v6 =	vor.u32 v6, v7  }
0x11b: {  	v2 =	vshll.u32 v2, $0x18;
	v7 =	vld [tilespmem:s19+$0xFFFFF7E0];
	v8 =	vshll.u32 v8, $0x8  }
0x11c: {  	v13 =	vld [tilespmem:s19+$0x20];
	v6 =	vor.u32 v8, v6  }
0x11d: {  	v8 =	vld [tilespmem:s19+$0x3F0];
	v4 =	vor.u32 v4, v6  }
0x11e: {  	v6 =	vld [tilespmem:s19+$0x7C0];
	v4 =	vor.u32 v5, v4;
	v5 =	vshll.u32 v9, $0x1C  }
0x11f: {  	v11 =	vshll.u32 v11, $0x8;
	v9 =	vshll.u32 v12, $0x4;
	v12 =	vld [tilespmem:s19+$0x810];
	v3 =	vor.u32 v3, v4  }
0x120: {  	v4 =	vld [tilespmem:s20+$0x420];
	v7 =	vor.u32 v7, v9;
	v9 =	vshll.u32 v10, $0xC;
	v2 =	vor.u32 v2, v3  }
0x121: {  	v3 =	vld [tilespmem:s20+$0xFFFFF7C0];
	v7 =	vor.u32 v11, v7;
	v10 =	vshll.u32 v13, $0x10;
	v2 =	vor.u32 v5, v2  }
0x122: {  	v5 =	vld [tilespmem:s20+$0xFFFFF810];
	v7 =	vor.u32 v9, v7;
	v8 =	vshll.u32 v8, $0x14;
	[tilespmem:s28+$0x0] =	vst v2;
	s28 =	smov.u32 s21  }
0x123: {  	v2 =	vld [tilespmem:s20+$0xFFFFFBE0];
	v7 =	vor.u32 v10, v7;
	v6 =	vshll.u32 v6, $0x18  }
0x124: {  	v9 =	vld [tilespmem:s20+$0xFFFFFC30];
	v7 =	vor.u32 v8, v7;
	v8 =	vshll.u32 v12, $0x1C  }
0x125: {  	v10 =	vld [tilespmem:s20+$0x0];
	v6 =	vor.u32 v6, v7  }
0x126: {  	v7 =	vld [tilespmem:s20+$0x3D0];
	v6 =	vor.u32 v8, v6  }
0x127: {  	v5 =	vshll.u32 v5, $0x4;
	v8 =	vld [tilespmem:s20+$0x7F0];
	[tilespmem:s21+$0xFFFFFFE0] =	vst v6  }
0x128: {  	v3 =	vor.u32 v3, v5;
	v2 =	vshll.u32 v2, $0x8;
	v5 =	vld [tilespmem:s19+$0xFFFFFBC0]  }
0x129: {  	v2 =	vor.u32 v2, v3;
	v3 =	vshll.u32 v9, $0xC;
	v6 =	vld [tilespmem:s19+$0xFFFFF7F0]  }
0x12a: {  	v2 =	vor.u32 v3, v2;
	v3 =	vshll.u32 v10, $0x10;
	v9 =	vld [tilespmem:s19+$0xFFFFFC10]  }
0x12b: {  	v2 =	vor.u32 v3, v2;
	v3 =	vshll.u32 v7, $0x14;
	v7 =	vld [tilespmem:s19+$0xFFFFFFE0]  }
0x12c: {  	s14 =	sadd.s32 s13, s12;
	s13 =	sadd.s32 s13, s23;
	v2 =	vor.u32 v3, v2;
	v3 =	vshll.u32 v4, $0x18;
	v4 =	vld [tilespmem:s19+$0x30]  }
0x12d: {  	s13 =	sand.u32 $0x7FFFFF80, s13;
	s14 =	sand.u32 $0x70, s14;
	v2 =	vor.u32 v3, v2;
	v3 =	vshll.u32 v8, $0x1C;
	v5 =	vshll.u32 v5, $0x4;
	v8 =	vld [tilespmem:s19+$0x400]  }
0x12e: {  	s13 =	sor.u32 s14, s13;
	v2 =	vor.u32 v3, v2;
	v3 =	vor.u32 v6, v5;
	v5 =	vld [tilespmem:s19+$0x7D0]  }
0x12f: {  	[tilespmem:s13+$0x0] =	vst v2;
	v2 =	vshll.u32 v9, $0x8;
	v6 =	vld [tilespmem:s19+$0x820]  }
0x130: {  	v9 =	vld [tilespmem:s20+$0xFFFFF7D0];
	v2 =	vor.u32 v2, v3;
	v3 =	vshll.u32 v7, $0xC  }
0x131: {  	v7 =	vld [tilespmem:s20+$0xFFFFF820];
	v2 =	vor.u32 v3, v2;
	v3 =	vshll.u32 v4, $0x10  }
0x132: {  	v4 =	vld [tilespmem:s20+$0xFFFFFBF0];
	v2 =	vor.u32 v3, v2;
	v3 =	vshll.u32 v8, $0x14  }
0x133: {  	v8 =	vld [tilespmem:s20+$0xFFFFFFC0];
	v2 =	vor.u32 v3, v2;
	v3 =	vshll.u32 v5, $0x18  }
0x134: {  	v5 =	vld [tilespmem:s20+$0x10];
	v2 =	vor.u32 v3, v2;
	v3 =	vshll.u32 v6, $0x1C  }
0x135: {  	v6 =	vld [tilespmem:s20+$0x3E0];
	v2 =	vor.u32 v3, v2  }
0x136: {  	v3 =	vshll.u32 v7, $0x4;
	v7 =	vld [tilespmem:s20+$0x430];
	[tilespmem:s21+$0xFFFFFFF0] =	vst v2  }
0x137: {  	v2 =	vor.u32 v9, v3;
	v3 =	vshll.u32 v4, $0x8;
	v9 =	vld [tilespmem:s20+$0x800]  }
0x138: {  	v2 =	vor.u32 v3, v2;
	v3 =	vshll.u32 v8, $0xC;
	v8 =	vld [tilespmem:s19+$0xFFFFFBD0]  }
0x139: {  	v3 =	vor.u32 v3, v2;
	v4 =	vshll.u32 v5, $0x10;
	v2 =	vld [tilespmem:s19+$0x7E0]  }
.Ltmp1:
0x13a: {  	v3 =	vor.u32 v4, v3;
	v5 =	vshll.u32 v6, $0x14;
	v4 =	vld [tilespmem:s19+$0xFFFFFFF0];
	(pc) =	sbr.rel @p0 .LBB2_5-.Ltmp1, $4  }
0x13b: {  	v5 =	vor.u32 v5, v3;
	v6 =	vshll.u32 v7, $0x18;
	v3 =	vld [tilespmem:s19+$0x410]  }
0x13c: {  	s21 =	sadd.s32 $0x50, s21;
	v6 =	vor.u32 v6, v5;
	v7 =	vshll.u32 v9, $0x1C;
	v5 =	vld [tilespmem:s19+$0x3C0]  }
0x13d: {  	v9 =	vor.u32 v7, v6;
	v6 =	vld [tilespmem:s19+$0xFFFFF800];
	v7 =	vshll.u32 v8, $0x4  }
0x13e: {  	[tilespmem:s21+$0xFFFFFFD0] =	vst v9;
	v8 =	vld [tilespmem:s19+$0xFFFFFC20]  }
0x13f: {  	v9 =	vld [tilespmem:s20+$0xFFFFFC00]  }
0x140: {  	v10 =	vld [tilespmem:s20+$0xFFFFF830]  }
0x141: {  	v11 =	vld [tilespmem:s20+$0xFFFFF7E0]  }
0x142: {  	v12 =	vld [tilespmem:s20+$0xFFFFFFD0]  }
0x143: {  	v13 =	vld [tilespmem:s20+$0x20]  }
0x144: {  	v14 =	vld [tilespmem:s20+$0x3F0]  }
0x145: {  	v15 =	vld [tilespmem:s20+$0x7C0];
	v10 =	vshll.u32 v10, $0x4  }
0x146: {  	v33 =	vld [tilespmem:s20+$0x810];
	v9 =	vshll.u32 v9, $0x8;
	v10 =	vor.u32 v11, v10  }
0x147: {  	v12 =	vshll.u32 v12, $0xC;
	v9 =	vor.u32 v9, v10  }
0x148: {  	v34 =	vshll.u32 v13, $0x10;
	v9 =	vor.u32 v12, v9  }
0x149: {  	v35 =	vshll.u32 v14, $0x14;
	v9 =	vor.u32 v34, v9  }
0x14a: {  	v36 =	vshll.u32 v15, $0x18;
	v9 =	vor.u32 v35, v9  }
0x14b: {  	v11 =	vshll.u32 v33, $0x1C;
	v9 =	vor.u32 v36, v9  }
0x14c: {  	v9 =	vor.u32 v11, v9  }
0x14d: {  	[tilespmem:s21+$0xFFFFFFE0] =	vst v9  }
0x14e: {  	v9 =	vld [tilespmem:s20+$0xFFFFFBC0]  }
0x14f: {  	v37 =	vld [tilespmem:s20+$0xFFFFF7F0]  }
0x150: {  	v38 =	vld [tilespmem:s20+$0xFFFFFC10]  }
0x151: {  	v39 =	vld [tilespmem:s20+$0xFFFFFFE0]  }
0x152: {  	v40 =	vld [tilespmem:s20+$0x30]  }
0x153: {  	v41 =	vld [tilespmem:s20+$0x400]  }
0x154: {  	v42 =	vld [tilespmem:s20+$0x7D0];
	v9 =	vshll.u32 v9, $0x4  }
0x155: {  	v44 =	vld [tilespmem:s20+$0x820];
	v43 =	vshll.u32 v38, $0x8;
	v9 =	vor.u32 v37, v9  }
0x156: {  	v45 =	vshll.u32 v39, $0xC;
	v9 =	vor.u32 v43, v9  }
0x157: {  	v46 =	vshll.u32 v40, $0x10;
	v9 =	vor.u32 v45, v9  }
0x158: {  	v47 =	vshll.u32 v41, $0x14;
	v9 =	vor.u32 v46, v9  }
0x159: {  	v48 =	vshll.u32 v42, $0x18;
	v9 =	vor.u32 v47, v9  }
0x15a: {  	v49 =	vshll.u32 v44, $0x1C;
	v9 =	vor.u32 v48, v9  }
0x15b: {  	v9 =	vor.u32 v49, v9  }
0x15c: {  	v50 =	vld [tilespmem:s19+$0x830];
	[tilespmem:s21+$0xFFFFFFF0] =	vst v9  }
0x15d: {  	v9 =	vld [tilespmem:s20+$0xFFFFFBD0]  }
0x15e: {  	v51 =	vld [tilespmem:s20+$0xFFFFF800]  }
0x15f: {  	v52 =	vld [tilespmem:s20+$0xFFFFFC20]  }
0x160: {  	v53 =	vld [tilespmem:s20+$0xFFFFFFF0]  }
0x161: {  	v4 =	vshll.u32 v4, $0xC;
	v2 =	vshll.u32 v2, $0x18;
	v55 =	vld [tilespmem:s20+$0x3C0]  }
0x162: {  	v3 =	vshll.u32 v3, $0x14;
	v6 =	vor.u32 v6, v7;
	v54 =	vshll.u32 v8, $0x8;
	v56 =	vld [tilespmem:s20+$0x410]  }
0x163: {  	v5 =	vshll.u32 v5, $0x10;
	v6 =	vor.u32 v54, v6;
	v57 =	vld [tilespmem:s20+$0x7E0];
	v9 =	vshll.u32 v9, $0x4  }
0x164: {  	v4 =	vor.u32 v4, v6;
	v58 =	vld [tilespmem:s20+$0x830];
	v12 =	vshll.u32 v52, $0x8;
	v9 =	vor.u32 v51, v9  }
0x165: {  	s30 =	sadd.s32 $0x1, s30;
	v4 =	vor.u32 v5, v4;
	v59 =	vshll.u32 v53, $0xC;
	v9 =	vor.u32 v12, v9  }
0x166: {  	p0 =	sne.s32 s30, $0x14;
	v10 =	vshll.u32 v50, $0x1C;
	v8 =	vshll.u32 v55, $0x10;
	v5 =	vor.u32 v59, v9  }
.Ltmp2:
0x167: {  	v3 =	vor.u32 v3, v4;
	v60 =	vshll.u32 v56, $0x14;
	v5 =	vor.u32 v8, v5;
	(pc) =	sbr.rel @p0 .LBB2_2-.Ltmp2, $4  }
0x168: {  	v2 =	vor.u32 v2, v3;
	v61 =	vshll.u32 v57, $0x18;
	v4 =	vor.u32 v60, v5  }
0x169: {  	v2 =	vor.u32 v10, v2;
	v62 =	vshll.u32 v58, $0x1C;
	v3 =	vor.u32 v61, v4  }
0x16a: {  	s29 =	sadd.s32 $0x500, s29;
	s22 =	sadd.s32 $0x500, s22;
	s25 =	sadd.s32 $0x500, s25;
	[tilespmem:s28+$0x0] =	vst v2;
	v63 =	vor.u32 v62, v3  }
0x16b: {  	s23 =	sadd.s32 $0x500, s23;
	s18 =	sadd.s32 $0x500, s18;
	s12 =	sadd.s32 $0x500, s12;
	[tilespmem:s21+$0x0] =	vst v63  }
0x16c: {  	_ =	swait.ge [sflag:s10], $0x1400  }
0x16d: {  	s28 =	simm.s32 $0x0;
	[sflag:s10] =	ssyncset.done $0x0;
	s12 =	rddreg [dreg:$0xa]  }
0x16e: {  	s24 =	simm.s32 $0xC800;
	s14 =	rddreg [dreg:$0xc];
	[sflag:s10] =	ssyncadd.s32 $0xFFFFEC00  }
0x16f: {  	[tilespmem:s24], [sflag:$0x1] =	stream.linear.gather [hbm4b:s12+s28], $0x1400, $0x38;
	[tilespmem:$0x1B880] =	vst v63  }
0x170: {  	s13 =	simm.s32 $0xDC00;
	s18 =	rddreg [dreg:$0xd]  }
0x171: {  	[tilespmem:s13], [sflag:$0x1] =	stream.linear.gather [hbm4b:s14+s28], $0x1400, $0x38;
	[tilespmem:$0x1B880] =	vst v63  }
0x172: {  	s19 =	rddreg [dreg:$0xe]  }
0x173: {  	[tilespmem:s15], [sflag:$0x1] =	stream.linear.gather [hbm4b:s18+s28], $0x1400, $0x38;
	[tilespmem:$0x1B880] =	vst v63  }
0x174: {  	s20 =	rddreg [dreg:$0x11]  }
0x175: {  	[tilespmem:s16], [sflag:$0x1] =	stream.linear.gather [hbm4b:s19+s28], $0x1400, $0x38;
	[tilespmem:$0x1B880] =	vst v63  }
0x176: {  	s21 =	rddreg [dreg:$0x12]  }
0x177: {  	[tilespmem:s31], [sflag:$0x1] =	stream.linear.gather [hbm4b:s20+s28], $0x1400, $0x38;
	[tilespmem:$0x1B880] =	vst v63  }
0x178: {  	s22 =	rddreg [dreg:$0xf]  }
0x179: {  	[tilespmem:s17], [sflag:$0x1] =	stream.linear.gather [hbm4b:s21+s28], $0x1400, $0x38;
	[tilespmem:$0x1B880] =	vst v63  }
0x17a: {  	s23 =	rddreg [dreg:$0x13];
	s14 =	simm.s32 $0x3  }
0x17b: {  	[hbm4b:s22+s28] =	stream.linear.scatter [tilespmem:s23], [sflag:$0x3], $0x6400, $0x38;
	[tilespmem:$0x1B880] =	vst v63  }
0x17c: {  	_ =	swait.ge [sflag:s14], $0x6400  }
0x17d: {  	[sflag:s14] =	ssyncset.done $0x0  }
0x17e: {  	[sflag:s14] =	ssyncadd.s32 $0xFFFF9C00  }
0x17f: {  	[bflag:$0x0] =	sbarrier.arrive $0xFFFF  }
0x180: {  	s25 =	rddreg [dreg:$0x10]  }
0x181: {  	s30 =	rddreg [dreg:$0x14]  }
0x182: {  	[tilespmem:s30], [sflag:$0x3] =	stream.linear.gather [hbm4b:s25+s28], $0x6400, $0x38;
	[tilespmem:$0x1B880] =	vst v63  }
0x183: {  	_ =	swait.ge [sflag:s14], $0x6400  }
0x184: {  	[sflag:s14] =	ssyncset.done $0x0  }
0x185: {  	v2 =	vimm.f32 $0.0e+00;
	v3 =	vimm.f32 $0.0e+00;
	v4 =	vimm.f32 $0.0e+00;
	s29 =	simm.s32 $0x0;
	[sflag:s14] =	ssyncadd.s32 $0xFFFF9C00  }
.LBB2_8:
0x186: {  	s12 =	sshll.u32 s29, $0x4  }
0x187: {  	s23 =	sadd.s32 s11, s12  }
0x188: {  	s30 =	sadd.s32 $0x8, s23  }
0x189: {  	s21 =	sshrl.u32 s30, $0x3  }
0x18a: {  	s12 =	smul.u32 $0x1400, s21;
	_ =	sdelay $0x1  }
0x18b: {  	s13 =	sadd.s32 s9, s12  }
0x18c: {  	s14 =	sshrl.u32 s13, $0x3;
	s13 =	sadd.s32 $0x64000, s13  }
0x18d: {  	s19 =	simm.s32 $0x14000;
	s18 =	sadd.s32 s1, s14;
	s13 =	sshrl.u32 s13, $0x3  }
0x18e: {  	[tilespmem:s19], [sflag:$0x2] =	stream.linear.gather [hbm4b:s18+s28], $0x1400, $0x38;
	[tilespmem:$0x1B880] =	vst v63  }
0x18f: {  	s25 =	simm.s32 $0x15400;
	s22 =	sadd.s32 s1, s13  }
0x190: {  	[tilespmem:s25], [sflag:$0x2] =	stream.linear.gather [hbm4b:s22+s28], $0x1400, $0x38;
	[tilespmem:$0x1B880] =	vst v63  }
0x191: {  	s20 =	simm.s32 $0x16800;
	s12 =	sadd.s32 s7, s12;
	s14 =	sadd.s32 s2, s14  }
0x192: {  	[tilespmem:s20], [sflag:$0x2] =	stream.linear.gather [hbm4b:s14+s28], $0x1400, $0x38;
	[tilespmem:$0x1B880] =	vst v63  }
0x193: {  	s21 =	simm.s32 $0x17C00;
	s12 =	sshrl.u32 s12, $0x3;
	s13 =	sadd.s32 s2, s13  }
0x194: {  	[tilespmem:s21], [sflag:$0x2] =	stream.linear.gather [hbm4b:s13+s28], $0x1400, $0x38;
	[tilespmem:$0x1B880] =	vst v63  }
0x195: {  	s22 =	sadd.s32 s3, s12  }
0x196: {  	[tilespmem:s6], [sflag:$0x2] =	stream.linear.gather [hbm4b:s22+s28], $0x1400, $0x38;
	[tilespmem:$0x1B880] =	vst v63  }
0x197: {  	s12 =	sadd.s32 s4, s12;
	s25 =	simm.s32 $0x1A400  }
0x198: {  	[tilespmem:s25], [sflag:$0x2] =	stream.linear.gather [hbm4b:s12+s28], $0x1400, $0x38;
	[tilespmem:$0x1B880] =	vst v63  }
0x199: {  	_ =	swait.ge [sflag:s10], $0x1400  }
0x19a: {  	[sflag:s10] =	ssyncset.done $0x0  }
0x19b: {  	[sflag:s10] =	ssyncadd.s32 $0xFFFFEC00  }
0x19c: {  	_ =	swait.ge [sflag:s10], $0x1400  }
0x19d: {  	[sflag:s10] =	ssyncset.done $0x0  }
0x19e: {  	[sflag:s10] =	ssyncadd.s32 $0xFFFFEC00  }
0x19f: {  	_ =	swait.ge [sflag:s10], $0x1400  }
0x1a0: {  	[sflag:s10] =	ssyncset.done $0x0  }
0x1a1: {  	[sflag:s10] =	ssyncadd.s32 $0xFFFFEC00  }
0x1a2: {  	_ =	swait.ge [sflag:s10], $0x1400  }
0x1a3: {  	[sflag:s10] =	ssyncset.done $0x0  }
0x1a4: {  	[sflag:s10] =	ssyncadd.s32 $0xFFFFEC00  }
0x1a5: {  	_ =	swait.ge [sflag:s10], $0x1400  }
0x1a6: {  	[sflag:s10] =	ssyncset.done $0x0  }
0x1a7: {  	[sflag:s10] =	ssyncadd.s32 $0xFFFFEC00  }
0x1a8: {  	_ =	swait.ge [sflag:s10], $0x1400  }
0x1a9: {  	[sflag:s10] =	ssyncset.done $0x0  }
0x1aa: {  	s18 =	simm.s32 $0x0;
	s12 =	simm.s32 $0x0;
	[sflag:s10] =	ssyncadd.s32 $0xFFFFEC00  }
.LBB2_9:
0x1ab: {  	s19 =	sshra.s32 s12, $0x2  }
0x1ac: {  	v25 =	vld [tilespmem:s19+$0xDC70]  }
0x1ad: {  	v12 =	vld [tilespmem:s19+$0xDC60]  }
0x1ae: {  	v11 =	vld [tilespmem:s19+$0xDC50]  }
0x1af: {  	s13 =	sadd.s32 s23, s18;
	s25 =	simm.s32 $0x70;
	v13 =	vld [tilespmem:s19+$0xDC40]  }
0x1b0: {  	s21 =	simm.s32 $0x60;
	s14 =	simm.s32 $0x40;
	s20 =	simm.s32 $0x50;
	v0 =	vlaneseq.u32;
	v5 =	vmov s13;
	v6 =	vor.u32 s25, v18;
	v14 =	vld [tilespmem:s19+$0xDC30]  }
0x1b1: {  	s22 =	simm.s32 $0x30;
	v26 =	vld [tilespmem:s19+$0xC870];
	v7 =	vor.u32 s21, v18;
	v8 =	vor.u32 s14, v18;
	v9 =	vor.u32 s20, v18  }
0x1b2: {  	s20 =	simm.s32 $0x20;
	v17 =	vld [tilespmem:s19+$0xDC20];
	v10 =	vor.u32 s22, v18;
	v5 =	vcvt.s32.f32 v5;
	v6 =	vcvt.s32.f32 v6  }
0x1b3: {  	s21 =	simm.s32 $0x10;
	v19 =	vld [tilespmem:s19+$0xC860];
	v16 =	vor.u32 s20, v18;
	v9 =	vcvt.s32.f32 v9;
	v7 =	vcvt.s32.f32 v7  }
0x1b4: {  	s22 =	simm.s32 $0x0;
	v15 =	vld [tilespmem:s19+$0xDC10];
	v18 =	vor.u32 s21, v18;
	v10 =	vcvt.s32.f32 v10;
	v8 =	vcvt.s32.f32 v8  }
0x1b5: {  	v23 =	vld [tilespmem:s19+$0xC850];
	v20 =	vor.u32 s22, v0;
	v27 =	vcvt.s32.f32 v18;
	v28 =	vcvt.s32.f32 v16  }
0x1b6: {  	v24 =	vld [tilespmem:s19+$0xC840];
	v29 =	vcvt.s32.f32 v20;
	v5 =	vbroadcast v5, $0x0  }
0x1b7: {  	v22 =	vld [tilespmem:s19+$0xC830];
	v30 =	vmul.f32 $1.000000000e+01, v25;
	v31 =	vmul.f32 $1.000000000e+01, v11  }
0x1b8: {  	v21 =	vld [tilespmem:s19+$0xC810];
	v32 =	vmul.f32 $1.000000000e+01, v12;
	v33 =	vmul.f32 $1.000000000e+01, v14  }
0x1b9: {  	v16 =	vld [tilespmem:s19+$0xDC00];
	v34 =	vmul.f32 $1.000000000e+01, v13;
	v35 =	vmul.f32 $1.000000000e+01, v17  }
0x1ba: {  	v20 =	vld [tilespmem:s19+$0xC820];
	v36 =	vmul.f32 $1.000000000e+01, v26;
	v37 =	vmul.f32 $1.000000000e+01, v15  }
0x1bb: {  	v18 =	vld [tilespmem:s19+$0xC800];
	v38 =	vmul.f32 $1.000000000e+01, v19;
	v40 =	vmul.f32 $1.000000000e+01, v23  }
0x1bc: {  	v41 =	vmul.f32 $1.000000000e+01, v24;
	v42 =	vmul.f32 $1.000000000e+01, v22  }
0x1bd: {  	v51 =	vmul.f32 $1.000000000e+01, v21;
	v32 =	vadd.f32 v32, v5;
	v30 =	vadd.f32 v30, v5  }
0x1be: {  	v39 =	vmul.f32 $1.000000000e+01, v16;
	v34 =	vadd.f32 v34, v5;
	v31 =	vadd.f32 v31, v5  }
0x1bf: {  	v43 =	vmul.f32 $1.000000000e+01, v20;
	v33 =	vadd.f32 v33, v5;
	v6 =	vadd.f32 v6, v36  }
0x1c0: {  	v35 =	vadd.f32 v35, v5;
	v7 =	vadd.f32 v7, v38;
	v52 =	vmul.f32 $1.000000000e+01, v18  }
0x1c1: {  	v37 =	vadd.f32 v37, v5;
	v32 =	vtrunc.f32 v32;
	v30 =	vtrunc.f32 v30  }
0x1c2: {  	v9 =	vadd.f32 v9, v40;
	v34 =	vtrunc.f32 v34;
	v31 =	vtrunc.f32 v31  }
0x1c3: {  	v8 =	vadd.f32 v8, v41;
	v33 =	vtrunc.f32 v33;
	v6 =	vtrunc.f32 v6  }
0x1c4: {  	v10 =	vadd.f32 v10, v42;
	v35 =	vtrunc.f32 v35;
	v7 =	vtrunc.f32 v7  }
0x1c5: {  	v27 =	vadd.f32 v27, v51;
	v37 =	vtrunc.f32 v37;
	v9 =	vtrunc.f32 v9  }
0x1c6: {  	v8 =	vtrunc.f32 v8;
	v10 =	vtrunc.f32 v10  }
0x1c7: {  	v27 =	vtrunc.f32 v27;
	v32 =	vcvt.f32.s32 v32  }
0x1c8: {  	v30 =	vcvt.f32.s32 v30;
	v34 =	vcvt.f32.s32 v34  }
0x1c9: {  	v31 =	vcvt.f32.s32 v31;
	v33 =	vcvt.f32.s32 v33  }
0x1ca: {  	v6 =	vcvt.f32.s32 v6;
	v35 =	vcvt.f32.s32 v35  }
0x1cb: {  	v39 =	vadd.f32 v39, v5;
	v7 =	vcvt.f32.s32 v7;
	v54 =	vcvt.f32.s32 v37  }
0x1cc: {  	v28 =	vadd.f32 v28, v43;
	v9 =	vcvt.f32.s32 v9;
	v8 =	vcvt.f32.s32 v8  }
0x1cd: {  	v29 =	vadd.f32 v29, v52;
	v10 =	vcvt.f32.s32 v10;
	v27 =	vcvt.f32.s32 v27  }
0x1ce: {  	v53 =	vtrunc.f32 v39;
	v28 =	vtrunc.f32 v28  }
0x1cf: {  	v1 =	vimm.s32 $0x0;
	v29 =	vtrunc.f32 v29;
	v55 =	vcvt.f32.s32 v53  }
0x1d0: {  	v28 =	vcvt.f32.s32 v28;
	v29 =	vcvt.f32.s32 v29;
	vm4 =	vgt.s32 v30, $0x0  }
0x1d1: {  	vm7 =	vgt.s32 v32, $0x0;
	vm3 =	vlt.s32 v7, $0x1;
	vm1 =	vlt.s32 v6, $0x1  }
0x1d2: {  	vm8 =	vgt.s32 v34, $0x0;
	vm9 =	vgt.s32 v31, $0x0;
	vm6 =	vlt.s32 v9, $0x1  }
0x1d3: {  	vm10 =	vgt.s32 v33, $0x0;
	vm2 =	vlt.s32 v10, $0x1;
	vm0 =	vlt.s32 v8, $0x1  }
0x1d4: {  	vm11 =	vgt.s32 v35, $0x0;
	vm14 =	vgt.s32 v6, $0x0;
	vm15 =	vgt.s32 v54, $0x0  }
0x1d5: {  	vm12 =	vgt.s32 v7, $0x0;
	v38 =	vnsel vm4, $0x0, v30;
	v34 =	vnsel vm8, $0x0, v34  }
0x1d6: {  	v31 =	vnsel vm9, $0x0, v31;
	v32 =	vnsel vm7, $0x0, v32;
	vm4 =	vlt.s32 v27, $0x1  }
0x1d7: {  	v35 =	vnsel vm11, $0x0, v35;
	v33 =	vnsel vm10, $0x0, v33;
	v6 =	vnsel vm14, $0x0, v6  }
0x1d8: {  	vm14 =	vgt.s32 v9, $0x0;
	v36 =	vnsel vm15, $0x0, v54;
	v7 =	vnsel vm12, $0x0, v7  }
0x1d9: {  	vm15 =	vgt.s32 v10, $0x0;
	vm12 =	vgt.s32 v8, $0x0;
	vm5 =	vlt.s32 v28, $0x1  }
0x1da: {  	vm13 =	vgt.s32 v55, $0x0;
	vm7 =	vlt.s32 v29, $0x1;
	v9 =	vnsel vm14, $0x0, v9  }
0x1db: {  	vm8 =	vgt.s32 v28, $0x0;
	v10 =	vnsel vm15, $0x0, v10;
	v8 =	vnsel vm12, $0x0, v8  }
0x1dc: {  	vm14 =	vgt.s32 v27, $0x0;
	v40 =	vmin.u32 v6, $0x27F;
	v41 =	vmin.u32 v7, $0x27F  }
0x1dd: {  	v32 =	vmin.u32 v32, $0x27F;
	v38 =	vmin.u32 v38, $0x27F;
	v33 =	vmin.u32 v33, $0x27F  }
0x1de: {  	v34 =	vmin.u32 v34, $0x27F;
	v36 =	vmin.u32 v36, $0x27F;
	v35 =	vmin.u32 v35, $0x27F  }
0x1df: {  	v37 =	vnsel vm13, $0x0, v55;
	vm13 =	vgt.s32 v29, $0x0;
	v27 =	vnsel vm14, $0x0, v27  }
0x1e0: {  	v28 =	vnsel vm8, $0x0, v28;
	v42 =	vmin.u32 v8, $0x27F;
	v43 =	vmulhi.u32 $0x3333334, v40  }
0x1e1: {  	v44 =	vmin.u32 v9, $0x27F;
	v45 =	vmulhi.u32 $0x3333334, v41;
	v46 =	vmin.u32 v10, $0x27F  }
0x1e2: {  	v6 =	vsub.s32 $0x0, v40;
	v7 =	vsub.s32 $0x0, v41;
	v32 =	vmul.u32 $0x50, v32  }
0x1e3: {  	v38 =	vmul.u32 $0x50, v38;
	v34 =	vmul.u32 $0x50, v34;
	v33 =	vmul.u32 $0x50, v33  }
0x1e4: {  	v35 =	vmul.u32 $0x50, v35;
	v36 =	vmul.u32 $0x50, v36;
	v47 =	vmulhi.u32 $0x3333334, v44  }
0x1e5: {  	v56 =	vnsel vm13, $0x0, v29;
	v29 =	vmin.u32 v27, $0x27F;
	v39 =	vmulhi.u32 $0x3333334, v42  }
0x1e6: {  	v30 =	vmin.u32 v28, $0x27F;
	v8 =	vsub.s32 $0x0, v44;
	v48 =	vmulhi.u32 $0x3333334, v46  }
0x1e7: {  	v9 =	vsub.s32 $0x0, v42;
	v10 =	vsub.s32 $0x0, v46;
	v7 =	vand.u32 $0xFFFF, v7  }
0x1e8: {  	v6 =	vand.u32 $0xFFFF, v6;
	v37 =	vmin.u32 v37, $0x27F;
	v49 =	vmulhi.u32 $0x3333334, v30  }
0x1e9: {  	v27 =	vmin.u32 v56, $0x27F;
	v28 =	vsub.s32 $0x0, v30;
	v51 =	vmulhi.u32 $0x3333334, v29  }
0x1ea: {  	v52 =	vsub.s32 $0x0, v29;
	v10 =	vand.u32 $0xFFFF, v10;
	v9 =	vand.u32 $0xFFFF, v9  }
0x1eb: {  	v8 =	vand.u32 $0xFFFF, v8;
	v54 =	vmul.u32 $0xFFB0, v43;
	v56 =	vmul.u32 $0xFFB0, v45  }
0x1ec: {  	v32 =	vadd.s32 v41, v32;
	v38 =	vadd.s32 v40, v38;
	v33 =	vadd.s32 v46, v33  }
0x1ed: {  	v34 =	vadd.s32 v42, v34;
	v37 =	vmul.u32 $0x50, v37;
	v29 =	vadd.s32 v29, v36  }
0x1ee: {  	v30 =	vadd.s32 v30, v35;
	v50 =	vsub.s32 $0x0, v27;
	v53 =	vmulhi.u32 $0x3333334, v27  }
0x1ef: {  	v62 =	vld [tilespmem:s19+$0x12C70];
	v52 =	vand.u32 $0xFFFF, v52;
	v28 =	vand.u32 $0xFFFF, v28;
	v55 =	vmul.u32 $0xFFB0, v47  }
0x1f0: {  	v58 =	vmul.u32 $0xFFB0, v39;
	v59 =	vmul.u32 $0xFFB0, v48;
	v50 =	vand.u32 $0xFFFF, v50  }
0x1f1: {  	v57 =	vmul.u32 $0xFFB0, v49;
	v61 =	vmul.u32 $0xFFB0, v51;
	v54 =	vand.u32 $0xFFFF, v54  }
0x1f2: {  	v56 =	vand.u32 $0xFFFF, v56;
	v27 =	vadd.s32 v27, v37;
	v60 =	vmul.u32 $0xFFB0, v53  }
0x1f3: {  	v63 =	vld [tilespmem:s19+$0xF070];
	v58 =	vand.u32 $0xFFFF, v58;
	v55 =	vand.u32 $0xFFFF, v55;
	v59 =	vand.u32 $0xFFFF, v59  }
0x1f4: {  	v41 =	vld [tilespmem:s19+$0xF040];
	vm12 =	vne.s32 v56, v7;
	vm13 =	vne.s32 v54, v6;
	v6 =	vcvt.s32.f32 v62  }
0x1f5: {  	v40 =	vld [tilespmem:s19+$0x10440];
	v61 =	vand.u32 $0xFFFF, v61;
	v57 =	vand.u32 $0xFFFF, v57;
	vm15 =	vne.s32 v55, v8  }
0x1f6: {  	v7 =	vld [tilespmem:s19+$0x12C50];
	vm14 =	vne.s32 v59, v10;
	vm3 =	vmand vm3, vm12;
	vm1 =	vmand vm1, vm13  }
0x1f7: {  	v62 =	vld [tilespmem:s19+$0xF050];
	vm12 =	vne.s32 v58, v9;
	v60 =	vand.u32 $0xFFFF, v60;
	vm6 =	vmand vm6, vm15  }
0x1f8: {  	v55 =	vld [tilespmem:s19+$0x12C60];
	vm15 =	vne.s32 v57, v28;
	vm2 =	vmand vm2, vm14;
	vm14 =	vne.s32 v61, v52  }
0x1f9: {  	v9 =	vld [tilespmem:s19+$0x12C30];
	vm10 =	vmand vm0, vm12;
	v52 =	vsel vm1, $0xFFFFFFFF, v1;
	v57 =	vsel vm3, $0xFFFFFFFF, v1  }
0x1fa: {  	v28 =	vld [tilespmem:s19+$0x12C40];
	v24 =	vsub.f32 v24, v41;
	vm5 =	vmand vm5, vm15;
	vm13 =	vne.s32 v60, v50  }
0x1fb: {  	v61 =	vld [tilespmem:s19+$0x10460];
	vm4 =	vmand vm4, vm14;
	v54 =	vsel vm10, $0xFFFFFFFF, v1;
	v56 =	vsel vm6, $0xFFFFFFFF, v1  }
0x1fc: {  	v50 =	vld [tilespmem:s19+$0x10470];
	v59 =	vsel vm2, $0xFFFFFFFF, v1;
	v43 =	vadd.s32 v43, v52;
	v45 =	vadd.s32 v45, v57  }
0x1fd: {  	v60 =	vld [tilespmem:s19+$0xF060];
	vm15 =	vmand vm7, vm13;
	v58 =	vsel vm5, $0xFFFFFFFF, v1;
	v46 =	vmul.u32 $0xFFFFFFB0, v43  }
0x1fe: {  	v52 =	vld [tilespmem:s19+$0xF030];
	v42 =	vadd.s32 v47, v56;
	v47 =	vmul.u32 $0xFFFFFFB0, v45;
	v39 =	vadd.s32 v39, v54  }
0x1ff: {  	v57 =	vld [tilespmem:s19+$0x10430];
	v48 =	vadd.s32 v48, v59;
	v24 =	vand.u32 $0x7FFFFFFF, v24;
	v8 =	vcvt.s32.f32 v7  }
0x200: {  	v56 =	vld [tilespmem:s19+$0xF020];
	v54 =	vmul.u32 $0xFFFFFFB0, v42;
	v59 =	vmul.u32 $0xFFFFFFB0, v39;
	v49 =	vadd.s32 v49, v58  }
0x201: {  	v58 =	vsel vm15, $0xFFFFFFFF, v1;
	v37 =	vsub.f32 v23, v62;
	v38 =	vadd.s32 v46, v38;
	v46 =	vld [tilespmem:s19+$0x10420]  }
0x202: {  	v7 =	vcvt.s32.f32 v55;
	v55 =	vsel vm4, $0xFFFFFFFF, v1;
	v32 =	vadd.s32 v47, v32;
	v47 =	vld [tilespmem:s19+$0xF010]  }
0x203: {  	v10 =	vcvt.s32.f32 v9;
	v9 =	vcvt.s32.f32 v28;
	v28 =	vsub.f32 v26, v63;
	v63 =	vld [tilespmem:s19+$0x12C00]  }
0x204: {  	v53 =	vadd.s32 v53, v58;
	v51 =	vadd.s32 v51, v55;
	v34 =	vadd.s32 v59, v34;
	v59 =	vld [tilespmem:s19+$0xF000]  }
0x205: {  	v26 =	vsub.f32 v25, v50;
	v25 =	vmin.u32 v31, $0x27F;
	v31 =	vld [tilespmem:s19+$0x12C20];
	v58 =	vmul.u32 $0xFFFFFFB0, v51  }
0x206: {  	v39 =	vshll.u32 v39, $0x2;
	v55 =	vmul.u32 $0xFFFFFFB0, v48;
	v50 =	vld [tilespmem:s19+$0x12C10];
	v25 =	vmul.u32 $0x50, v25  }
0x207: {  	v35 =	vmul.u32 $0xFFFFFFB0, v53;
	v29 =	vadd.s32 v58, v29;
	v58 =	vsub.f32 v19, v60;
	v60 =	vld [tilespmem:s19+$0x11860]  }
0x208: {  	v33 =	vadd.s32 v55, v33;
	v55 =	vmul.u32 $0xFFFFFFB0, v49;
	v25 =	vadd.s32 v44, v25;
	v44 =	vld [tilespmem:s19+$0x10450]  }
0x209: {  	v62 =	vshll.u32 v53, $0x2;
	v23 =	vadd.s32 v35, v27;
	v35 =	vsub.f32 v22, v52;
	v38 =	vld.idx.msk [tilespmem:v38+s8+$0x0], $0xffff  }
0x20a: {  	v28 =	vand.u32 $0x7FFFFFFF, v28;
	v26 =	vand.u32 $0x7FFFFFFF, v26;
	v19 =	vadd.s32 v55, v30;
	v30 =	vld.idx.msk [tilespmem:v32+s8+$0x0], $0xffff  }
0x20b: {  	v32 =	vsub.f32 v12, v61;
	v41 =	vsub.f32 v21, v47;
	v21 =	vshll.u32 v45, $0x2;
	v55 =	vld [tilespmem:s19+$0x10400]  }
0x20c: {  	v61 =	vshll.u32 v48, $0x2;
	v48 =	vshll.u32 v51, $0x2;
	v25 =	vadd.s32 v54, v25;
	v54 =	vld [tilespmem:s19+$0x10410]  }
0x20d: {  	v35 =	vand.u32 $0x7FFFFFFF, v35;
	v34 =	vld.idx.msk [tilespmem:v34+s8+$0x0], $0xffff;
	v18 =	vsub.f32 v18, v59;
	v12 =	vcvt.s32.f32 v50  }
0x20e: {  	v32 =	vand.u32 $0x7FFFFFFF, v32;
	v22 =	vld.idx.msk [tilespmem:v33+s8+$0x0], $0xffff;
	v33 =	vsub.f32 v14, v57;
	v57 =	vshll.u32 v49, $0x2  }
0x20f: {  	v18 =	vand.u32 $0x7FFFFFFF, v18;
	v14 =	vld.idx.msk [tilespmem:v29+s8+$0x0], $0xffff;
	v29 =	vsub.f32 v17, v46;
	v27 =	vsub.f32 v11, v44  }
0x210: {  	v11 =	vcvt.s32.f32 v31;
	v31 =	vsub.f32 v13, v40;
	v13 =	vcvt.s32.f32 v63;
	v17 =	vld.idx.msk [tilespmem:v19+s8+$0x0], $0xffff  }
0x211: {  	v40 =	vsub.f32 v20, v56;
	v19 =	vshll.u32 v42, $0x2;
	v20 =	vld.idx.msk [tilespmem:v23+s8+$0x0], $0xffff;
	v23 =	vshll.u32 v43, $0x2  }
0x212: {  	v21 =	vshrl.u32 v30, v21;
	v16 =	vsub.f32 v16, v55;
	v56 =	vand.u32 $0x7FFFFFFF, v37;
	v25 =	vld.idx.msk [tilespmem:v25+s8+$0x0], $0xffff  }
0x213: {  	v49 =	vld [tilespmem:s19+$0x11840];
	v33 =	vand.u32 $0x7FFFFFFF, v33;
	v23 =	vshrl.u32 v38, v23;
	v15 =	vsub.f32 v15, v54  }
0x214: {  	v30 =	vld [tilespmem:s19+$0x11830];
	v34 =	vshrl.u32 v34, v39;
	v27 =	vand.u32 $0x7FFFFFFF, v27;
	v31 =	vand.u32 $0x7FFFFFFF, v31  }
0x215: {  	v36 =	vld [tilespmem:s19+$0x11870];
	v16 =	vand.u32 $0x7FFFFFFF, v16;
	v22 =	vshrl.u32 v22, v61;
	v15 =	vand.u32 $0x7FFFFFFF, v15  }
0x216: {  	v50 =	vshrl.u32 v17, v57;
	v51 =	vshrl.u32 v20, v62;
	v17 =	vand.u32 $0xF, v21  }
0x217: {  	v53 =	vld [tilespmem:s19+$0x11800];
	v20 =	vand.u32 $0xF, v34;
	v21 =	vand.u32 $0xF, v22;
	v19 =	vshrl.u32 v25, v19  }
0x218: {  	v63 =	vld [tilespmem:s19+$0x11850];
	v25 =	vshrl.u32 v14, v48;
	v14 =	vand.u32 $0xF, v23;
	vm9 =	veq.s32 v60, v17  }
0x219: {  	v52 =	vld [tilespmem:s19+$0x11810];
	vm11 =	veq.s32 v49, v20;
	v22 =	vand.u32 $0xF, v50;
	vm12 =	veq.s32 v30, v21  }
0x21a: {  	v30 =	vand.u32 $0xF, v51;
	vm8 =	veq.s32 v36, v14;
	v19 =	vand.u32 $0xF, v19  }
0x21b: {  	v17 =	vsel vm9, $0x0, v7;
	v20 =	vsel vm11, $0x0, v9;
	v25 =	vand.u32 $0xF, v25  }
0x21c: {  	v21 =	vsel vm12, $0x0, v10;
	vm15 =	veq.s32 v53, v30;
	v30 =	vand.u32 $0x7FFFFFFF, v58  }
0x21d: {  	v14 =	vsel vm8, $0x0, v6;
	vm10 =	veq.s32 v63, v19;
	v39 =	vmul.f32 v17, v30  }
0x21e: {  	vm14 =	veq.s32 v52, v25;
	v46 =	vmul.f32 v17, v32;
	v0 =	vmul.f32 v20, v31  }
0x21f: {  	v23 =	vld [tilespmem:s19+$0x11820];
	v25 =	vsel vm15, $0x0, v13;
	v36 =	vmul.f32 v14, v28;
	v37 =	vmul.f32 v14, v26  }
0x220: {  	v26 =	vand.u32 $0x7FFFFFFF, v41;
	v41 =	vmul.f32 v20, v24;
	v28 =	vmul.f32 v21, v35  }
0x221: {  	v19 =	vsel vm10, $0x0, v8;
	v51 =	vmul.f32 v25, v18;
	v52 =	vmul.f32 v25, v16  }
0x222: {  	v30 =	vand.u32 $0x7FFFFFFF, v40;
	v42 =	vmul.f32 v19, v56;
	v47 =	vmul.f32 v19, v27  }
0x223: {  	v27 =	vand.u32 $0x7FFFFFFF, v29;
	v29 =	vmul.f32 v21, v33;
	v18 =	vmin.f32 v39, $1.000000000e+00  }
0x224: {  	v24 =	vmin.f32 v46, $1.000000000e+00;
	vm13 =	veq.s32 v23, v22;
	v23 =	vsel vm14, $0x0, v12  }
0x225: {  	v16 =	vmin.f32 v36, $1.000000000e+00;
	v34 =	vmin.f32 v28, $1.000000000e+00;
	v33 =	vmin.f32 v41, $1.000000000e+00  }
0x226: {  	v56 =	vmul.f32 $5.000000000e-01, v18;
	v57 =	vmul.f32 $5.000000000e-01, v24;
	v58 =	vmin.f32 v51, $1.000000000e+00  }
0x227: {  	v61 =	vmin.f32 v52, $1.000000000e+00;
	v22 =	vsel vm13, $0x0, v11;
	v49 =	vmul.f32 v23, v26  }
0x228: {  	v50 =	vmul.f32 v23, v15;
	v15 =	vmin.f32 v37, $1.000000000e+00;
	v62 =	vmul.f32 $5.000000000e-01, v33  }
0x229: {  	v26 =	vmin.f32 v47, $1.000000000e+00;
	v44 =	vmul.f32 $5.000000000e-01, v34;
	v43 =	vmul.f32 $5.000000000e-01, v58  }
0x22a: {  	v35 =	vmin.f32 v29, $1.000000000e+00;
	v31 =	vmul.f32 v22, v30;
	v48 =	vmul.f32 v22, v27  }
0x22b: {  	v27 =	vmin.f32 v42, $1.000000000e+00;
	v30 =	vmin.f32 v0, $1.000000000e+00;
	v54 =	vmul.f32 $5.000000000e-01, v15  }
0x22c: {  	v60 =	vmul.f32 $5.000000000e-01, v26;
	[tilespmem:$0x1FFF0] =	vst v31;
	v40 =	vmin.f32 v31, $1.000000000e+00;
	v31 =	vmul.f32 $5.000000000e-01, v16  }
0x22d: {  	v53 =	vmin.f32 v49, $1.000000000e+00;
	v55 =	vmin.f32 v50, $1.000000000e+00;
	v59 =	vmul.f32 $5.000000000e-01, v27  }
0x22e: {  	v63 =	vmul.f32 $5.000000000e-01, v30;
	v32 =	vsub.f32 v36, v31;
	v36 =	vsub.f32 v39, v56  }
0x22f: {  	v38 =	vmin.f32 v48, $1.000000000e+00;
	v31 =	vsub.f32 v37, v54;
	v39 =	vsub.f32 v42, v59  }
0x230: {  	v54 =	vmul.f32 $5.000000000e-01, v61;
	v59 =	vsub.f32 v51, v43;
	v43 =	vsub.f32 v0, v63;
	v0 =	vld [tilespmem:$0x1FFF0]  }
0x231: {  	v37 =	vsub.f32 v46, v57;
	v57 =	vmul.f32 $5.000000000e-01, v53;
	v42 =	vsub.f32 v41, v62  }
0x232: {  	v41 =	vsub.f32 v47, v60;
	v60 =	vmul.f32 $5.000000000e-01, v55;
	v51 =	vsub.f32 v52, v54  }
0x233: {  	v45 =	vmul.f32 $5.000000000e-01, v40;
	v62 =	vmul.f32 $5.000000000e-01, v38;
	v49 =	vsub.f32 v49, v57  }
0x234: {  	v63 =	vmul.f32 v59, v58;
	v50 =	vsub.f32 v50, v60;
	v51 =	vmul.f32 v51, v61  }
0x235: {  	v47 =	vmul.f32 $5.000000000e-01, v35;
	v49 =	vmul.f32 v49, v53;
	v46 =	vsub.f32 v0, v45  }
0x236: {  	s20 =	sadd.s32 $0x1000, s12;
	s19 =	simm.s32 $0x0;
	v50 =	vmul.f32 v50, v55;
	v45 =	vsub.f32 v48, v62;
	v48 =	vadd.f32 v51, v63  }
.LBB2_10:
0x237: {  	v3 =	vadd.f32 v25, v3  }
0x238: {  	v2 =	vadd.f32 v13, v2;
	v0 =	vlaneseq.u32;
	v28 =	vsub.f32 v28, v44  }
0x239: {  	v40 =	vmul.f32 v46, v40;
	v29 =	vsub.f32 v29, v47;
	v4 =	vadd.f32 v48, v4  }
0x23a: {  	v60 =	vadd.f32 v50, v49;
	v38 =	vmul.f32 v45, v38;
	v3 =	vadd.f32 v23, v3  }
0x23b: {  	s21 =	sshra.s32 s20, $0x2;
	v2 =	vadd.f32 v12, v2;
	v12 =	vmul.f32 v42, v33;
	v13 =	vmul.f32 v28, v34  }
0x23c: {  	v33 =	vld [tilespmem:s21+$0xDC30];
	v4 =	vadd.f32 v60, v4;
	v28 =	vadd.f32 v38, v40;
	v29 =	vmul.f32 v29, v35  }
0x23d: {  	v34 =	vld [tilespmem:s21+$0xDC10];
	v3 =	vadd.f32 v22, v3;
	v2 =	vadd.f32 v11, v2;
	v11 =	vmul.f32 v39, v27  }
0x23e: {  	v4 =	vadd.f32 v28, v4;
	v13 =	vadd.f32 v29, v13;
	v28 =	vmul.f32 v43, v30  }
0x23f: {  	v27 =	vld [tilespmem:s21+$0xDC50];
	v3 =	vadd.f32 v21, v3;
	v2 =	vadd.f32 v10, v2;
	v10 =	vmul.f32 v36, v18  }
0x240: {  	v4 =	vadd.f32 v13, v4;
	v12 =	vadd.f32 v28, v12;
	v13 =	vmul.f32 v41, v26  }
0x241: {  	v61 =	vld [tilespmem:s21+$0xF070];
	v57 =	vmul.f32 $1.000000000e+01, v33;
	v3 =	vadd.f32 v20, v3;
	v2 =	vadd.f32 v9, v2  }
0x242: {  	v53 =	vld [tilespmem:s21+$0xC870];
	v60 =	vmul.f32 $1.000000000e+01, v34;
	v4 =	vadd.f32 v12, v4;
	v11 =	vadd.f32 v13, v11  }
0x243: {  	v45 =	vld [tilespmem:s21+$0xC830];
	v12 =	vmul.f32 v37, v24;
	v46 =	vadd.f32 v57, v5;
	v3 =	vadd.f32 v19, v3  }
0x244: {  	v28 =	vld [tilespmem:s21+$0xDC40];
	v55 =	vmul.f32 $1.000000000e+01, v27;
	v2 =	vadd.f32 v8, v2;
	v49 =	vadd.f32 v60, v5  }
0x245: {  	s25 =	sadd.s32 $0x80, s25;
	v9 =	vmul.f32 v32, v16;
	v16 =	vld [tilespmem:s21+$0x12C20];
	v4 =	vadd.f32 v11, v4;
	v10 =	vadd.f32 v12, v10  }
0x246: {  	v20 =	vld [tilespmem:s21+$0xDC70];
	v11 =	vmul.f32 v31, v15;
	v15 =	vor.u32 s25, v0;
	v43 =	vadd.f32 v55, v5  }
0x247: {  	v25 =	vld [tilespmem:s21+$0x10470];
	s14 =	sadd.s32 $0xFFFFFFD0, s25;
	v46 =	vtrunc.f32 v46;
	v21 =	vcvt.s32.f32 v15;
	v3 =	vadd.f32 v17, v3  }
0x248: {  	v13 =	vld [tilespmem:s21+$0x12C30];
	v2 =	vadd.f32 v7, v2;
	v7 =	vor.u32 s14, v0;
	v15 =	vsub.f32 v53, v61  }
0x249: {  	s13 =	sadd.s32 $0xFFFFFFF0, s25;
	v24 =	vld [tilespmem:s21+$0xDC60];
	v58 =	vmul.f32 $1.000000000e+01, v28;
	v61 =	vmul.f32 $1.000000000e+01, v45;
	v4 =	vadd.f32 v10, v4  }
0x24a: {  	v59 =	vld [tilespmem:s21+$0x12C70];
	s22 =	sadd.s32 $0xFFFFFFE0, s25;
	v8 =	vadd.f32 v11, v9;
	v9 =	vor.u32 s13, v0;
	v63 =	vcvt.s32.f32 v7  }
0x24b: {  	v40 =	vld [tilespmem:s21+$0xDC20];
	v10 =	vor.u32 s22, v0;
	v11 =	vcvt.s32.f32 v16;
	v54 =	vmul.f32 $1.000000000e+01, v20  }
0x24c: {  	v19 =	vld [tilespmem:s21+$0x12C00];
	v16 =	vsub.f32 v20, v25;
	v43 =	vtrunc.f32 v43;
	v3 =	vadd.f32 v14, v3  }
0x24d: {  	v29 =	vld [tilespmem:s21+$0x10460];
	s22 =	sadd.s32 $0xFFFFFFB0, s25;
	v2 =	vadd.f32 v6, v2;
	v30 =	vcvt.s32.f32 v10;
	v31 =	vcvt.s32.f32 v9  }
0x24e: {  	v62 =	vld [tilespmem:s21+$0x12C60];
	v6 =	vor.u32 s22, v0;
	v10 =	vcvt.s32.f32 v13;
	v56 =	vmul.f32 $1.000000000e+01, v24  }
0x24f: {  	v22 =	vld [tilespmem:s21+$0x12C50];
	s13 =	sadd.s32 $0xFFFFFFC0, s25;
	v47 =	vadd.f32 v58, v5;
	v43 =	vcvt.f32.s32 v43;
	v15 =	vand.u32 $0x7FFFFFFF, v15  }
0x250: {  	v12 =	vld [tilespmem:s21+$0x12C10];
	s22 =	sadd.s32 $0xFFFFFF90, s25;
	v4 =	vadd.f32 v8, v4;
	v8 =	vor.u32 s13, v0;
	v37 =	vcvt.s32.f32 v6  }
0x251: {  	v18 =	vld [tilespmem:s21+$0x12C40];
	v7 =	vor.u32 s22, v0;
	v6 =	vcvt.s32.f32 v59;
	v13 =	vcvt.s32.f32 v19  }
0x252: {  	v59 =	vmul.f32 $1.000000000e+01, v40;
	v19 =	vsub.f32 v24, v29;
	v41 =	vadd.f32 v54, v5  }
0x253: {  	s13 =	sadd.s32 $0xFFFFFFA0, s25;
	v16 =	vand.u32 $0x7FFFFFFF, v16;
	v32 =	vcvt.s32.f32 v8;
	v39 =	vcvt.s32.f32 v7  }
0x254: {  	v25 =	vld [tilespmem:s21+$0xC820];
	v9 =	vor.u32 s13, v0;
	v8 =	vcvt.s32.f32 v22;
	v7 =	vcvt.s32.f32 v62  }
0x255: {  	v14 =	vld [tilespmem:s21+$0xDC00];
	v12 =	vcvt.s32.f32 v12;
	v44 =	vadd.f32 v56, v5;
	v35 =	vtrunc.f32 v47  }
0x256: {  	v23 =	vld [tilespmem:s21+$0xF060];
	v0 =	vimm.s32 $0x0;
	v36 =	vcvt.s32.f32 v9;
	v9 =	vcvt.s32.f32 v18  }
0x257: {  	v54 =	vld [tilespmem:s21+$0xF020];
	v48 =	vadd.f32 v59, v5;
	v41 =	vtrunc.f32 v41;
	v59 =	vtrunc.f32 v49  }
0x258: {  	v22 =	vld [tilespmem:s21+$0xC860];
	vm11 =	vgt.s32 v43, $0x0;
	v35 =	vcvt.f32.s32 v35;
	v49 =	vcvt.f32.s32 v46  }
0x259: {  	v42 =	vld [tilespmem:s21+$0xC840];
	v43 =	vnsel vm11, $0x0, v43;
	v51 =	vmul.f32 $1.000000000e+01, v25;
	v32 =	vadd.f32 v32, v61  }
0x25a: {  	v18 =	vld [tilespmem:s21+$0xC850];
	v41 =	vcvt.f32.s32 v41;
	v43 =	vmin.u32 v43, $0x27F;
	v24 =	vmul.f32 $1.000000000e+01, v14  }
0x25b: {  	v26 =	vld [tilespmem:s21+$0xF050];
	vm10 =	vgt.s32 v35, $0x0;
	vm12 =	vgt.s32 v49, $0x0;
	v43 =	vmul.u32 $0x50, v43  }
0x25c: {  	v38 =	vld [tilespmem:s21+$0xC810];
	v32 =	vtrunc.f32 v32;
	v25 =	vsub.f32 v25, v54;
	vm9 =	vgt.s32 v41, $0x0  }
0x25d: {  	v20 =	vld [tilespmem:s21+$0xC800];
	v35 =	vnsel vm10, $0x0, v35;
	v17 =	vsub.f32 v22, v23;
	v23 =	vmul.f32 $1.000000000e+01, v53  }
0x25e: {  	v22 =	vmul.f32 $1.000000000e+01, v22;
	v24 =	vadd.f32 v24, v5;
	v32 =	vcvt.f32.s32 v32  }
0x25f: {  	v41 =	vnsel vm9, $0x0, v41;
	v35 =	vmin.u32 v35, $0x27F;
	v29 =	vmul.f32 $1.000000000e+01, v18  }
0x260: {  	v18 =	vsub.f32 v18, v26;
	v26 =	vmul.f32 $1.000000000e+01, v42;
	v41 =	vmin.u32 v41, $0x27F  }
0x261: {  	v35 =	vmul.u32 $0x50, v35;
	v25 =	vand.u32 $0x7FFFFFFF, v25;
	v21 =	vadd.f32 v21, v23  }
0x262: {  	v23 =	vmul.f32 $1.000000000e+01, v38;
	v22 =	vadd.f32 v31, v22;
	v31 =	vmul.f32 $1.000000000e+01, v20  }
0x263: {  	v60 =	vld [tilespmem:s21+$0xF030];
	vm15 =	vlt.s32 v32, $0x1;
	vm1 =	vgt.s32 v32, $0x0;
	v41 =	vmul.u32 $0x50, v41  }
0x264: {  	v29 =	vadd.f32 v30, v29;
	v30 =	vtrunc.f32 v44;
	v26 =	vadd.f32 v63, v26  }
0x265: {  	v32 =	vnsel vm1, $0x0, v32;
	v18 =	vand.u32 $0x7FFFFFFF, v18;
	v50 =	vtrunc.f32 v21  }
0x266: {  	v61 =	vld [tilespmem:s21+$0x10430];
	v21 =	vadd.f32 v37, v51;
	v37 =	vtrunc.f32 v48;
	v58 =	vtrunc.f32 v22  }
0x267: {  	v22 =	vadd.f32 v36, v23;
	v23 =	vadd.f32 v39, v31;
	v31 =	vtrunc.f32 v24  }
0x268: {  	v62 =	vld [tilespmem:s21+$0x10450];
	v30 =	vcvt.f32.s32 v30;
	v24 =	vsub.f32 v45, v60;
	v36 =	vcvt.f32.s32 v59  }
0x269: {  	v57 =	vld [tilespmem:s21+$0x10440];
	v45 =	vnsel vm12, $0x0, v49;
	v29 =	vtrunc.f32 v29;
	v52 =	vtrunc.f32 v26  }
0x26a: {  	v32 =	vmin.u32 v32, $0x27F;
	v50 =	vcvt.f32.s32 v50;
	v37 =	vcvt.f32.s32 v37  }
0x26b: {  	v26 =	vsub.f32 v33, v61;
	v56 =	vcvt.f32.s32 v58;
	v31 =	vcvt.f32.s32 v31  }
0x26c: {  	v45 =	vmin.u32 v45, $0x27F;
	v54 =	vmulhi.u32 $0x3333334, v32;
	v53 =	vtrunc.f32 v21  }
0x26d: {  	v63 =	vld [tilespmem:s21+$0xF040];
	v21 =	vsub.f32 v27, v62;
	v62 =	vtrunc.f32 v23;
	v55 =	vtrunc.f32 v22  }
0x26e: {  	v22 =	vsub.f32 v28, v57;
	v57 =	vcvt.f32.s32 v29;
	v58 =	vcvt.f32.s32 v52  }
0x26f: {  	vm8 =	vgt.s32 v30, $0x0;
	v45 =	vmul.u32 $0x50, v45;
	v59 =	vcvt.f32.s32 v53  }
0x270: {  	v24 =	vand.u32 $0x7FFFFFFF, v24;
	v60 =	vcvt.f32.s32 v62;
	v61 =	vcvt.f32.s32 v55  }
0x271: {  	vm0 =	vlt.s32 v56, $0x1;
	vm13 =	vlt.s32 v50, $0x1;
	v30 =	vnsel vm8, $0x0, v30  }
0x272: {  	v55 =	vsub.s32 $0x0, v32;
	v26 =	vand.u32 $0x7FFFFFFF, v26;
	v23 =	vsub.f32 v42, v63  }
0x273: {  	v0 =	vsel vm0, $0xFFFFFFFF, v0;
	vm14 =	vlt.s32 v57, $0x1;
	vm4 =	vlt.s32 v58, $0x1  }
0x274: {  	vm0 =	vgt.s32 v57, $0x0;
	vm2 =	vgt.s32 v58, $0x0;
	[tilespmem:$0x1FF80] =	vst v0;
	v0 =	vimm.s32 $0x0  }
0x275: {  	v27 =	vld [tilespmem:s21+$0x10420];
	v62 =	vmin.u32 v30, $0x27F;
	v55 =	vand.u32 $0xFFFF, v55;
	v0 =	vsel vm13, $0xFFFFFFFF, v0  }
0x276: {  	v28 =	vld [tilespmem:s21+$0x10410];
	v32 =	vadd.s32 v32, v45;
	v21 =	vand.u32 $0x7FFFFFFF, v21;
	[tilespmem:$0x1FF90] =	vst v0;
	v0 =	vimm.s32 $0x0  }
0x277: {  	v22 =	vand.u32 $0x7FFFFFFF, v22;
	vm5 =	vlt.s32 v59, $0x1;
	v0 =	vsel vm14, $0xFFFFFFFF, v0  }
0x278: {  	vm6 =	vlt.s32 v61, $0x1;
	vm7 =	vlt.s32 v60, $0x1;
	[tilespmem:$0x1FF70] =	vst v0;
	v0 =	vimm.s32 $0x0  }
0x279: {  	vm3 =	vgt.s32 v60, $0x0;
	vm13 =	vgt.s32 v37, $0x0;
	v0 =	vsel vm15, $0xFFFFFFFF, v0  }
0x27a: {  	v63 =	vld [tilespmem:s21+$0xF010];
	v42 =	vnsel vm3, $0x0, v60;
	v23 =	vand.u32 $0x7FFFFFFF, v23;
	[tilespmem:$0x1FFB0] =	vst v0;
	v0 =	vimm.s32 $0x0  }
0x27b: {  	v27 =	vsub.f32 v40, v27;
	v28 =	vsub.f32 v34, v28;
	v0 =	vsel vm4, $0xFFFFFFFF, v0  }
0x27c: {  	v37 =	vnsel vm13, $0x0, v37;
	v40 =	vnsel vm0, $0x0, v57;
	[tilespmem:$0x1FFC0] =	vst v0;
	v0 =	vimm.s32 $0x0  }
0x27d: {  	v30 =	vmin.u32 v42, $0x27F;
	v42 =	vmul.u32 $0x50, v62;
	v0 =	vsel vm5, $0xFFFFFFFF, v0  }
0x27e: {  	vm14 =	vgt.s32 v50, $0x0;
	v37 =	vmin.u32 v37, $0x27F;
	[tilespmem:$0x1FFA0] =	vst v0;
	v0 =	vimm.s32 $0x0  }
0x27f: {  	v40 =	vmin.u32 v40, $0x27F;
	v29 =	vsub.f32 v38, v63;
	v0 =	vsel vm6, $0xFFFFFFFF, v0  }
0x280: {  	v33 =	vnsel vm14, $0x0, v50;
	v38 =	vnsel vm2, $0x0, v58;
	[tilespmem:$0x1FFE0] =	vst v0;
	v0 =	vimm.s32 $0x0  }
0x281: {  	v50 =	vmulhi.u32 $0x3333334, v40;
	v51 =	vsub.s32 $0x0, v40;
	v0 =	vsel vm7, $0xFFFFFFFF, v0  }
0x282: {  	v37 =	vmul.u32 $0x50, v37;
	v58 =	vsub.s32 $0x0, v30;
	v40 =	vadd.s32 v40, v43;
	[tilespmem:$0x1FFD0] =	vst v0;
	v0 =	vld [tilespmem:$0x1FF70]  }
0x283: {  	v43 =	vmul.u32 $0xFFB0, v54;
	v27 =	vand.u32 $0x7FFFFFFF, v27;
	vm15 =	vgt.s32 v36, $0x0  }
0x284: {  	v33 =	vmin.u32 v33, $0x27F;
	v38 =	vmin.u32 v38, $0x27F;
	v51 =	vand.u32 $0xFFFF, v51  }
0x285: {  	v58 =	vand.u32 $0xFFFF, v58;
	v36 =	vnsel vm15, $0x0, v36;
	v46 =	vsub.s32 $0x0, v33  }
0x286: {  	v52 =	vmulhi.u32 $0x3333334, v38;
	v53 =	vsub.s32 $0x0, v38;
	v35 =	vadd.s32 v38, v35  }
0x287: {  	v43 =	vand.u32 $0xFFFF, v43;
	vm4 =	vgt.s32 v61, $0x0;
	vm12 =	vnez.u8 v0;
	v0 =	vld [tilespmem:$0x1FF80]  }
0x288: {  	v36 =	vmin.u32 v36, $0x27F;
	v46 =	vand.u32 $0xFFFF, v46;
	vm6 =	vgt.s32 v56, $0x0  }
0x289: {  	v53 =	vand.u32 $0xFFFF, v53;
	v44 =	vnsel vm4, $0x0, v61;
	v39 =	vnsel vm6, $0x0, v56  }
0x28a: {  	v61 =	vmulhi.u32 $0x3333334, v30;
	vm5 =	vgt.s32 v31, $0x0;
	v39 =	vmin.u32 v39, $0x27F  }
0x28b: {  	vm2 =	vne.s32 v43, v55;
	v31 =	vnsel vm5, $0x0, v31;
	v48 =	vmulhi.u32 $0x3333334, v39  }
0x28c: {  	v63 =	vmin.u32 v31, $0x27F;
	v31 =	vmin.u32 v44, $0x27F;
	vm13 =	vnez.u8 v0;
	v0 =	vld [tilespmem:$0x1FF90]  }
0x28d: {  	v44 =	vmulhi.u32 $0x3333334, v33;
	v33 =	vadd.s32 v33, v41;
	v41 =	vmul.u32 $0xFFB0, v48  }
0x28e: {  	v45 =	vmul.u32 $0xFFB0, v52;
	vm7 =	vgt.s32 v59, $0x0;
	v49 =	vsub.s32 $0x0, v39  }
0x28f: {  	v34 =	vnsel vm7, $0x0, v59;
	v49 =	vand.u32 $0xFFFF, v49;
	v41 =	vand.u32 $0xFFFF, v41  }
0x290: {  	v45 =	vand.u32 $0xFFFF, v45;
	v34 =	vmin.u32 v34, $0x27F;
	vm14 =	vne.s32 v41, v49  }
0x291: {  	v56 =	vmulhi.u32 $0x3333334, v34;
	vm0 =	vmand vm13, vm14;
	vm14 =	vnez.u8 v0;
	v0 =	vld [tilespmem:$0x1FFA0]  }
0x292: {  	v57 =	vsub.s32 $0x0, v34;
	v34 =	vadd.s32 v34, v37;
	v37 =	vmul.u32 $0xFFB0, v50  }
0x293: {  	v36 =	vmul.u32 $0x50, v36;
	v62 =	vmul.u32 $0xFFB0, v61;
	vm3 =	vne.s32 v45, v53  }
0x294: {  	v47 =	vmul.u32 $0x50, v63;
	v60 =	vsub.s32 $0x0, v31;
	v37 =	vand.u32 $0xFFFF, v37  }
0x295: {  	v38 =	vmul.u32 $0xFFB0, v44;
	v59 =	vmulhi.u32 $0x3333334, v31;
	vm15 =	vne.s32 v37, v51  }
0x296: {  	v62 =	vand.u32 $0xFFFF, v62;
	vm4 =	vmand vm12, vm15;
	vm15 =	vnez.u8 v0;
	v0 =	vld [tilespmem:$0x1FFB0]  }
0x297: {  	v60 =	vand.u32 $0xFFFF, v60;
	v38 =	vand.u32 $0xFFFF, v38;
	v63 =	vmul.u32 $0xFFB0, v59  }
0x298: {  	v39 =	vadd.s32 v39, v42;
	vm1 =	vne.s32 v38, v46;
	v42 =	vmul.u32 $0xFFB0, v56  }
0x299: {  	v57 =	vand.u32 $0xFFFF, v57;
	v63 =	vand.u32 $0xFFFF, v63;
	vm1 =	vmand vm14, vm1  }
0x29a: {  	vm6 =	vne.s32 v63, v60;
	v42 =	vand.u32 $0xFFFF, v42;
	v51 =	vsel vm1, $0xFFFFFFFF, v1  }
0x29b: {  	v53 =	vsel vm0, $0xFFFFFFFF, v1;
	v37 =	vadd.s32 v44, v51;
	vm12 =	vnez.u8 v0;
	v0 =	vld [tilespmem:$0x1FFC0]  }
0x29c: {  	v46 =	vld [tilespmem:s21+$0xF000];
	vm7 =	vne.s32 v42, v57;
	v42 =	vadd.s32 v48, v53;
	v60 =	vmul.u32 $0xFFFFFFB0, v37  }
0x29d: {  	vm5 =	vne.s32 v62, v58;
	v31 =	vadd.s32 v31, v36;
	v62 =	vmul.u32 $0xFFFFFFB0, v42  }
0x29e: {  	v63 =	vsel vm4, $0xFFFFFFFF, v1;
	vm7 =	vmand vm15, vm7;
	v33 =	vadd.s32 v60, v33  }
0x29f: {  	v41 =	vadd.s32 v50, v63;
	v39 =	vadd.s32 v62, v39;
	v55 =	vsel vm7, $0xFFFFFFFF, v1  }
0x2a0: {  	v50 =	vmul.u32 $0xFFFFFFB0, v41;
	v43 =	vadd.s32 v56, v55;
	vm13 =	vnez.u8 v0;
	v0 =	vld [tilespmem:$0x1FFD0]  }
0x2a1: {  	v30 =	vadd.s32 v30, v47;
	v20 =	vsub.f32 v20, v46;
	v60 =	vmul.u32 $0xFFFFFFB0, v43  }
0x2a2: {  	v46 =	vand.u32 $0x7FFFFFFF, v19;
	v40 =	vadd.s32 v50, v40;
	v51 =	vld [tilespmem:s21+$0x11870];
	vm2 =	vmand vm12, vm2  }
0x2a3: {  	v34 =	vadd.s32 v60, v34;
	v33 =	vld.idx.msk [tilespmem:v33+s8+$0x0], $0xffff;
	v58 =	vsel vm2, $0xFFFFFFFF, v1;
	vm3 =	vmand vm13, vm3  }
0x2a4: {  	v37 =	vshll.u32 v37, $0x2;
	v56 =	vld.idx.msk [tilespmem:v39+s8+$0x0], $0xffff;
	v45 =	vadd.s32 v54, v58;
	v57 =	vsel vm3, $0xFFFFFFFF, v1  }
0x2a5: {  	v58 =	vmul.u32 $0xFFFFFFB0, v45;
	v38 =	vadd.s32 v52, v57;
	v57 =	vld [tilespmem:s21+$0x10400];
	vm14 =	vnez.u8 v0  }
0x2a6: {  	v60 =	vand.u32 $0x7FFFFFFF, v28;
	v63 =	vmul.u32 $0xFFFFFFB0, v38;
	v0 =	vld [tilespmem:$0x1FFE0];
	vm5 =	vmand vm14, vm5  }
0x2a7: {  	v28 =	vshll.u32 v42, $0x2;
	v32 =	vadd.s32 v58, v32;
	v48 =	vsel vm5, $0xFFFFFFFF, v1  }
0x2a8: {  	v19 =	vld.idx.msk [tilespmem:v34+s8+$0x0], $0xffff;
	v33 =	vshrl.u32 v33, v37;
	v35 =	vadd.s32 v63, v35;
	v48 =	vadd.s32 v61, v48  }
0x2a9: {  	v28 =	vshrl.u32 v56, v28;
	v33 =	vand.u32 $0xF, v33;
	v52 =	vld [tilespmem:s21+$0x11860];
	v63 =	vmul.u32 $0xFFFFFFB0, v48  }
0x2aa: {  	v55 =	vld [tilespmem:s21+$0x11820];
	v28 =	vand.u32 $0xF, v28;
	v58 =	vand.u32 $0x7FFFFFFF, v29;
	vm10 =	veq.s32 v51, v33  }
0x2ab: {  	v14 =	vsub.f32 v14, v57;
	v57 =	vld.idx.msk [tilespmem:v40+s8+$0x0], $0xffff;
	vm15 =	vnez.u8 v0;
	v30 =	vadd.s32 v63, v30  }
0x2ac: {  	v40 =	vand.u32 $0x7FFFFFFF, v17;
	v17 =	vld.idx.msk [tilespmem:v32+s8+$0x0], $0xffff;
	v61 =	vshll.u32 v43, $0x2;
	vm6 =	vmand vm15, vm6  }
0x2ad: {  	v38 =	vshll.u32 v38, $0x2;
	v19 =	vshrl.u32 v19, v61;
	v35 =	vld.idx.msk [tilespmem:v35+s8+$0x0], $0xffff;
	v44 =	vsel vm6, $0xFFFFFFFF, v1  }
0x2ae: {  	v54 =	vld [tilespmem:s21+$0x11830];
	vm9 =	veq.s32 v52, v28;
	v19 =	vand.u32 $0xF, v19;
	v44 =	vadd.s32 v59, v44  }
0x2af: {  	v53 =	vshll.u32 v48, $0x2;
	v63 =	vld [tilespmem:s21+$0x11840];
	vm11 =	veq.s32 v55, v19;
	v62 =	vmul.u32 $0xFFFFFFB0, v44  }
0x2b0: {  	v59 =	vand.u32 $0x7FFFFFFF, v14;
	v14 =	vshll.u32 v41, $0x2;
	v44 =	vshll.u32 v44, $0x2;
	v29 =	vld.idx.msk [tilespmem:v30+s8+$0x0], $0xffff  }
0x2b1: {  	v31 =	vadd.s32 v62, v31;
	v30 =	vand.u32 $0x7FFFFFFF, v20;
	v20 =	vld [tilespmem:s21+$0x11850];
	v62 =	vshll.u32 v45, $0x2  }
0x2b2: {  	v14 =	vshrl.u32 v57, v14;
	v35 =	vshrl.u32 v35, v38;
	v17 =	vshrl.u32 v17, v62  }
0x2b3: {  	v14 =	vand.u32 $0xF, v14;
	v35 =	vand.u32 $0xF, v35;
	v17 =	vand.u32 $0xF, v17  }
0x2b4: {  	v57 =	vld [tilespmem:s21+$0x11800];
	vm13 =	veq.s32 v63, v35;
	vm12 =	veq.s32 v54, v17;
	v17 =	vsel vm9, $0x0, v7  }
0x2b5: {  	v36 =	vmul.f32 v17, v40;
	v41 =	vmul.f32 v17, v46;
	v29 =	vshrl.u32 v29, v53  }
0x2b6: {  	vm0 =	veq.s32 v20, v14;
	v14 =	vsel vm10, $0x0, v6;
	v20 =	vsel vm13, $0x0, v9  }
0x2b7: {  	v29 =	vand.u32 $0xF, v29;
	v37 =	vmul.f32 v14, v16;
	v19 =	vsel vm0, $0x0, v8  }
0x2b8: {  	v42 =	vmul.f32 v20, v23;
	v45 =	vmul.f32 v20, v22;
	v22 =	vsel vm11, $0x0, v11  }
0x2b9: {  	vm14 =	veq.s32 v57, v29;
	v39 =	vmul.f32 v19, v18;
	v43 =	vmul.f32 v19, v21  }
0x2ba: {  	v21 =	vsel vm12, $0x0, v10;
	v46 =	vmul.f32 v22, v25;
	v48 =	vmul.f32 v22, v27  }
0x2bb: {  	v31 =	vld.idx.msk [tilespmem:v31+s8+$0x0], $0xffff;
	v18 =	vmin.f32 v36, $1.000000000e+00;
	v28 =	vmul.f32 v21, v24;
	v29 =	vmul.f32 v21, v26  }
0x2bc: {  	v25 =	vsel vm14, $0x0, v13;
	v24 =	vmin.f32 v41, $1.000000000e+00;
	v55 =	vmul.f32 $5.000000000e-01, v18  }
0x2bd: {  	v33 =	vmin.f32 v42, $1.000000000e+00;
	v50 =	vmul.f32 v25, v30;
	v51 =	vmul.f32 v25, v59  }
0x2be: {  	v56 =	vld [tilespmem:s21+$0x11810];
	v27 =	vmin.f32 v39, $1.000000000e+00;
	v26 =	vmin.f32 v43, $1.000000000e+00;
	v30 =	vmin.f32 v45, $1.000000000e+00  }
0x2bf: {  	v40 =	vmin.f32 v46, $1.000000000e+00;
	v38 =	vmin.f32 v48, $1.000000000e+00;
	v61 =	vmul.f32 $5.000000000e-01, v33  }
0x2c0: {  	v31 =	vshrl.u32 v31, v44;
	v34 =	vmin.f32 v28, $1.000000000e+00;
	v59 =	vmul.f32 $5.000000000e-01, v26  }
0x2c1: {  	v35 =	vmin.f32 v29, $1.000000000e+00;
	v62 =	vmul.f32 $5.000000000e-01, v30;
	v63 =	vmul.f32 $5.000000000e-01, v40  }
0x2c2: {  	v36 =	vsub.f32 v36, v55;
	v31 =	vand.u32 $0xF, v31;
	v57 =	vmin.f32 v50, $1.000000000e+00  }
0x2c3: {  	v44 =	vmul.f32 $5.000000000e-01, v34;
	v42 =	vsub.f32 v42, v61;
	vm15 =	veq.s32 v56, v31  }
0x2c4: {  	v31 =	vmul.f32 v14, v15;
	v15 =	vmin.f32 v37, $1.000000000e+00;
	v56 =	vmul.f32 $5.000000000e-01, v24  }
0x2c5: {  	v0 =	vmul.f32 $5.000000000e-01, v57;
	v23 =	vsel vm15, $0x0, v12;
	v53 =	vmul.f32 $5.000000000e-01, v15  }
0x2c6: {  	v49 =	vmul.f32 v23, v58;
	v47 =	vmul.f32 v23, v60;
	v16 =	vmin.f32 v31, $1.000000000e+00  }
0x2c7: {  	v58 =	vmul.f32 $5.000000000e-01, v27;
	v60 =	vmin.f32 v51, $1.000000000e+00;
	v32 =	vmul.f32 $5.000000000e-01, v16  }
0x2c8: {  	v0 =	vsub.f32 v50, v0;
	v52 =	vmin.f32 v49, $1.000000000e+00;
	v54 =	vmin.f32 v47, $1.000000000e+00  }
0x2c9: {  	s19 =	sadd.s32 $0x8, s19;
	v32 =	vsub.f32 v31, v32;
	v31 =	vsub.f32 v37, v53;
	v53 =	vmul.f32 $5.000000000e-01, v60  }
0x2ca: {  	p0 =	slt.u32 s19, $0x20;
	v39 =	vsub.f32 v39, v58;
	v37 =	vsub.f32 v41, v56;
	v55 =	vmul.f32 $5.000000000e-01, v52  }
.Ltmp3:
0x2cb: {  	v41 =	vsub.f32 v43, v59;
	v59 =	vmul.f32 $5.000000000e-01, v54;
	v58 =	vsub.f32 v51, v53;
	(pc) =	sbr.rel @p0 .LBB2_10-.Ltmp3, $4  }
0x2cc: {  	v61 =	vmul.f32 $5.000000000e-01, v38;
	v46 =	vsub.f32 v46, v63;
	v0 =	vmul.f32 v0, v57  }
0x2cd: {  	v49 =	vsub.f32 v49, v55;
	v51 =	vsub.f32 v47, v59;
	v50 =	vmul.f32 v58, v60  }
0x2ce: {  	v43 =	vsub.f32 v45, v62;
	v45 =	vsub.f32 v48, v61;
	v47 =	vmul.f32 $5.000000000e-01, v35  }
0x2cf: {  	s20 =	sadd.s32 $0x1000, s20;
	v49 =	vmul.f32 v49, v52;
	v48 =	vadd.f32 v50, v0;
	v50 =	vmul.f32 v51, v54  }
0x2d0: {  	v5 =	vsub.f32 v28, v44;
	v57 =	vsub.f32 v29, v47  }
0x2d1: {  	v0 =	vmul.f32 v46, v40;
	v3 =	vadd.f32 v25, v3;
	v2 =	vadd.f32 v13, v2  }
0x2d2: {  	v38 =	vmul.f32 v45, v38;
	v4 =	vadd.f32 v48, v4;
	v58 =	vadd.f32 v50, v49  }
0x2d3: {  	v5 =	vmul.f32 v5, v34;
	v3 =	vadd.f32 v23, v3;
	v2 =	vadd.f32 v12, v2  }
0x2d4: {  	v0 =	vadd.f32 v38, v0;
	v59 =	vmul.f32 v57, v35;
	v4 =	vadd.f32 v58, v4  }
0x2d5: {  	v60 =	vmul.f32 v42, v33;
	v3 =	vadd.f32 v22, v3;
	v2 =	vadd.f32 v11, v2  }
0x2d6: {  	v0 =	vadd.f32 v0, v4;
	v4 =	vadd.f32 v59, v5;
	v5 =	vmul.f32 v43, v30  }
0x2d7: {  	v61 =	vmul.f32 v39, v27;
	v3 =	vadd.f32 v21, v3;
	v2 =	vadd.f32 v10, v2  }
0x2d8: {  	v0 =	vadd.f32 v4, v0;
	v4 =	vadd.f32 v5, v60;
	v5 =	vmul.f32 v41, v26  }
0x2d9: {  	v62 =	vmul.f32 v36, v18;
	v3 =	vadd.f32 v20, v3;
	v2 =	vadd.f32 v9, v2  }
0x2da: {  	s18 =	sadd.s32 $0x1, s18;
	v0 =	vadd.f32 v4, v0;
	v4 =	vadd.f32 v5, v61;
	v5 =	vmul.f32 v37, v24  }
0x2db: {  	v63 =	vmul.f32 v32, v16;
	p0 =	sne.s32 s18, $0x8;
	v3 =	vadd.f32 v19, v3;
	v2 =	vadd.f32 v8, v2  }
.Ltmp4:
0x2dc: {  	v0 =	vadd.f32 v4, v0;
	v4 =	vadd.f32 v5, v62;
	v5 =	vmul.f32 v31, v15;
	(pc) =	sbr.rel @p0 .LBB2_9-.Ltmp4, $4  }
0x2dd: {  	v3 =	vadd.f32 v17, v3;
	v2 =	vadd.f32 v7, v2  }
0x2de: {  	v0 =	vadd.f32 v4, v0;
	v4 =	vadd.f32 v5, v63  }
0x2df: {  	v3 =	vadd.f32 v14, v3;
	v2 =	vadd.f32 v6, v2  }
0x2e0: {  	s12 =	sadd.s32 $0x200, s12;
	v18 =	vlaneseq.u32;
	v4 =	vadd.f32 v4, v0  }
0x2e1: {  	s12 =	sshll.u32 s29, $0x1  }
0x2e2: {  	s12 =	sadd.s32 $0x2, s12  }
0x2e3: {  	p0 =	seq.s32 s12, $0x28  }
0x2e4: {  	s12 =	simm.s32 @p0 $0x0  }
0x2e5: {  	s12 =	sadd.s32 s26, s12  }
0x2e6: {  	s12 =	smul.u32 $0x1400, s12;
	_ =	sdelay $0x1  }
0x2e7: {  	s13 =	sadd.s32 s9, s12  }
0x2e8: {  	s14 =	sshrl.u32 s13, $0x3;
	s13 =	sadd.s32 $0x64000, s13  }
0x2e9: {  	s23 =	simm.s32 $0x0;
	s18 =	sadd.s32 s1, s14;
	s13 =	sshrl.u32 s13, $0x3  }
0x2ea: {  	[tilespmem:s24], [sflag:$0x1] =	stream.linear.gather [hbm4b:s18+s23], $0x1400, $0x38;
	[tilespmem:$0x1B880] =	vst v63  }
0x2eb: {  	s19 =	simm.s32 $0xDC00;
	s22 =	sadd.s32 s1, s13  }
0x2ec: {  	[tilespmem:s19], [sflag:$0x1] =	stream.linear.gather [hbm4b:s22+s23], $0x1400, $0x38;
	[tilespmem:$0x1B880] =	vst v63  }
0x2ed: {  	s12 =	sadd.s32 s7, s12;
	s14 =	sadd.s32 s2, s14  }
0x2ee: {  	[tilespmem:s15], [sflag:$0x1] =	stream.linear.gather [hbm4b:s14+s23], $0x1400, $0x38;
	[tilespmem:$0x1B880] =	vst v63  }
0x2ef: {  	s12 =	sshrl.u32 s12, $0x3;
	s13 =	sadd.s32 s2, s13  }
0x2f0: {  	[tilespmem:s16], [sflag:$0x1] =	stream.linear.gather [hbm4b:s13+s23], $0x1400, $0x38;
	[tilespmem:$0x1B880] =	vst v63  }
0x2f1: {  	s25 =	sadd.s32 s3, s12  }
0x2f2: {  	[tilespmem:s31], [sflag:$0x1] =	stream.linear.gather [hbm4b:s25+s23], $0x1400, $0x38;
	[tilespmem:$0x1B880] =	vst v63  }
0x2f3: {  	s12 =	sadd.s32 s4, s12  }
0x2f4: {  	[tilespmem:s17], [sflag:$0x1] =	stream.linear.gather [hbm4b:s12+s23], $0x1400, $0x38;
	[tilespmem:$0x1B880] =	vst v63  }
0x2f5: {  	_ =	swait.ge [sflag:s0], $0x1400  }
0x2f6: {  	[sflag:s0] =	ssyncset.done $0x0  }
0x2f7: {  	[sflag:s0] =	ssyncadd.s32 $0xFFFFEC00  }
0x2f8: {  	_ =	swait.ge [sflag:s0], $0x1400  }
0x2f9: {  	[sflag:s0] =	ssyncset.done $0x0  }
0x2fa: {  	[sflag:s0] =	ssyncadd.s32 $0xFFFFEC00  }
0x2fb: {  	_ =	swait.ge [sflag:s0], $0x1400  }
0x2fc: {  	[sflag:s0] =	ssyncset.done $0x0  }
0x2fd: {  	[sflag:s0] =	ssyncadd.s32 $0xFFFFEC00  }
0x2fe: {  	_ =	swait.ge [sflag:s0], $0x1400  }
0x2ff: {  	[sflag:s0] =	ssyncset.done $0x0  }
0x300: {  	[sflag:s0] =	ssyncadd.s32 $0xFFFFEC00  }
0x301: {  	_ =	swait.ge [sflag:s0], $0x1400  }
0x302: {  	[sflag:s0] =	ssyncset.done $0x0  }
0x303: {  	[sflag:s0] =	ssyncadd.s32 $0xFFFFEC00  }
0x304: {  	_ =	swait.ge [sflag:s0], $0x1400  }
0x305: {  	[sflag:s0] =	ssyncset.done $0x0  }
0x306: {  	s12 =	simm.s32 $0x0;
	[sflag:s0] =	ssyncadd.s32 $0xFFFFEC00  }
.LBB2_13:
0x307: {  	s19 =	sshra.s32 s23, $0x2  }
0x308: {  	v25 =	vld [tilespmem:s19+$0x15470]  }
0x309: {  	v12 =	vld [tilespmem:s19+$0x15460]  }
0x30a: {  	s13 =	sor.u32 s30, s12;
	s14 =	simm.s32 $0x40;
	v11 =	vld [tilespmem:s19+$0x15450]  }
0x30b: {  	s20 =	simm.s32 $0x50;
	s25 =	simm.s32 $0x30;
	v0 =	vmov s13;
	v13 =	vld [tilespmem:s19+$0x15440];
	v7 =	vor.u32 s14, v18  }
0x30c: {  	s21 =	simm.s32 $0x20;
	v14 =	vld [tilespmem:s19+$0x15430];
	v8 =	vor.u32 s20, v18;
	v9 =	vor.u32 s25, v18;
	v0 =	vcvt.s32.f32 v0  }
0x30d: {  	s18 =	simm.s32 $0x70;
	v26 =	vld [tilespmem:s19+$0x14070];
	v10 =	vor.u32 s21, v18;
	v8 =	vcvt.s32.f32 v8;
	v9 =	vcvt.s32.f32 v9  }
0x30e: {  	s22 =	simm.s32 $0x60;
	v6 =	vor.u32 s18, v18;
	v17 =	vld [tilespmem:s19+$0x15420];
	v7 =	vcvt.s32.f32 v7;
	v10 =	vcvt.s32.f32 v10  }
0x30f: {  	v19 =	vld [tilespmem:s19+$0x14060];
	s25 =	simm.s32 $0x0;
	v5 =	vbroadcast v0, $0x0;
	v0 =	vcvt.s32.f32 v6;
	v6 =	vor.u32 s22, v18;
	s22 =	simm.s32 $0x10  }
0x310: {  	v15 =	vld [tilespmem:s19+$0x15410];
	v6 =	vcvt.s32.f32 v6;
	v16 =	vor.u32 s22, v18;
	v18 =	vor.u32 s25, v18  }
0x311: {  	v23 =	vld [tilespmem:s19+$0x14050];
	v27 =	vcvt.s32.f32 v16;
	v28 =	vcvt.s32.f32 v18  }
0x312: {  	v24 =	vld [tilespmem:s19+$0x14040];
	v29 =	vmul.f32 $1.000000000e+01, v25;
	v30 =	vmul.f32 $1.000000000e+01, v11  }
0x313: {  	v22 =	vld [tilespmem:s19+$0x14030];
	v31 =	vmul.f32 $1.000000000e+01, v12;
	v32 =	vmul.f32 $1.000000000e+01, v14  }
0x314: {  	v20 =	vld [tilespmem:s19+$0x14020];
	v33 =	vmul.f32 $1.000000000e+01, v13;
	v34 =	vmul.f32 $1.000000000e+01, v17  }
0x315: {  	v21 =	vld [tilespmem:s19+$0x14010];
	v35 =	vmul.f32 $1.000000000e+01, v26;
	v36 =	vmul.f32 $1.000000000e+01, v15  }
0x316: {  	v37 =	vmul.f32 $1.000000000e+01, v19;
	v39 =	vmul.f32 $1.000000000e+01, v23;
	v31 =	vadd.f32 v31, v5  }
0x317: {  	v40 =	vmul.f32 $1.000000000e+01, v24;
	v29 =	vadd.f32 v29, v5;
	v33 =	vadd.f32 v33, v5  }
0x318: {  	v41 =	vmul.f32 $1.000000000e+01, v22;
	v30 =	vadd.f32 v30, v5;
	v32 =	vadd.f32 v32, v5  }
0x319: {  	v42 =	vmul.f32 $1.000000000e+01, v20;
	v0 =	vadd.f32 v0, v35;
	v34 =	vadd.f32 v34, v5  }
0x31a: {  	v58 =	vmul.f32 $1.000000000e+01, v21;
	v6 =	vadd.f32 v6, v37;
	v36 =	vadd.f32 v36, v5  }
0x31b: {  	v8 =	vadd.f32 v8, v39;
	v31 =	vtrunc.f32 v31;
	v29 =	vtrunc.f32 v29  }
0x31c: {  	v16 =	vld [tilespmem:s19+$0x15400];
	v7 =	vadd.f32 v7, v40;
	v33 =	vtrunc.f32 v33;
	v30 =	vtrunc.f32 v30  }
0x31d: {  	v18 =	vld [tilespmem:s19+$0x14000];
	v9 =	vadd.f32 v9, v41;
	v32 =	vtrunc.f32 v32;
	v0 =	vtrunc.f32 v0  }
0x31e: {  	v10 =	vadd.f32 v10, v42;
	v34 =	vtrunc.f32 v34;
	v6 =	vtrunc.f32 v6  }
0x31f: {  	v27 =	vadd.f32 v27, v58;
	v36 =	vtrunc.f32 v36;
	v8 =	vtrunc.f32 v8  }
0x320: {  	v7 =	vtrunc.f32 v7;
	v10 =	vtrunc.f32 v10  }
0x321: {  	v9 =	vtrunc.f32 v9;
	v27 =	vtrunc.f32 v27  }
0x322: {  	v38 =	vmul.f32 $1.000000000e+01, v16;
	v59 =	vmul.f32 $1.000000000e+01, v18  }
0x323: {  	v31 =	vcvt.f32.s32 v31;
	v29 =	vcvt.f32.s32 v29  }
0x324: {  	v33 =	vcvt.f32.s32 v33;
	v30 =	vcvt.f32.s32 v30  }
0x325: {  	v32 =	vcvt.f32.s32 v32;
	v0 =	vcvt.f32.s32 v0  }
0x326: {  	v34 =	vcvt.f32.s32 v34;
	v6 =	vcvt.f32.s32 v6  }
0x327: {  	v61 =	vcvt.f32.s32 v36;
	v8 =	vcvt.f32.s32 v8  }
0x328: {  	v1 =	vimm.s32 $0x0;
	v7 =	vcvt.f32.s32 v7;
	v10 =	vcvt.f32.s32 v10  }
0x329: {  	v9 =	vcvt.f32.s32 v9;
	v27 =	vcvt.f32.s32 v27;
	v38 =	vadd.f32 v38, v5  }
0x32a: {  	v28 =	vadd.f32 v28, v59;
	vm4 =	vgt.s32 v29, $0x0;
	vm7 =	vgt.s32 v31, $0x0  }
0x32b: {  	vm3 =	vlt.s32 v6, $0x1;
	vm1 =	vlt.s32 v0, $0x1;
	vm8 =	vgt.s32 v33, $0x0  }
0x32c: {  	vm9 =	vgt.s32 v30, $0x0;
	vm6 =	vlt.s32 v8, $0x1;
	vm10 =	vgt.s32 v32, $0x0  }
0x32d: {  	vm2 =	vlt.s32 v9, $0x1;
	vm0 =	vlt.s32 v7, $0x1;
	vm11 =	vgt.s32 v34, $0x0  }
0x32e: {  	vm5 =	vlt.s32 v10, $0x1;
	vm14 =	vgt.s32 v0, $0x0;
	vm15 =	vgt.s32 v61, $0x0  }
0x32f: {  	vm12 =	vgt.s32 v6, $0x0;
	v37 =	vnsel vm4, $0x0, v29;
	v33 =	vnsel vm8, $0x0, v33  }
0x330: {  	v31 =	vnsel vm7, $0x0, v31;
	vm4 =	vlt.s32 v27, $0x1;
	v34 =	vnsel vm11, $0x0, v34  }
0x331: {  	v32 =	vnsel vm10, $0x0, v32;
	v0 =	vnsel vm14, $0x0, v0;
	vm14 =	vgt.s32 v8, $0x0  }
0x332: {  	v35 =	vnsel vm15, $0x0, v61;
	vm8 =	vgt.s32 v10, $0x0;
	v6 =	vnsel vm12, $0x0, v6  }
0x333: {  	vm15 =	vgt.s32 v9, $0x0;
	vm12 =	vgt.s32 v7, $0x0;
	v60 =	vtrunc.f32 v38  }
0x334: {  	v28 =	vtrunc.f32 v28;
	v38 =	vnsel vm9, $0x0, v30;
	v8 =	vnsel vm14, $0x0, v8  }
0x335: {  	v9 =	vnsel vm15, $0x0, v9;
	v7 =	vnsel vm12, $0x0, v7;
	vm14 =	vgt.s32 v27, $0x0  }
0x336: {  	v10 =	vnsel vm8, $0x0, v10;
	v0 =	vmin.u32 v0, $0x27F;
	v39 =	vmin.u32 v6, $0x27F  }
0x337: {  	v31 =	vmin.u32 v31, $0x27F;
	v37 =	vmin.u32 v37, $0x27F;
	v32 =	vmin.u32 v32, $0x27F  }
0x338: {  	v33 =	vmin.u32 v33, $0x27F;
	v35 =	vmin.u32 v35, $0x27F;
	v34 =	vmin.u32 v34, $0x27F  }
0x339: {  	v62 =	vcvt.f32.s32 v60;
	v28 =	vcvt.f32.s32 v28;
	v27 =	vnsel vm14, $0x0, v27  }
0x33a: {  	v40 =	vmin.u32 v7, $0x27F;
	v41 =	vmulhi.u32 $0x3333334, v0;
	v42 =	vmin.u32 v8, $0x27F  }
0x33b: {  	v43 =	vmulhi.u32 $0x3333334, v39;
	v30 =	vmin.u32 v10, $0x27F;
	v44 =	vmin.u32 v9, $0x27F  }
0x33c: {  	v6 =	vsub.s32 $0x0, v0;
	v7 =	vsub.s32 $0x0, v39;
	v31 =	vmul.u32 $0x50, v31  }
0x33d: {  	v37 =	vmul.u32 $0x50, v37;
	v33 =	vmul.u32 $0x50, v33;
	v32 =	vmul.u32 $0x50, v32  }
0x33e: {  	v34 =	vmul.u32 $0x50, v34;
	v35 =	vmul.u32 $0x50, v35;
	v45 =	vmulhi.u32 $0x3333334, v42  }
0x33f: {  	v29 =	vmin.u32 v27, $0x27F;
	v46 =	vmulhi.u32 $0x3333334, v40;
	v8 =	vsub.s32 $0x0, v42  }
0x340: {  	v47 =	vmulhi.u32 $0x3333334, v44;
	v9 =	vsub.s32 $0x0, v40;
	v10 =	vsub.s32 $0x0, v44  }
0x341: {  	v48 =	vmulhi.u32 $0x3333334, v30;
	v7 =	vand.u32 $0xFFFF, v7;
	v6 =	vand.u32 $0xFFFF, v6  }
0x342: {  	vm13 =	vgt.s32 v62, $0x0;
	vm7 =	vlt.s32 v28, $0x1;
	v50 =	vmulhi.u32 $0x3333334, v29  }
0x343: {  	v51 =	vsub.s32 $0x0, v29;
	v10 =	vand.u32 $0xFFFF, v10;
	v9 =	vand.u32 $0xFFFF, v9  }
0x344: {  	v8 =	vand.u32 $0xFFFF, v8;
	v53 =	vmul.u32 $0xFFB0, v41;
	v55 =	vmul.u32 $0xFFB0, v43  }
0x345: {  	v31 =	vadd.s32 v39, v31;
	v0 =	vadd.s32 v0, v37;
	v32 =	vadd.s32 v44, v32  }
0x346: {  	v33 =	vadd.s32 v40, v33;
	v29 =	vadd.s32 v29, v35;
	v36 =	vnsel vm13, $0x0, v62  }
0x347: {  	vm13 =	vgt.s32 v28, $0x0;
	v51 =	vand.u32 $0xFFFF, v51;
	v54 =	vmul.u32 $0xFFB0, v45  }
0x348: {  	v61 =	vld [tilespmem:s19+$0x1A470];
	v56 =	vmul.u32 $0xFFB0, v48;
	v57 =	vmul.u32 $0xFFB0, v46;
	v58 =	vmul.u32 $0xFFB0, v47  }
0x349: {  	v28 =	vnsel vm13, $0x0, v28;
	v60 =	vmul.u32 $0xFFB0, v50;
	v53 =	vand.u32 $0xFFFF, v53  }
0x34a: {  	v55 =	vand.u32 $0xFFFF, v55;
	v36 =	vmin.u32 v36, $0x27F;
	v27 =	vmin.u32 v28, $0x27F  }
0x34b: {  	v28 =	vsub.s32 $0x0, v30;
	v57 =	vand.u32 $0xFFFF, v57;
	v54 =	vand.u32 $0xFFFF, v54  }
0x34c: {  	v56 =	vand.u32 $0xFFFF, v56;
	v58 =	vand.u32 $0xFFFF, v58;
	vm12 =	vne.s32 v55, v7  }
0x34d: {  	v63 =	vld [tilespmem:s19+$0x1A460];
	vm13 =	vne.s32 v53, v6;
	v6 =	vcvt.s32.f32 v61;
	v36 =	vmul.u32 $0x50, v36  }
0x34e: {  	v39 =	vld [tilespmem:s19+$0x16840];
	v30 =	vadd.s32 v30, v34;
	v49 =	vsub.s32 $0x0, v27;
	v52 =	vmulhi.u32 $0x3333334, v27  }
0x34f: {  	v37 =	vld [tilespmem:s19+$0x17C40];
	v28 =	vand.u32 $0xFFFF, v28;
	v60 =	vand.u32 $0xFFFF, v60;
	vm15 =	vne.s32 v54, v8  }
0x350: {  	v35 =	vld [tilespmem:s19+$0x19070];
	vm14 =	vne.s32 v58, v10;
	vm3 =	vmand vm3, vm12;
	vm1 =	vmand vm1, vm13  }
0x351: {  	v62 =	vld [tilespmem:s19+$0x16870];
	vm12 =	vne.s32 v57, v9;
	v49 =	vand.u32 $0xFFFF, v49;
	vm6 =	vmand vm6, vm15  }
0x352: {  	v7 =	vld [tilespmem:s19+$0x1A450];
	vm15 =	vne.s32 v56, v28;
	vm2 =	vmand vm2, vm14;
	vm14 =	vne.s32 v60, v51  }
0x353: {  	v61 =	vld [tilespmem:s19+$0x16850];
	vm10 =	vmand vm0, vm12;
	v51 =	vsel vm1, $0xFFFFFFFF, v1;
	v56 =	vsel vm3, $0xFFFFFFFF, v1  }
0x354: {  	v9 =	vld [tilespmem:s19+$0x1A430];
	v24 =	vsub.f32 v24, v39;
	v34 =	vsub.f32 v13, v37;
	v59 =	vmul.u32 $0xFFB0, v52  }
0x355: {  	v28 =	vld [tilespmem:s19+$0x1A440];
	vm5 =	vmand vm5, vm15;
	vm4 =	vmand vm4, vm14;
	v53 =	vsel vm10, $0xFFFFFFFF, v1  }
0x356: {  	v60 =	vld [tilespmem:s19+$0x17C60];
	v55 =	vsel vm6, $0xFFFFFFFF, v1;
	v58 =	vsel vm2, $0xFFFFFFFF, v1;
	v41 =	vadd.s32 v41, v51  }
0x357: {  	v51 =	vld [tilespmem:s19+$0x16830];
	v43 =	vadd.s32 v43, v56;
	v57 =	vsel vm5, $0xFFFFFFFF, v1;
	v59 =	vand.u32 $0xFFFF, v59  }
0x358: {  	v54 =	vsel vm4, $0xFFFFFFFF, v1;
	v44 =	vmul.u32 $0xFFFFFFB0, v41;
	vm13 =	vne.s32 v59, v49;
	v49 =	vld [tilespmem:s19+$0x17C70]  }
0x359: {  	v56 =	vld [tilespmem:s19+$0x17C30];
	v40 =	vadd.s32 v45, v55;
	v45 =	vmul.u32 $0xFFFFFFB0, v43;
	v46 =	vadd.s32 v46, v53  }
0x35a: {  	v55 =	vld [tilespmem:s19+$0x16820];
	v47 =	vadd.s32 v47, v58;
	v8 =	vcvt.s32.f32 v7;
	v7 =	vcvt.s32.f32 v63  }
0x35b: {  	v63 =	vmul.u32 $0xFFFFFFB0, v40;
	v58 =	vmul.u32 $0xFFFFFFB0, v46;
	v59 =	vld [tilespmem:s19+$0x16860];
	v10 =	vcvt.s32.f32 v9  }
0x35c: {  	v0 =	vadd.s32 v44, v0;
	v44 =	vld [tilespmem:s19+$0x17C20];
	v31 =	vadd.s32 v45, v31;
	v9 =	vcvt.s32.f32 v28  }
0x35d: {  	v45 =	vld [tilespmem:s19+$0x16810];
	v28 =	vsub.f32 v26, v62;
	v26 =	vsub.f32 v25, v49;
	v25 =	vmin.u32 v38, $0x27F  }
0x35e: {  	v48 =	vadd.s32 v48, v57;
	vm15 =	vmand vm7, vm13;
	v62 =	vld [tilespmem:s19+$0x1A400];
	v25 =	vmul.u32 $0x50, v25  }
0x35f: {  	v50 =	vadd.s32 v50, v54;
	v54 =	vmul.u32 $0xFFFFFFB0, v48;
	v57 =	vsel vm15, $0xFFFFFFFF, v1;
	v38 =	vld [tilespmem:s19+$0x1A420]  }
0x360: {  	v52 =	vadd.s32 v52, v57;
	v57 =	vmul.u32 $0xFFFFFFB0, v50;
	v49 =	vld [tilespmem:s19+$0x1A410];
	v25 =	vadd.s32 v42, v25  }
0x361: {  	v33 =	vadd.s32 v58, v33;
	v0 =	vld.idx.msk [tilespmem:v0+s8+$0x0], $0xffff;
	v25 =	vadd.s32 v63, v25;
	v63 =	vmul.u32 $0xFFFFFFB0, v47  }
0x362: {  	v29 =	vadd.s32 v57, v29;
	v57 =	vsub.f32 v19, v59;
	v19 =	vadd.s32 v54, v30;
	v30 =	vld.idx.msk [tilespmem:v31+s8+$0x0], $0xffff  }
0x363: {  	v27 =	vadd.s32 v27, v36;
	v24 =	vand.u32 $0x7FFFFFFF, v24;
	v54 =	vld [tilespmem:s19+$0x17C00];
	v32 =	vadd.s32 v63, v32  }
0x364: {  	v34 =	vand.u32 $0x7FFFFFFF, v34;
	v36 =	vsub.f32 v23, v61;
	v61 =	vshll.u32 v46, $0x2;
	v42 =	vld [tilespmem:s19+$0x17C50]  }
0x365: {  	v37 =	vsub.f32 v22, v51;
	v31 =	vsub.f32 v12, v60;
	v59 =	vld [tilespmem:s19+$0x19060];
	v63 =	vmul.u32 $0xFFFFFFB0, v52  }
0x366: {  	v39 =	vsub.f32 v21, v45;
	v21 =	vshll.u32 v43, $0x2;
	v60 =	vshll.u32 v47, $0x2;
	v33 =	vld.idx.msk [tilespmem:v33+s8+$0x0], $0xffff  }
0x367: {  	v13 =	vcvt.s32.f32 v62;
	v62 =	vshll.u32 v52, $0x2;
	v23 =	vadd.s32 v63, v27;
	v25 =	vld.idx.msk [tilespmem:v25+s8+$0x0], $0xffff  }
0x368: {  	v26 =	vand.u32 $0x7FFFFFFF, v26;
	v12 =	vcvt.s32.f32 v49;
	v16 =	vsub.f32 v16, v54;
	v22 =	vld.idx.msk [tilespmem:v32+s8+$0x0], $0xffff  }
0x369: {  	v21 =	vshrl.u32 v30, v21;
	v27 =	vsub.f32 v11, v42;
	v32 =	vsub.f32 v14, v56;
	v14 =	vld.idx.msk [tilespmem:v29+s8+$0x0], $0xffff  }
0x36a: {  	v16 =	vand.u32 $0x7FFFFFFF, v16;
	v11 =	vcvt.s32.f32 v38;
	v29 =	vsub.f32 v17, v44;
	v17 =	vld.idx.msk [tilespmem:v19+s8+$0x0], $0xffff  }
0x36b: {  	v38 =	vsub.f32 v20, v55;
	v63 =	vld [tilespmem:s19+$0x19050];
	v55 =	vand.u32 $0x7FFFFFFF, v37;
	v27 =	vand.u32 $0x7FFFFFFF, v27  }
0x36c: {  	v19 =	vshll.u32 v40, $0x2;
	v56 =	vshll.u32 v48, $0x2;
	v20 =	vld.idx.msk [tilespmem:v23+s8+$0x0], $0xffff;
	v23 =	vshll.u32 v41, $0x2  }
0x36d: {  	v48 =	vshll.u32 v50, $0x2;
	v32 =	vand.u32 $0x7FFFFFFF, v32;
	v0 =	vshrl.u32 v0, v23  }
0x36e: {  	v30 =	vld [tilespmem:s19+$0x19030];
	v23 =	vshrl.u32 v33, v61;
	v19 =	vshrl.u32 v25, v19;
	v0 =	vand.u32 $0xF, v0  }
0x36f: {  	v50 =	vld [tilespmem:s19+$0x19020];
	v19 =	vand.u32 $0xF, v19;
	v25 =	vshrl.u32 v14, v48;
	v40 =	vshrl.u32 v17, v56  }
0x370: {  	v22 =	vshrl.u32 v22, v60;
	v17 =	vand.u32 $0xF, v21;
	vm8 =	veq.s32 v35, v0  }
0x371: {  	vm10 =	veq.s32 v63, v19;
	v14 =	vsel vm8, $0x0, v6;
	vm9 =	veq.s32 v59, v17  }
0x372: {  	v49 =	vld [tilespmem:s19+$0x19040];
	v21 =	vand.u32 $0xF, v22;
	v19 =	vsel vm10, $0x0, v8;
	v22 =	vand.u32 $0xF, v40  }
0x373: {  	v51 =	vshrl.u32 v20, v62;
	v20 =	vand.u32 $0xF, v23;
	v17 =	vsel vm9, $0x0, v7  }
0x374: {  	v52 =	vld [tilespmem:s19+$0x19000];
	vm12 =	veq.s32 v30, v21;
	v23 =	vand.u32 $0xF, v25;
	vm13 =	veq.s32 v50, v22  }
0x375: {  	v53 =	vld [tilespmem:s19+$0x17C10];
	v30 =	vand.u32 $0x7FFFFFFF, v31;
	v31 =	vand.u32 $0x7FFFFFFF, v36;
	v37 =	vmul.f32 v14, v26  }
0x376: {  	v0 =	vld [tilespmem:s19+$0x19010];
	v26 =	vand.u32 $0x7FFFFFFF, v38;
	v43 =	vmul.f32 v19, v27;
	v27 =	vand.u32 $0x7FFFFFFF, v29  }
0x377: {  	v58 =	vld [tilespmem:s19+$0x16800];
	vm11 =	veq.s32 v49, v20;
	v21 =	vsel vm12, $0x0, v10;
	v25 =	vand.u32 $0xF, v51  }
0x378: {  	v22 =	vsel vm13, $0x0, v11;
	v41 =	vmul.f32 v17, v30;
	v42 =	vmul.f32 v19, v31  }
0x379: {  	v20 =	vsel vm11, $0x0, v9;
	vm15 =	veq.s32 v52, v25;
	v29 =	vmul.f32 v21, v32  }
0x37a: {  	v47 =	vmul.f32 v22, v26;
	v48 =	vmul.f32 v22, v27;
	v26 =	vmin.f32 v43, $1.000000000e+00  }
0x37b: {  	vm14 =	veq.s32 v0, v23;
	v0 =	vsub.f32 v15, v53;
	v25 =	vsel vm15, $0x0, v13  }
0x37c: {  	v15 =	vsub.f32 v18, v58;
	v18 =	vand.u32 $0x7FFFFFFF, v28;
	v28 =	vand.u32 $0x7FFFFFFF, v57  }
0x37d: {  	v45 =	vmul.f32 v20, v24;
	v30 =	vmul.f32 v20, v34;
	v27 =	vmin.f32 v42, $1.000000000e+00  }
0x37e: {  	v24 =	vmin.f32 v41, $1.000000000e+00;
	v59 =	vmul.f32 $5.000000000e-01, v26;
	v23 =	vsel vm14, $0x0, v12  }
0x37f: {  	v36 =	vmul.f32 v14, v18;
	v18 =	vand.u32 $0x7FFFFFFF, v39;
	v39 =	vmul.f32 v17, v28  }
0x380: {  	v28 =	vmul.f32 v21, v55;
	v51 =	vmul.f32 v25, v16;
	v40 =	vmin.f32 v47, $1.000000000e+00  }
0x381: {  	v38 =	vmin.f32 v48, $1.000000000e+00;
	v35 =	vmin.f32 v29, $1.000000000e+00;
	v56 =	vmul.f32 $5.000000000e-01, v24  }
0x382: {  	v58 =	vmul.f32 $5.000000000e-01, v27;
	v15 =	vand.u32 $0x7FFFFFFF, v15;
	v0 =	vand.u32 $0x7FFFFFFF, v0  }
0x383: {  	v49 =	vmul.f32 v23, v18;
	v33 =	vmin.f32 v45, $1.000000000e+00;
	v63 =	vmul.f32 $5.000000000e-01, v40  }
0x384: {  	[tilespmem:$0x1FF60] =	vst v30;
	v30 =	vmin.f32 v30, $1.000000000e+00;
	v46 =	vmul.f32 v23, v0;
	v50 =	vmul.f32 v25, v15  }
0x385: {  	v18 =	vmin.f32 v39, $1.000000000e+00;
	v16 =	vmin.f32 v36, $1.000000000e+00;
	v15 =	vmin.f32 v37, $1.000000000e+00  }
0x386: {  	v34 =	vmin.f32 v28, $1.000000000e+00;
	v60 =	vmin.f32 v51, $1.000000000e+00;
	v61 =	vmul.f32 $5.000000000e-01, v33  }
0x387: {  	v62 =	vmul.f32 $5.000000000e-01, v30;
	v52 =	vmin.f32 v49, $1.000000000e+00;
	v31 =	vmul.f32 $5.000000000e-01, v16  }
0x388: {  	v53 =	vmul.f32 $5.000000000e-01, v15;
	v55 =	vmul.f32 $5.000000000e-01, v18;
	v57 =	vmin.f32 v50, $1.000000000e+00  }
0x389: {  	v54 =	vmin.f32 v46, $1.000000000e+00;
	v32 =	vsub.f32 v36, v31;
	v0 =	vmul.f32 $5.000000000e-01, v57  }
0x38a: {  	v36 =	vsub.f32 v39, v55;
	v31 =	vsub.f32 v37, v53;
	v53 =	vmul.f32 $5.000000000e-01, v60  }
0x38b: {  	v39 =	vsub.f32 v42, v58;
	v37 =	vsub.f32 v41, v56;
	v55 =	vmul.f32 $5.000000000e-01, v52  }
0x38c: {  	v42 =	vsub.f32 v45, v61;
	v41 =	vsub.f32 v43, v59;
	v58 =	vmul.f32 $5.000000000e-01, v54;
	v61 =	vld [tilespmem:$0x1FF60]  }
0x38d: {  	v44 =	vmul.f32 $5.000000000e-01, v34;
	v0 =	vsub.f32 v50, v0;
	v56 =	vsub.f32 v51, v53  }
0x38e: {  	v59 =	vmul.f32 $5.000000000e-01, v38;
	v49 =	vsub.f32 v49, v55;
	v50 =	vsub.f32 v46, v58  }
0x38f: {  	v46 =	vsub.f32 v47, v63;
	v0 =	vmul.f32 v0, v57;
	v53 =	vmul.f32 v56, v60  }
0x390: {  	v45 =	vsub.f32 v48, v59;
	v47 =	vmul.f32 $5.000000000e-01, v35;
	v49 =	vmul.f32 v49, v52  }
0x391: {  	s20 =	sadd.s32 $0x1000, s23;
	s19 =	simm.s32 $0x0;
	v50 =	vmul.f32 v50, v54;
	v43 =	vsub.f32 v61, v62;
	v48 =	vadd.f32 v53, v0  }
.LBB2_14:
0x392: {  	v3 =	vadd.f32 v25, v3;
	v2 =	vadd.f32 v13, v2  }
0x393: {  	v0 =	vmul.f32 v46, v40;
	v28 =	vsub.f32 v28, v44;
	v29 =	vsub.f32 v29, v47  }
0x394: {  	v4 =	vadd.f32 v48, v4;
	v58 =	vadd.f32 v50, v49;
	v38 =	vmul.f32 v45, v38  }
0x395: {  	v3 =	vadd.f32 v23, v3;
	v2 =	vadd.f32 v12, v2;
	v13 =	vmul.f32 v28, v34  }
0x396: {  	s21 =	sshra.s32 s20, $0x2;
	v4 =	vadd.f32 v58, v4;
	v0 =	vadd.f32 v38, v0;
	v28 =	vmul.f32 v29, v35  }
0x397: {  	v60 =	vlaneseq.u32;
	v38 =	vld [tilespmem:s21+$0x15420];
	v3 =	vadd.f32 v22, v3;
	v2 =	vadd.f32 v11, v2  }
0x398: {  	v57 =	vld [tilespmem:s21+$0x1A470];
	v12 =	vmul.f32 v42, v33;
	v0 =	vadd.f32 v0, v4;
	v4 =	vadd.f32 v28, v13  }
0x399: {  	v11 =	vmul.f32 v39, v27;
	v27 =	vld [tilespmem:s21+$0x15440];
	v13 =	vmul.f32 v43, v30;
	v3 =	vadd.f32 v21, v3  }
0x39a: {  	v59 =	vld [tilespmem:s21+$0x16870];
	v2 =	vadd.f32 v10, v2;
	v10 =	vmul.f32 v36, v18;
	v0 =	vadd.f32 v4, v0  }
0x39b: {  	v25 =	vld [tilespmem:s21+$0x17C70];
	v4 =	vadd.f32 v13, v12;
	v12 =	vmul.f32 v41, v26;
	v3 =	vadd.f32 v20, v3  }
0x39c: {  	v62 =	vld [tilespmem:s21+$0x14070];
	v2 =	vadd.f32 v9, v2;
	v9 =	vmul.f32 v32, v16;
	v56 =	vmul.f32 $1.000000000e+01, v38  }
0x39d: {  	s18 =	sadd.s32 $0x80, s18;
	v44 =	vld [tilespmem:s21+$0x14030];
	v0 =	vadd.f32 v4, v0;
	v4 =	vadd.f32 v12, v11;
	v11 =	vmul.f32 v37, v24  }
0x39e: {  	s13 =	sadd.s32 $0xFFFFFFF0, s18;
	v29 =	vld [tilespmem:s21+$0x1A460];
	v55 =	vmul.f32 $1.000000000e+01, v27;
	v3 =	vadd.f32 v19, v3;
	v2 =	vadd.f32 v8, v2  }
0x39f: {  	v18 =	vld [tilespmem:s21+$0x1A400];
	v8 =	vor.u32 s13, v60;
	v47 =	vadd.f32 v56, v5;
	v56 =	vimm.s32 $0x0  }
0x3a0: {  	v20 =	vld [tilespmem:s21+$0x15460];
	v0 =	vadd.f32 v4, v0;
	v4 =	vadd.f32 v11, v10;
	v10 =	vmul.f32 v31, v15  }
0x3a1: {  	v32 =	vld [tilespmem:s21+$0x15430];
	v15 =	vor.u32 s18, v60;
	v31 =	vcvt.s32.f32 v8;
	v46 =	vadd.f32 v55, v5  }
0x3a2: {  	s14 =	sadd.s32 $0xFFFFFFD0, s18;
	v12 =	vld [tilespmem:s21+$0x1A430];
	v55 =	vimm.s32 $0x0;
	v21 =	vcvt.s32.f32 v15;
	v3 =	vadd.f32 v17, v3  }
0x3a3: {  	v13 =	vld [tilespmem:s21+$0x1A440];
	v2 =	vadd.f32 v7, v2;
	v7 =	vor.u32 s14, v60;
	v15 =	vsub.f32 v62, v59  }
0x3a4: {  	s22 =	sadd.s32 $0xFFFFFFE0, s18;
	v24 =	vld [tilespmem:s21+$0x15450];
	v59 =	vmul.f32 $1.000000000e+01, v44;
	v0 =	vadd.f32 v4, v0;
	v4 =	vadd.f32 v10, v9  }
0x3a5: {  	v22 =	vld [tilespmem:s21+$0x1A450];
	v9 =	vor.u32 s22, v60;
	v61 =	vcvt.s32.f32 v7;
	v53 =	vmul.f32 $1.000000000e+01, v20  }
0x3a6: {  	v39 =	vld [tilespmem:s21+$0x15410];
	v54 =	vmul.f32 $1.000000000e+01, v32;
	v33 =	vtrunc.f32 v46;
	v3 =	vadd.f32 v14, v3  }
0x3a7: {  	s25 =	sadd.s32 $0xFFFFFFB0, s18;
	v19 =	vld [tilespmem:s21+$0x15470];
	v2 =	vadd.f32 v6, v2;
	v30 =	vcvt.s32.f32 v9;
	v10 =	vcvt.s32.f32 v12  }
0x3a8: {  	v28 =	vld [tilespmem:s21+$0x17C60];
	s22 =	sadd.s32 $0xFFFFFFA0, s18;
	v6 =	vor.u32 s25, v60;
	v9 =	vcvt.s32.f32 v13;
	v13 =	vcvt.s32.f32 v18  }
0x3a9: {  	v11 =	vld [tilespmem:s21+$0x1A410];
	v8 =	vor.u32 s22, v60;
	v52 =	vmul.f32 $1.000000000e+01, v24;
	v33 =	vcvt.f32.s32 v33  }
0x3aa: {  	v16 =	vld [tilespmem:s21+$0x1A420];
	s13 =	sadd.s32 $0xFFFFFFC0, s18;
	v4 =	vadd.f32 v4, v0;
	v34 =	vcvt.s32.f32 v8;
	v35 =	vcvt.s32.f32 v6  }
0x3ab: {  	s25 =	sadd.s32 $0xFFFFFF90, s18;
	v0 =	vor.u32 s13, v60;
	v6 =	vcvt.s32.f32 v57;
	v8 =	vcvt.s32.f32 v22  }
0x3ac: {  	v7 =	vor.u32 s25, v60;
	v63 =	vmul.f32 $1.000000000e+01, v19;
	v57 =	vmul.f32 $1.000000000e+01, v39  }
0x3ad: {  	v23 =	vld [tilespmem:s21+$0x16860];
	v15 =	vand.u32 $0x7FFFFFFF, v15;
	v0 =	vcvt.s32.f32 v0;
	v37 =	vcvt.s32.f32 v7  }
0x3ae: {  	v14 =	vld [tilespmem:s21+$0x15400];
	v45 =	vadd.f32 v54, v5;
	v7 =	vcvt.s32.f32 v29;
	v12 =	vcvt.s32.f32 v11  }
0x3af: {  	v26 =	vld [tilespmem:s21+$0x16850];
	v11 =	vcvt.s32.f32 v16;
	v16 =	vsub.f32 v19, v25;
	v19 =	vsub.f32 v20, v28  }
0x3b0: {  	v22 =	vld [tilespmem:s21+$0x14060];
	v42 =	vadd.f32 v52, v5;
	vm10 =	vgt.s32 v33, $0x0;
	v40 =	vadd.f32 v63, v5  }
0x3b1: {  	v41 =	vld [tilespmem:s21+$0x14040];
	v48 =	vadd.f32 v57, v5;
	v43 =	vtrunc.f32 v45;
	v33 =	vnsel vm10, $0x0, v33  }
0x3b2: {  	v29 =	vld [tilespmem:s21+$0x14050];
	v42 =	vtrunc.f32 v42;
	v0 =	vadd.f32 v0, v59;
	v43 =	vcvt.f32.s32 v43  }
0x3b3: {  	v25 =	vld [tilespmem:s21+$0x14020];
	v33 =	vmin.u32 v33, $0x27F;
	v16 =	vand.u32 $0x7FFFFFFF, v16;
	v28 =	vmul.f32 $1.000000000e+01, v14  }
0x3b4: {  	v52 =	vld [tilespmem:s21+$0x16820];
	v40 =	vtrunc.f32 v40;
	v42 =	vcvt.f32.s32 v42;
	v33 =	vmul.u32 $0x50, v33  }
0x3b5: {  	v36 =	vld [tilespmem:s21+$0x14010];
	v17 =	vsub.f32 v22, v23;
	v23 =	vmul.f32 $1.000000000e+01, v62;
	v22 =	vmul.f32 $1.000000000e+01, v22  }
0x3b6: {  	v20 =	vld [tilespmem:s21+$0x14000];
	v0 =	vtrunc.f32 v0;
	v40 =	vcvt.f32.s32 v40;
	vm12 =	vgt.s32 v43, $0x0  }
0x3b7: {  	v58 =	vmul.f32 $1.000000000e+01, v29;
	v18 =	vsub.f32 v29, v26;
	v26 =	vmul.f32 $1.000000000e+01, v41  }
0x3b8: {  	v29 =	vadd.f32 v53, v5;
	v60 =	vmul.f32 $1.000000000e+01, v25;
	v28 =	vadd.f32 v28, v5  }
0x3b9: {  	v25 =	vsub.f32 v25, v52;
	v0 =	vcvt.f32.s32 v0;
	vm11 =	vgt.s32 v42, $0x0  }
0x3ba: {  	v43 =	vnsel vm12, $0x0, v43;
	v21 =	vadd.f32 v21, v23;
	v23 =	vmul.f32 $1.000000000e+01, v36  }
0x3bb: {  	v22 =	vadd.f32 v31, v22;
	v31 =	vmul.f32 $1.000000000e+01, v20;
	vm9 =	vgt.s32 v40, $0x0  }
0x3bc: {  	v42 =	vnsel vm11, $0x0, v42;
	v43 =	vmin.u32 v43, $0x27F;
	v30 =	vadd.f32 v30, v58  }
0x3bd: {  	v29 =	vtrunc.f32 v29;
	v26 =	vadd.f32 v61, v26;
	v58 =	vtrunc.f32 v48  }
0x3be: {  	v28 =	vtrunc.f32 v28;
	vm15 =	vlt.s32 v0, $0x1;
	vm1 =	vgt.s32 v0, $0x0  }
0x3bf: {  	v40 =	vnsel vm9, $0x0, v40;
	v42 =	vmin.u32 v42, $0x27F;
	v43 =	vmul.u32 $0x50, v43  }
0x3c0: {  	v18 =	vand.u32 $0x7FFFFFFF, v18;
	v25 =	vand.u32 $0x7FFFFFFF, v25;
	v49 =	vtrunc.f32 v21  }
0x3c1: {  	v54 =	vld [tilespmem:s21+$0x17C20];
	v21 =	vadd.f32 v35, v60;
	v35 =	vtrunc.f32 v47;
	v57 =	vtrunc.f32 v22  }
0x3c2: {  	v63 =	vld [tilespmem:s21+$0x17C40];
	v22 =	vadd.f32 v34, v23;
	v23 =	vadd.f32 v37, v31;
	v45 =	vcvt.f32.s32 v29  }
0x3c3: {  	v34 =	vcvt.f32.s32 v58;
	v58 =	vimm.s32 $0x0;
	v0 =	vnsel vm1, $0x0, v0  }
0x3c4: {  	v59 =	vld [tilespmem:s21+$0x16830];
	v40 =	vmin.u32 v40, $0x27F;
	v30 =	vtrunc.f32 v30;
	v60 =	vtrunc.f32 v26  }
0x3c5: {  	v61 =	vld [tilespmem:s21+$0x17C50];
	v48 =	vcvt.f32.s32 v57;
	v57 =	vimm.s32 $0x0;
	v0 =	vmin.u32 v0, $0x27F  }
0x3c6: {  	v62 =	vld [tilespmem:s21+$0x16840];
	v40 =	vmul.u32 $0x50, v40;
	v51 =	vtrunc.f32 v21;
	v53 =	vtrunc.f32 v22  }
0x3c7: {  	v22 =	vsub.f32 v27, v63;
	v27 =	vsub.f32 v38, v54;
	v30 =	vcvt.f32.s32 v30  }
0x3c8: {  	v50 =	vcvt.f32.s32 v60;
	vm8 =	vgt.s32 v45, $0x0;
	v60 =	vimm.s32 $0x0  }
0x3c9: {  	v31 =	vld [tilespmem:s21+$0x17C30];
	v51 =	vcvt.f32.s32 v51;
	v54 =	vcvt.f32.s32 v53;
	vm0 =	vlt.s32 v48, $0x1  }
0x3ca: {  	v53 =	vmulhi.u32 $0x3333334, v0;
	v21 =	vsub.f32 v24, v61;
	v61 =	vtrunc.f32 v23  }
0x3cb: {  	v23 =	vsub.f32 v41, v62;
	v24 =	vsub.f32 v44, v59;
	v44 =	vsel vm0, $0xFFFFFFFF, v55  }
0x3cc: {  	v63 =	vld [tilespmem:s21+$0x17C10];
	vm14 =	vlt.s32 v30, $0x1;
	vm4 =	vlt.s32 v50, $0x1;
	v59 =	vimm.s32 $0x0  }
0x3cd: {  	vm0 =	vgt.s32 v30, $0x0;
	vm2 =	vgt.s32 v50, $0x0;
	v22 =	vand.u32 $0x7FFFFFFF, v22  }
0x3ce: {  	v26 =	vsub.f32 v32, v31;
	v31 =	vcvt.f32.s32 v49;
	v32 =	vcvt.f32.s32 v35  }
0x3cf: {  	v62 =	vld [tilespmem:s21+$0x16810];
	v27 =	vand.u32 $0x7FFFFFFF, v27;
	v49 =	vcvt.f32.s32 v28;
	v52 =	vcvt.f32.s32 v61  }
0x3d0: {  	vm5 =	vlt.s32 v51, $0x1;
	vm6 =	vlt.s32 v54, $0x1;
	v30 =	vnsel vm0, $0x0, v30  }
0x3d1: {  	v61 =	vimm.s32 $0x0;
	v46 =	vmin.u32 v30, $0x27F;
	v28 =	vsub.f32 v39, v63  }
0x3d2: {  	vm13 =	vlt.s32 v31, $0x1;
	vm7 =	vlt.s32 v52, $0x1;
	vm3 =	vgt.s32 v52, $0x0  }
0x3d3: {  	[tilespmem:$0x1FEF0] =	vst v44;
	v63 =	vnsel vm8, $0x0, v45;
	v44 =	vsel vm13, $0xFFFFFFFF, v56;
	vm13 =	vgt.s32 v32, $0x0  }
0x3d4: {  	v39 =	vnsel vm3, $0x0, v52;
	v29 =	vsub.f32 v36, v62;
	[tilespmem:$0x1FF00] =	vst v44;
	v44 =	vsel vm14, $0xFFFFFFFF, v57  }
0x3d5: {  	vm14 =	vgt.s32 v31, $0x0;
	v62 =	vimm.s32 $0x0;
	v32 =	vnsel vm13, $0x0, v32  }
0x3d6: {  	v36 =	vnsel vm2, $0x0, v50;
	v30 =	vmin.u32 v39, $0x27F;
	v50 =	vsub.s32 $0x0, v46  }
0x3d7: {  	[tilespmem:$0x1FEE0] =	vst v44;
	v44 =	vsel vm15, $0xFFFFFFFF, v58;
	vm15 =	vgt.s32 v34, $0x0;
	v31 =	vnsel vm14, $0x0, v31  }
0x3d8: {  	v32 =	vmin.u32 v32, $0x27F;
	v36 =	vmin.u32 v36, $0x27F;
	v57 =	vsub.s32 $0x0, v30  }
0x3d9: {  	v50 =	vand.u32 $0xFFFF, v50;
	[tilespmem:$0x1FF20] =	vst v44;
	v44 =	vsel vm4, $0xFFFFFFFF, v59;
	vm4 =	vgt.s32 v54, $0x0  }
0x3da: {  	v34 =	vnsel vm15, $0x0, v34;
	v45 =	vmin.u32 v31, $0x27F;
	v32 =	vmul.u32 $0x50, v32  }
0x3db: {  	v52 =	vsub.s32 $0x0, v36;
	v57 =	vand.u32 $0xFFFF, v57;
	v33 =	vadd.s32 v36, v33  }
0x3dc: {  	[tilespmem:$0x1FF30] =	vst v44;
	v44 =	vsel vm5, $0xFFFFFFFF, v60;
	vm5 =	vgt.s32 v49, $0x0;
	v41 =	vnsel vm4, $0x0, v54  }
0x3dd: {  	v34 =	vmin.u32 v34, $0x27F;
	v54 =	vsub.s32 $0x0, v0;
	v60 =	vmulhi.u32 $0x3333334, v30  }
0x3de: {  	v52 =	vand.u32 $0xFFFF, v52;
	v0 =	vadd.s32 v0, v43;
	[tilespmem:$0x1FF10] =	vst v44;
	v44 =	vsel vm6, $0xFFFFFFFF, v61  }
0x3df: {  	v31 =	vmin.u32 v41, $0x27F;
	v41 =	vmul.u32 $0x50, v42;
	v42 =	vmulhi.u32 $0x3333334, v45  }
0x3e0: {  	vm6 =	vgt.s32 v48, $0x0;
	v38 =	vnsel vm5, $0x0, v49;
	v49 =	vmulhi.u32 $0x3333334, v46  }
0x3e1: {  	v34 =	vmul.u32 $0x50, v34;
	v54 =	vand.u32 $0xFFFF, v54;
	[tilespmem:$0x1FF50] =	vst v44;
	v44 =	vsel vm7, $0xFFFFFFFF, v62  }
0x3e2: {  	vm7 =	vgt.s32 v51, $0x0;
	v35 =	vnsel vm6, $0x0, v48;
	v38 =	vmin.u32 v38, $0x27F  }
0x3e3: {  	v58 =	vmulhi.u32 $0x3333334, v31;
	v59 =	vsub.s32 $0x0, v31;
	v37 =	vnsel vm7, $0x0, v51  }
0x3e4: {  	[tilespmem:$0x1FF40] =	vst v44;
	v44 =	vmin.u32 v63, $0x27F;
	v35 =	vmin.u32 v35, $0x27F;
	v51 =	vmulhi.u32 $0x3333334, v36  }
0x3e5: {  	v41 =	vadd.s32 v46, v41;
	v37 =	vmin.u32 v37, $0x27F;
	v39 =	vmul.u32 $0x50, v44  }
0x3e6: {  	v44 =	vsub.s32 $0x0, v45;
	v47 =	vmulhi.u32 $0x3333334, v35;
	v48 =	vsub.s32 $0x0, v35  }
0x3e7: {  	v55 =	vmulhi.u32 $0x3333334, v37;
	v56 =	vsub.s32 $0x0, v37;
	v46 =	vmul.u32 $0xFFB0, v51  }
0x3e8: {  	v32 =	vadd.s32 v37, v32;
	v37 =	vmul.u32 $0xFFB0, v49;
	v35 =	vadd.s32 v35, v39  }
0x3e9: {  	v39 =	vadd.s32 v45, v40;
	v45 =	vmul.u32 $0xFFB0, v53;
	v46 =	vand.u32 $0xFFFF, v46  }
0x3ea: {  	v40 =	vmul.u32 $0xFFB0, v47;
	v37 =	vand.u32 $0xFFFF, v37;
	vm3 =	vne.s32 v46, v52;
	v46 =	vld [tilespmem:$0x1FEF0]  }
0x3eb: {  	v61 =	vmul.u32 $0xFFB0, v60;
	v45 =	vand.u32 $0xFFFF, v45;
	vm15 =	vne.s32 v37, v50;
	v50 =	vld [tilespmem:$0x1FF10]  }
0x3ec: {  	v48 =	vand.u32 $0xFFFF, v48;
	v40 =	vand.u32 $0xFFFF, v40;
	vm2 =	vne.s32 v45, v54;
	v45 =	vld [tilespmem:$0x1FEE0]  }
0x3ed: {  	v38 =	vmul.u32 $0x50, v38;
	v43 =	vmul.u32 $0xFFB0, v55;
	vm14 =	vne.s32 v40, v48;
	v48 =	vld [tilespmem:$0x1FF00]  }
0x3ee: {  	v59 =	vand.u32 $0xFFFF, v59;
	v36 =	vmul.u32 $0xFFB0, v42;
	v62 =	vmul.u32 $0xFFB0, v58;
	v54 =	vld [tilespmem:$0x1FF30]  }
0x3ef: {  	v61 =	vand.u32 $0xFFFF, v61;
	v56 =	vand.u32 $0xFFFF, v56;
	v52 =	vld [tilespmem:$0x1FF20];
	v43 =	vand.u32 $0xFFFF, v43  }
0x3f0: {  	v44 =	vand.u32 $0xFFFF, v44;
	v36 =	vand.u32 $0xFFFF, v36;
	vm7 =	vne.s32 v43, v56;
	v56 =	vld [tilespmem:$0x1FF40]  }
0x3f1: {  	vm5 =	vne.s32 v61, v57;
	v62 =	vand.u32 $0xFFFF, v62;
	vm1 =	vne.s32 v36, v44  }
0x3f2: {  	v57 =	vld [tilespmem:$0x1FF50];
	vm6 =	vne.s32 v62, v59;
	vm13 =	vnez.u8 v46;
	vm12 =	vnez.u8 v45  }
0x3f3: {  	vm0 =	vmand vm13, vm14;
	vm14 =	vnez.u8 v48;
	vm13 =	vnez.u8 v54  }
0x3f4: {  	vm4 =	vmand vm12, vm15;
	vm1 =	vmand vm14, vm1;
	vm15 =	vnez.u8 v50  }
0x3f5: {  	vm12 =	vnez.u8 v52;
	vm3 =	vmand vm13, vm3;
	vm14 =	vnez.u8 v56  }
0x3f6: {  	v50 =	vsel vm0, $0xFFFFFFFF, v1;
	vm7 =	vmand vm15, vm7;
	vm2 =	vmand vm12, vm2  }
0x3f7: {  	vm5 =	vmand vm14, vm5;
	vm15 =	vnez.u8 v57;
	v59 =	vsel vm1, $0xFFFFFFFF, v1  }
0x3f8: {  	v61 =	vsel vm3, $0xFFFFFFFF, v1;
	v48 =	vsel vm4, $0xFFFFFFFF, v1;
	v43 =	vadd.s32 v47, v50  }
0x3f9: {  	vm6 =	vmand vm15, vm6;
	v52 =	vsel vm7, $0xFFFFFFFF, v1;
	v62 =	vsel vm2, $0xFFFFFFFF, v1  }
0x3fa: {  	v36 =	vadd.s32 v42, v59;
	v56 =	vsel vm5, $0xFFFFFFFF, v1;
	v57 =	vmul.u32 $0xFFFFFFB0, v43  }
0x3fb: {  	v40 =	vadd.s32 v49, v48;
	v37 =	vadd.s32 v51, v61;
	v54 =	vmul.u32 $0xFFFFFFB0, v36  }
0x3fc: {  	v46 =	vld [tilespmem:s21+$0x16800];
	v63 =	vsel vm6, $0xFFFFFFFF, v1;
	v49 =	vmul.u32 $0xFFFFFFB0, v40;
	v35 =	vadd.s32 v57, v35  }
0x3fd: {  	v50 =	vld [tilespmem:s21+$0x19070];
	v45 =	vadd.s32 v53, v62;
	v59 =	vmul.u32 $0xFFFFFFB0, v37;
	v39 =	vadd.s32 v54, v39  }
0x3fe: {  	v61 =	vld [tilespmem:s21+$0x17C00];
	v44 =	vadd.s32 v55, v52;
	v62 =	vmul.u32 $0xFFFFFFB0, v45;
	v41 =	vadd.s32 v49, v41  }
0x3ff: {  	v51 =	vld [tilespmem:s21+$0x19060];
	v42 =	vadd.s32 v58, v63;
	v63 =	vmul.u32 $0xFFFFFFB0, v44;
	v33 =	vadd.s32 v59, v33  }
0x400: {  	v47 =	vadd.s32 v60, v56;
	v52 =	vld [tilespmem:s21+$0x19040];
	v56 =	vmul.u32 $0xFFFFFFB0, v42;
	v0 =	vadd.s32 v62, v0  }
0x401: {  	v31 =	vadd.s32 v31, v34;
	v57 =	vmul.u32 $0xFFFFFFB0, v47;
	v32 =	vadd.s32 v63, v32;
	v35 =	vld.idx.msk [tilespmem:v35+s8+$0x0], $0xffff  }
0x402: {  	v23 =	vand.u32 $0x7FFFFFFF, v23;
	v30 =	vadd.s32 v30, v38;
	v31 =	vadd.s32 v56, v31;
	v58 =	vld.idx.msk [tilespmem:v39+s8+$0x0], $0xffff  }
0x403: {  	v21 =	vand.u32 $0x7FFFFFFF, v21;
	v24 =	vand.u32 $0x7FFFFFFF, v24;
	v30 =	vadd.s32 v57, v30;
	v59 =	vld.idx.msk [tilespmem:v41+s8+$0x0], $0xffff  }
0x404: {  	v26 =	vand.u32 $0x7FFFFFFF, v26;
	v20 =	vsub.f32 v20, v46;
	v60 =	vand.u32 $0x7FFFFFFF, v17;
	v33 =	vld.idx.msk [tilespmem:v33+s8+$0x0], $0xffff  }
0x405: {  	v36 =	vshll.u32 v36, $0x2;
	v37 =	vshll.u32 v37, $0x2;
	v48 =	vshll.u32 v44, $0x2;
	v0 =	vld.idx.msk [tilespmem:v0+s8+$0x0], $0xffff  }
0x406: {  	v53 =	vshll.u32 v47, $0x2;
	v49 =	vshll.u32 v45, $0x2;
	v14 =	vsub.f32 v14, v61;
	v17 =	vld.idx.msk [tilespmem:v32+s8+$0x0], $0xffff  }
0x407: {  	v42 =	vshll.u32 v42, $0x2;
	v63 =	vand.u32 $0x7FFFFFFF, v28;
	v61 =	vand.u32 $0x7FFFFFFF, v19;
	v19 =	vld.idx.msk [tilespmem:v31+s8+$0x0], $0xffff  }
0x408: {  	v28 =	vshll.u32 v43, $0x2;
	v62 =	vand.u32 $0x7FFFFFFF, v14;
	v31 =	vand.u32 $0x7FFFFFFF, v29;
	v29 =	vld.idx.msk [tilespmem:v30+s8+$0x0], $0xffff  }
0x409: {  	v14 =	vshll.u32 v40, $0x2;
	v30 =	vand.u32 $0x7FFFFFFF, v20;
	v20 =	vld [tilespmem:s21+$0x19050];
	v28 =	vshrl.u32 v35, v28  }
0x40a: {  	v55 =	vld [tilespmem:s21+$0x19020];
	v34 =	vshrl.u32 v58, v36;
	v33 =	vshrl.u32 v33, v37;
	v14 =	vshrl.u32 v59, v14  }
0x40b: {  	v54 =	vld [tilespmem:s21+$0x19030];
	v28 =	vand.u32 $0xF, v28;
	v17 =	vshrl.u32 v17, v48;
	v0 =	vshrl.u32 v0, v49  }
0x40c: {  	v34 =	vand.u32 $0xF, v34;
	v33 =	vand.u32 $0xF, v33;
	v14 =	vand.u32 $0xF, v14  }
0x40d: {  	v57 =	vld [tilespmem:s21+$0x19000];
	vm9 =	veq.s32 v51, v28;
	v19 =	vshrl.u32 v19, v42;
	v29 =	vshrl.u32 v29, v53  }
0x40e: {  	v56 =	vld [tilespmem:s21+$0x19010];
	v0 =	vand.u32 $0xF, v0;
	v17 =	vand.u32 $0xF, v17;
	vm0 =	veq.s32 v20, v14  }
0x40f: {  	vm10 =	veq.s32 v50, v34;
	vm13 =	veq.s32 v52, v33;
	v29 =	vand.u32 $0xF, v29  }
0x410: {  	v19 =	vand.u32 $0xF, v19;
	vm11 =	veq.s32 v55, v17;
	vm12 =	veq.s32 v54, v0  }
0x411: {  	v14 =	vsel vm10, $0x0, v6;
	v17 =	vsel vm9, $0x0, v7;
	v20 =	vsel vm13, $0x0, v9  }
0x412: {  	vm14 =	veq.s32 v57, v29;
	v0 =	vmul.f32 v14, v15;
	v37 =	vmul.f32 v14, v16  }
0x413: {  	vm15 =	veq.s32 v56, v19;
	v36 =	vmul.f32 v17, v60;
	v41 =	vmul.f32 v17, v61  }
0x414: {  	v19 =	vsel vm0, $0x0, v8;
	v42 =	vmul.f32 v20, v23;
	v45 =	vmul.f32 v20, v22  }
0x415: {  	v22 =	vsel vm11, $0x0, v11;
	v39 =	vmul.f32 v19, v18;
	v43 =	vmul.f32 v19, v21  }
0x416: {  	v21 =	vsel vm12, $0x0, v10;
	v47 =	vmul.f32 v22, v25;
	v48 =	vmul.f32 v22, v27  }
0x417: {  	v23 =	vsel vm15, $0x0, v12;
	v28 =	vmul.f32 v21, v24;
	v29 =	vmul.f32 v21, v26  }
0x418: {  	v25 =	vsel vm14, $0x0, v13;
	v49 =	vmul.f32 v23, v31;
	v46 =	vmul.f32 v23, v63  }
0x419: {  	v50 =	vmul.f32 v25, v30;
	v51 =	vmul.f32 v25, v62  }
0x41a: {  	v18 =	vmin.f32 v36, $1.000000000e+00;
	v16 =	vmin.f32 v0, $1.000000000e+00;
	v15 =	vmin.f32 v37, $1.000000000e+00  }
0x41b: {  	v24 =	vmin.f32 v41, $1.000000000e+00;
	v33 =	vmin.f32 v42, $1.000000000e+00;
	v30 =	vmin.f32 v45, $1.000000000e+00  }
0x41c: {  	v27 =	vmin.f32 v39, $1.000000000e+00;
	v26 =	vmin.f32 v43, $1.000000000e+00;
	v31 =	vmul.f32 $5.000000000e-01, v16  }
0x41d: {  	v40 =	vmin.f32 v47, $1.000000000e+00;
	v53 =	vmul.f32 $5.000000000e-01, v15;
	v55 =	vmul.f32 $5.000000000e-01, v18  }
0x41e: {  	v38 =	vmin.f32 v48, $1.000000000e+00;
	v56 =	vmul.f32 $5.000000000e-01, v24;
	v61 =	vmul.f32 $5.000000000e-01, v33  }
0x41f: {  	v62 =	vmul.f32 $5.000000000e-01, v30;
	v34 =	vmin.f32 v28, $1.000000000e+00;
	v35 =	vmin.f32 v29, $1.000000000e+00  }
0x420: {  	v52 =	vmin.f32 v49, $1.000000000e+00;
	v54 =	vmin.f32 v46, $1.000000000e+00;
	v57 =	vmin.f32 v50, $1.000000000e+00  }
0x421: {  	v58 =	vmul.f32 $5.000000000e-01, v27;
	v59 =	vmul.f32 $5.000000000e-01, v26;
	v60 =	vmin.f32 v51, $1.000000000e+00  }
0x422: {  	v63 =	vmul.f32 $5.000000000e-01, v40;
	v44 =	vmul.f32 $5.000000000e-01, v34;
	v32 =	vsub.f32 v0, v31  }
0x423: {  	v0 =	vmul.f32 $5.000000000e-01, v57;
	v36 =	vsub.f32 v36, v55;
	v31 =	vsub.f32 v37, v53  }
0x424: {  	s19 =	sadd.s32 $0x8, s19;
	v53 =	vmul.f32 $5.000000000e-01, v60;
	v37 =	vsub.f32 v41, v56;
	v42 =	vsub.f32 v42, v61  }
0x425: {  	p0 =	slt.u32 s19, $0x20;
	v55 =	vmul.f32 $5.000000000e-01, v52;
	v39 =	vsub.f32 v39, v58;
	v41 =	vsub.f32 v43, v59  }
.Ltmp5:
0x426: {  	v59 =	vmul.f32 $5.000000000e-01, v54;
	v0 =	vsub.f32 v50, v0;
	v58 =	vsub.f32 v51, v53;
	(pc) =	sbr.rel @p0 .LBB2_14-.Ltmp5, $4  }
0x427: {  	v61 =	vmul.f32 $5.000000000e-01, v38;
	v43 =	vsub.f32 v45, v62;
	v49 =	vsub.f32 v49, v55  }
0x428: {  	v51 =	vsub.f32 v46, v59;
	v0 =	vmul.f32 v0, v57;
	v50 =	vmul.f32 v58, v60  }
0x429: {  	v45 =	vsub.f32 v48, v61;
	v46 =	vsub.f32 v47, v63;
	v47 =	vmul.f32 $5.000000000e-01, v35  }
0x42a: {  	s20 =	sadd.s32 $0x1000, s20;
	v49 =	vmul.f32 v49, v52;
	v48 =	vadd.f32 v50, v0;
	v50 =	vmul.f32 v51, v54  }
0x42b: {  	v5 =	vsub.f32 v28, v44;
	v57 =	vsub.f32 v29, v47  }
0x42c: {  	v0 =	vmul.f32 v46, v40;
	v3 =	vadd.f32 v25, v3;
	v2 =	vadd.f32 v13, v2  }
0x42d: {  	v38 =	vmul.f32 v45, v38;
	v4 =	vadd.f32 v48, v4;
	v58 =	vadd.f32 v50, v49  }
0x42e: {  	v5 =	vmul.f32 v5, v34;
	v3 =	vadd.f32 v23, v3;
	v2 =	vadd.f32 v12, v2  }
0x42f: {  	v0 =	vadd.f32 v38, v0;
	v59 =	vmul.f32 v57, v35;
	v4 =	vadd.f32 v58, v4  }
0x430: {  	v60 =	vmul.f32 v42, v33;
	v3 =	vadd.f32 v22, v3;
	v2 =	vadd.f32 v11, v2  }
0x431: {  	v0 =	vadd.f32 v0, v4;
	v4 =	vadd.f32 v59, v5;
	v5 =	vmul.f32 v43, v30  }
0x432: {  	v61 =	vmul.f32 v39, v27;
	v3 =	vadd.f32 v21, v3;
	v2 =	vadd.f32 v10, v2  }
0x433: {  	v0 =	vadd.f32 v4, v0;
	v4 =	vadd.f32 v5, v60;
	v5 =	vmul.f32 v41, v26  }
0x434: {  	v62 =	vmul.f32 v36, v18;
	v3 =	vadd.f32 v20, v3;
	v2 =	vadd.f32 v9, v2  }
0x435: {  	s12 =	sadd.s32 $0x1, s12;
	v0 =	vadd.f32 v4, v0;
	v4 =	vadd.f32 v5, v61;
	v5 =	vmul.f32 v37, v24  }
0x436: {  	v63 =	vmul.f32 v32, v16;
	p0 =	sne.s32 s12, $0x8;
	v3 =	vadd.f32 v19, v3;
	v2 =	vadd.f32 v8, v2  }
.Ltmp6:
0x437: {  	v0 =	vadd.f32 v4, v0;
	v4 =	vadd.f32 v5, v62;
	v5 =	vmul.f32 v31, v15;
	(pc) =	sbr.rel @p0 .LBB2_13-.Ltmp6, $4  }
0x438: {  	v3 =	vadd.f32 v17, v3;
	v2 =	vadd.f32 v7, v2  }
0x439: {  	v0 =	vadd.f32 v4, v0;
	v4 =	vadd.f32 v5, v63  }
0x43a: {  	v3 =	vadd.f32 v14, v3;
	v2 =	vadd.f32 v6, v2  }
0x43b: {  	s23 =	sadd.s32 $0x200, s23;
	v18 =	vlaneseq.u32;
	v4 =	vadd.f32 v4, v0  }
0x43c: {  	s29 =	sadd.s32 $0x1, s29  }
0x43d: {  	p0 =	sne.s32 s29, $0x14  }
.Ltmp7:
0x43e: {  	_ = 	snop;
	(pc) =	sbr.rel @p0 .LBB2_8-.Ltmp7, $1  }
0x43f: {  	_ =	sdelay $0x3  }
0x440: {  	_ =	swait.ge [sflag:s10], $0x1400  }
0x441: {  	[sflag:s10] =	ssyncset.done $0x0  }
0x442: {  	[sflag:s10] =	ssyncadd.s32 $0xFFFFEC00  }
0x443: {  	_ =	swait.ge [sflag:s10], $0x1400  }
0x444: {  	[sflag:s10] =	ssyncset.done $0x0  }
0x445: {  	[sflag:s10] =	ssyncadd.s32 $0xFFFFEC00  }
0x446: {  	_ =	swait.ge [sflag:s10], $0x1400  }
0x447: {  	[sflag:s10] =	ssyncset.done $0x0  }
0x448: {  	[sflag:s10] =	ssyncadd.s32 $0xFFFFEC00  }
0x449: {  	_ =	swait.ge [sflag:s10], $0x1400  }
0x44a: {  	[sflag:s10] =	ssyncset.done $0x0  }
0x44b: {  	[sflag:s10] =	ssyncadd.s32 $0xFFFFEC00  }
0x44c: {  	_ =	swait.ge [sflag:s10], $0x1400  }
0x44d: {  	[sflag:s10] =	ssyncset.done $0x0  }
0x44e: {  	[sflag:s10] =	ssyncadd.s32 $0xFFFFEC00  }
0x44f: {  	_ =	swait.ge [sflag:s10], $0x1400  }
0x450: {  	[sflag:s10] =	ssyncset.done $0x0  }
0x451: {  	[sflag:s10] =	ssyncadd.s32 $0xFFFFEC00  }
0x452: {  	[tilespmem:$0x1B800] =	vst v4  }
0x453: {  	[tilespmem:$0x1B810] =	vst v3  }
0x454: {  	s13 =	simm.s32 $0x1B800;
	s29 =	simm.s32 $0x3;
	s12 =	rddreg [dreg:$0xb];
	[tilespmem:$0x1B820] =	vst v2  }
0x455: {  	[hbm4b:s12+s8] =	stream.linear.scatter [tilespmem:s13], [sflag:$0x3], $0x30, $0x38;
	[tilespmem:$0x1B880] =	vst v63  }
0x456: {  	_ =	swait.ge [sflag:s29], $0x30  }
0x457: {  	s14 =	rddreg [dreg:$0x19]  }
0x458: {  	s30 =	rddreg [dreg:$0x15];
	s14 =	sadd.s32 $0x1, s14  }
0x459: {  	p0 =	sne.s32 s14, s30  }
.Ltmp8:
0x45a: {  	_ = 	snop;
	(pc) =	sbr.rel @p0 .LBB2_1-.Ltmp8, $3  }
0x45b: {  	_ =	sdelay $0x1  }
0x45c: {  	[sflag:s29] =	ssyncset.done $0x0  }
0x45d: {  	[sflag:s29] =	ssyncadd.s32 $0xFFFFFFD0  }
0x45e: {  	_ =	sfence.sel $0x180000  }
0x45f: {  	[bflag:$0x0] =	sbarrier.arrive $0xFFFF  }
0x460: {  	_ =	strace $0x90000047  }
0x461: {  	s0 =	stileid.u32;
	[bflag:$0x2] =	sbarrier.arrive $0xFFFF  }
0x462: {  	p0 =	sne.s32 s0, $0x0;
	s0 =	rddreg [dreg:$0x7]  }
0x463: {  	s0 =	sadd.s32 @!p0 $0x100000, s0  }
0x464: {  	[sflag:s0] =	ssyncadd.tile.s32 @!p0 $0x1;
	_ =	shalt  }
.Lfunc_end2:
_tile_overlayer_lowered:
.L_overlay_start_2:
0x465: {  	(tag) =	ssettag $0x2  }
0x466: {  	s0 =	rddreg [dreg:$0x0];
	s2 =	stileid.u32  }
0x467: {  	s1 =	rddreg [dreg:$0x1];
	p0 =	sne.s32 s2, $0x0  }
0x468: {  	s3 =	rddreg [dreg:$0x2];
	[bflag:$0x3] =	sbarrier.arrive $0xFFFF;
	s2 =	simm.s32 @!p0 $0x1C03  }
0x469: {  	[timem:s3], [sflag:s2] =	dma.local @!p0 [hbm:s0], s1  }
0x46a: {  	s0 =	simm.s32 @!p0 $0x3  }
0x46b: {  	_ =	swait.ge @!p0 [sflag:s0], s1  }
0x46c: {  	s1 =	ssub.s32 @!p0 $0x0, s1;
	[sflag:s0] =	ssyncset.done @!p0 $0x0  }
0x46d: {  	[sflag:s0] =	ssyncadd.s32 @!p0 s1  }
0x46e: {  	[bflag:$0x3] =	sbarrier.arrive $0xFFFF  }
0x46f: {  	_ =	shalt  }

</sc_bundles>
